<compile_context>
chip_gen: v7x
topology: tpu7x:2x2x1
jax: 0.10.2.dev20260603
libtpu: 0.0.44.dev20260713+nightly
codegen_flags: <defaults>
</compile_context>

<pallas_src>
import functools

import jax
import jax.numpy as jnp
from jax import lax
from jax.experimental import pallas as pl
from jax.experimental.pallas import tpu as pltpu
from jax.experimental.pallas import tpu_sc as plsc

_NB = 20
_BN = 512
_NP = _NB * _BN


def _elu(v):
    return jnp.where(v > 0, v, jnp.exp(jnp.minimum(v, 0.0)) - 1.0)


def _lrelu(v):
    return jnp.where(v >= 0, v, 0.2 * v)


def _stage_a(x, W1, as1v, ad1v, H, DH):
    D = H * DH

    def body(x_ref, w_ref, as_ref, ad_ref, h_ref, aa_ref, inf_ref, ind_ref):
        xb = x_ref[...]
        h = jnp.dot(xb, w_ref[...], preferred_element_type=jnp.float32)
        ts = h * as_ref[...]
        td = h * ad_ref[...]
        z1 = jnp.zeros((_BN, 4 - H), jnp.float32)
        acols = [jnp.sum(ts[:, hh * DH:(hh + 1) * DH], axis=1, keepdims=True)
                 for hh in range(H)]
        dcols = [jnp.sum(td[:, hh * DH:(hh + 1) * DH], axis=1, keepdims=True)
                 for hh in range(H)]
        a_s = jnp.concatenate(acols, axis=1)
        a_d = jnp.concatenate(dcols, axis=1)
        aa8 = jnp.concatenate([a_s, z1, a_d, z1], axis=1)
        exs = jnp.exp(_lrelu(a_s + a_d))
        wfull = jnp.concatenate(
            [jnp.broadcast_to(exs[:, hh:hh + 1], (_BN, DH)) for hh in range(H)], axis=1)
        h_ref[...] = h
        aa_ref[...] = aa8
        inf_ref[...] = h * wfull
        ind_ref[...] = jnp.concatenate(
            [exs, jnp.zeros((_BN, 8 - H), jnp.float32)], axis=1)

    return pl.pallas_call(
        body,
        grid=(_NB,),
        in_specs=[
            pl.BlockSpec((_BN, x.shape[1]), lambda i: (i, 0)),
            pl.BlockSpec(W1.shape, lambda i: (0, 0)),
            pl.BlockSpec((1, D), lambda i: (0, 0)),
            pl.BlockSpec((1, D), lambda i: (0, 0)),
        ],
        out_specs=[
            pl.BlockSpec((_BN, D), lambda i: (i, 0)),
            pl.BlockSpec((_BN, 8), lambda i: (i, 0)),
            pl.BlockSpec((_BN, D), lambda i: (i, 0)),
            pl.BlockSpec((_BN, 8), lambda i: (i, 0)),
        ],
        out_shape=[
            jax.ShapeDtypeStruct((_NP, D), jnp.float32),
            jax.ShapeDtypeStruct((_NP, 8), jnp.float32),
            jax.ShapeDtypeStruct((_NP, D), jnp.float32),
            jax.ShapeDtypeStruct((_NP, 8), jnp.float32),
        ],
    )(x, W1, as1v, ad1v)


def _edge_kernel(D, H, EP):
    DH = D // H
    ET = EP // 32
    CH = ET // 128
    RPT = _NP // 16
    mesh = plsc.VectorSubcoreMesh(core_axis_name="c", subcore_axis_name="s",
                                  num_cores=2, num_subcores=16)

    @functools.partial(
        pl.kernel, mesh=mesh,
        out_type=[
            jax.ShapeDtypeStruct((2 * _NP, D), jnp.float32),
            jax.ShapeDtypeStruct((2 * _NP, 8), jnp.float32),
        ],
        scratch_types=[
            pltpu.VMEM((ET,), jnp.int32),
            pltpu.VMEM((CH, 128), jnp.int32),
            pltpu.VMEM((128, D), jnp.float32),
            pltpu.VMEM((128, 8), jnp.float32),
            pltpu.VMEM((128, 8), jnp.float32),
            pltpu.VMEM((128 * H,), jnp.float32),
            pltpu.VMEM((128, 8), jnp.float32),
            pltpu.VMEM_SHARED((_NP, D), jnp.float32),
            pltpu.VMEM_SHARED((_NP, 8), jnp.float32),
            pltpu.SemaphoreType.DMA,
            pltpu.SemaphoreType.DMA,
            pltpu.SemaphoreType.DMA,
        ],
        compiler_params=pltpu.CompilerParams(needs_layout_passes=False,
                                             use_tc_tiling_on_sc=False))
    def ek(h_hbm, aa_hbm, src_hbm, dst_hbm, inf_hbm, ind_hbm,
           outf_hbm, outd_hbm,
           src_v, dst_v, hbuf, asb, adb, exv, denb, accf, accd,
           sem1, sem2, sem3):
        c = lax.axis_index("c")
        s = lax.axis_index("s")
        w = s * 2 + c
        pltpu.sync_copy(src_hbm.at[pl.ds(w * ET, ET)], src_v)
        pltpu.sync_copy(dst_hbm.at[pl.ds(w * CH, CH)], dst_v)
        pltpu.sync_copy(inf_hbm.at[pl.ds(s * RPT, RPT)],
                        accf.at[pl.ds(s * RPT, RPT)])
        pltpu.sync_copy(ind_hbm.at[pl.ds(s * RPT, RPT)],
                        accd.at[pl.ds(s * RPT, RPT)])
        plsc.subcore_barrier()
        iota16 = lax.broadcasted_iota(jnp.int32, (16,), 0)
        mask8 = iota16 < 8

        def chunk(j, carry):
            cp1 = pltpu.async_copy(h_hbm.at[src_v.at[pl.ds(j * 128, 128)]],
                                   hbuf, sem1)
            cp2 = pltpu.async_copy(aa_hbm.at[src_v.at[pl.ds(j * 128, 128)]],
                                   asb, sem2)
            cp3 = pltpu.async_copy(aa_hbm.at[dst_v.at[j]], adb, sem3)
            cp1.wait()
            cp2.wait()
            cp3.wait()
            for k in range(8):
                rows = iota16 + k * 16
                for hh in range(H):
                    ls = plsc.load_gather(asb, [rows, iota16 * 0 + hh])
                    ld = plsc.load_gather(adb, [rows, iota16 * 0 + (4 + hh)])
                    ex = jnp.exp(_lrelu(ls + ld))
                    plsc.store_scatter(exv, [rows * H + hh], ex)

            def edge(t, carry2):
                ws = [plsc.load_gather(exv, [jnp.broadcast_to(t * H + hh, (16,))])
                      for hh in range(H)]
                for i in range(D // 16):
                    hh = i // (DH // 16)
                    hbuf[t, pl.ds(i * 16, 16)] = hbuf[t, pl.ds(i * 16, 16)] * ws[hh]
                tail = jnp.zeros((16,), jnp.float32)
                for hh in range(H):
                    tail = jnp.where(iota16 == hh, ws[hh], tail)
                plsc.store_scatter(denb, [jnp.broadcast_to(t, (16,)), iota16],
                                   tail, mask=mask8)
                return carry2

            lax.fori_loop(0, 128, edge, 0)
            pltpu.sync_copy(hbuf, accf.at[dst_v.at[j]], add=True)
            pltpu.sync_copy(denb, accd.at[dst_v.at[j]], add=True)
            return carry

        lax.fori_loop(0, CH, chunk, 0)
        plsc.subcore_barrier()
        pltpu.sync_copy(accf.at[pl.ds(s * RPT, RPT)],
                        outf_hbm.at[pl.ds(c * _NP + s * RPT, RPT)])
        pltpu.sync_copy(accd.at[pl.ds(s * RPT, RPT)],
                        outd_hbm.at[pl.ds(c * _NP + s * RPT, RPT)])

    return ek


def _stage_c(pf0, pf1, pd0, pd1, inf1, ind1, W2, as2v, ad2v, b1, H, DH, D2):
    D = H * DH

    def body(f0_ref, f1_ref, d0_ref, d1_ref, inf_ref, ind_ref,
             w_ref, as_ref, ad_ref, b_ref,
             h2_ref, aa2_ref, inf2_ref, ind2_ref):
        accf = f0_ref[...] + f1_ref[...] - inf_ref[...]
        accd = d0_ref[...] + d1_ref[...] - ind_ref[...]
        den = jnp.concatenate(
            [jnp.broadcast_to(accd[:, hh:hh + 1], (_BN, DH))
             for hh in range(H)], axis=1)
        h1 = _elu(accf / den + b_ref[...])
        h2 = jnp.dot(h1, w_ref[...], preferred_element_type=jnp.float32)
        a_s = jnp.sum(h2 * as_ref[...], axis=1, keepdims=True)
        a_d = jnp.sum(h2 * ad_ref[...], axis=1, keepdims=True)
        z3 = jnp.zeros((_BN, 3), jnp.float32)
        exs = jnp.exp(_lrelu(a_s + a_d))
        h2_ref[...] = h2
        aa2_ref[...] = jnp.concatenate([a_s, z3, a_d, z3], axis=1)
        inf2_ref[...] = h2 * exs
        ind2_ref[...] = jnp.concatenate(
            [exs, jnp.zeros((_BN, 7), jnp.float32)], axis=1)

    return pl.pallas_call(
        body,
        grid=(_NB,),
        in_specs=[
            pl.BlockSpec((_BN, D), lambda i: (i, 0)),
            pl.BlockSpec((_BN, D), lambda i: (i, 0)),
            pl.BlockSpec((_BN, 8), lambda i: (i, 0)),
            pl.BlockSpec((_BN, 8), lambda i: (i, 0)),
            pl.BlockSpec((_BN, D), lambda i: (i, 0)),
            pl.BlockSpec((_BN, 8), lambda i: (i, 0)),
            pl.BlockSpec(W2.shape, lambda i: (0, 0)),
            pl.BlockSpec((1, D2), lambda i: (0, 0)),
            pl.BlockSpec((1, D2), lambda i: (0, 0)),
            pl.BlockSpec((1, D), lambda i: (0, 0)),
        ],
        out_specs=[
            pl.BlockSpec((_BN, D2), lambda i: (i, 0)),
            pl.BlockSpec((_BN, 8), lambda i: (i, 0)),
            pl.BlockSpec((_BN, D2), lambda i: (i, 0)),
            pl.BlockSpec((_BN, 8), lambda i: (i, 0)),
        ],
        out_shape=[
            jax.ShapeDtypeStruct((_NP, D2), jnp.float32),
            jax.ShapeDtypeStruct((_NP, 8), jnp.float32),
            jax.ShapeDtypeStruct((_NP, D2), jnp.float32),
            jax.ShapeDtypeStruct((_NP, 8), jnp.float32),
        ],
    )(pf0, pf1, pd0, pd1, inf1, ind1, W2, as2v, ad2v, b1)


def _stage_e(qf0, qf1, qd0, qd1, inf2, ind2, rf2d, b2, ln_w, ln_b, Wr, br,
             D2, R):
    def body(f0_ref, f1_ref, d0_ref, d1_ref, inf_ref, ind_ref, rf_ref,
             b_ref, lw_ref, lb_ref, wr_ref, br_ref, out_ref):
        accf = f0_ref[...] + f1_ref[...] - inf_ref[...]
        accd = d0_ref[...] + d1_ref[...] - ind_ref[...]
        h2 = accf / accd[:, 0:1] + b_ref[...]
        mu = jnp.mean(h2, axis=1, keepdims=True)
        dvar = jnp.mean((h2 - mu) ** 2, axis=1, keepdims=True)
        xn = (h2 - mu) * jax.lax.rsqrt(dvar + 1e-5) * lw_ref[...] + lb_ref[...]
        emb = jnp.dot(rf_ref[...], wr_ref[...],
                      preferred_element_type=jnp.float32) + br_ref[...]
        emb = _elu(emb).reshape(_BN, R, D2)
        out_ref[...] = jnp.concatenate(
            [jnp.broadcast_to(xn[:, None, :], (_BN, R, D2)), emb], axis=2)

    return pl.pallas_call(
        body,
        grid=(_NB,),
        in_specs=[
            pl.BlockSpec((_BN, D2), lambda i: (i, 0)),
            pl.BlockSpec((_BN, D2), lambda i: (i, 0)),
            pl.BlockSpec((_BN, 8), lambda i: (i, 0)),
            pl.BlockSpec((_BN, 8), lambda i: (i, 0)),
            pl.BlockSpec((_BN, D2), lambda i: (i, 0)),
            pl.BlockSpec((_BN, 8), lambda i: (i, 0)),
            pl.BlockSpec((_BN * R, rf2d.shape[1]), lambda i: (i, 0)),
            pl.BlockSpec((1, D2), lambda i: (0, 0)),
            pl.BlockSpec((1, D2), lambda i: (0, 0)),
            pl.BlockSpec((1, D2), lambda i: (0, 0)),
            pl.BlockSpec(Wr.shape, lambda i: (0, 0)),
            pl.BlockSpec((1, D2), lambda i: (0, 0)),
        ],
        out_specs=pl.BlockSpec((_BN, R, 2 * D2), lambda i: (i, 0, 0)),
        out_shape=jax.ShapeDtypeStruct((_NP, R, 2 * D2), jnp.float32),
    )(qf0, qf1, qd0, qd1, inf2, ind2, rf2d, b2, ln_w, ln_b, Wr, br)


def kernel(x, edge_index, batch, resource_features, W1, att_src1, att_dst1, b1,
           W2, att_src2, att_dst2, b2, ln_w, ln_b, Wr, br):
    del batch
    N, DF = x.shape
    E = edge_index.shape[1]
    R = resource_features.shape[1]
    H = att_src1.shape[1]
    DH = att_src1.shape[2]
    D = H * DH
    D2 = W2.shape[1]

    ET = ((E + 31) // 32 + 1023) // 1024 * 1024
    EP = 32 * ET

    x_p = jnp.pad(x, ((0, _NP - N), (0, 0)))
    pad_idx = jnp.full((EP - E,), N, dtype=edge_index.dtype)
    src_p = jnp.concatenate([edge_index[0], pad_idx])
    dst_p = jnp.concatenate([edge_index[1], pad_idx])
    dst2d = dst_p.reshape(EP // 128, 128)
    rf2d = jnp.pad(resource_features,
                   ((0, _NP - N), (0, 0), (0, 0))).reshape(_NP * R, -1)
    as1v = att_src1.reshape(1, D)
    ad1v = att_dst1.reshape(1, D)
    as2v = att_src2.reshape(1, D2)
    ad2v = att_dst2.reshape(1, D2)

    h, aa1, inf1, ind1 = _stage_a(x_p, W1, as1v, ad1v, H, DH)

    pf, pd = _edge_kernel(D, H, EP)(h, aa1, src_p, dst2d, inf1, ind1)

    h2, aa2, inf2, ind2 = _stage_c(pf[:_NP], pf[_NP:], pd[:_NP], pd[_NP:],
                                   inf1, ind1, W2, as2v, ad2v,
                                   b1.reshape(1, D), H, DH, D2)

    qf, qd = _edge_kernel(D2, 1, EP)(h2, aa2, src_p, dst2d, inf2, ind2)

    out = _stage_e(qf[:_NP], qf[_NP:], qd[:_NP], qd[_NP:], inf2, ind2,
                   rf2d, b2.reshape(1, D2), ln_w.reshape(1, D2),
                   ln_b.reshape(1, D2), Wr, br.reshape(1, D2), D2, R)
    return out[:N]

# --- scband reference (transcript-rebuilt; emitter-appended) ---
"""Pipeline reference for scband-cloud-resource-gnnv1-45964740002546 (READ-ONLY COPY).

The authoritative reference and input builder live on the scoring server;
editing this copy changes nothing except your own understanding.
"""

import jax, jax.numpy as jnp
import numpy as np

N = 10000
E = 320000
DF = 128
HID = 64
HEADS = 2
R = 8
RF = 16
G = 100


def setup_inputs(seed: int = 0) -> dict:
    key = jax.random.key(seed)
    ks = jax.random.split(key, 20)
    x = jax.random.normal(ks[0], (N, DF), dtype=jnp.float32)
    edge_index = jax.random.randint(ks[1], (2, E), 0, N, dtype=jnp.int32)
    batch = jnp.sort(jax.random.randint(ks[2], (N,), 0, G, dtype=jnp.int32))
    resource_features = jax.random.normal(ks[3], (N, R, RF), dtype=jnp.float32)
    s = 0.05
    W1 = jax.random.normal(ks[4], (DF, HEADS * HID), dtype=jnp.float32) * s
    att_src1 = jax.random.normal(ks[5], (1, HEADS, HID), dtype=jnp.float32) * s
    att_dst1 = jax.random.normal(ks[6], (1, HEADS, HID), dtype=jnp.float32) * s
    b1 = jnp.zeros((HEADS * HID,), dtype=jnp.float32)
    W2 = jax.random.normal(ks[7], (HEADS * HID, HID), dtype=jnp.float32) * s
    att_src2 = jax.random.normal(ks[8], (1, 1, HID), dtype=jnp.float32) * s
    att_dst2 = jax.random.normal(ks[9], (1, 1, HID), dtype=jnp.float32) * s
    b2 = jnp.zeros((HID,), dtype=jnp.float32)
    ln_w = jnp.ones((HID,), dtype=jnp.float32)
    ln_b = jnp.zeros((HID,), dtype=jnp.float32)
    Wr = jax.random.normal(ks[10], (RF, HID), dtype=jnp.float32) * s
    br = jnp.zeros((HID,), dtype=jnp.float32)
    return {"x": x, "edge_index": edge_index, "batch": batch,
            "resource_features": resource_features,
            "W1": W1, "att_src1": att_src1, "att_dst1": att_dst1, "b1": b1,
            "W2": W2, "att_src2": att_src2, "att_dst2": att_dst2, "b2": b2,
            "ln_w": ln_w, "ln_b": ln_b, "Wr": Wr, "br": br}


def _gat_layer(x, edge_index, W, att_s, att_d, b, heads, out_ch, concat):
    n = x.shape[0]
    sl = jnp.arange(n, dtype=edge_index.dtype)
    src = jnp.concatenate([edge_index[0], sl])
    dst = jnp.concatenate([edge_index[1], sl])
    h = (x @ W).reshape(n, heads, out_ch)
    a_src = jnp.sum(h * att_s, axis=-1)
    a_dst = jnp.sum(h * att_d, axis=-1)
    e = jax.nn.leaky_relu(a_src[src] + a_dst[dst], negative_slope=0.2)
    emax = jax.ops.segment_max(e, dst, num_segments=n)
    emax = jnp.where(jnp.isfinite(emax), emax, 0.0)
    ex = jnp.exp(e - emax[dst])
    den = jax.ops.segment_sum(ex, dst, num_segments=n)
    alpha = ex / (den[dst] + 1e-16)
    out = jax.ops.segment_sum(h[src] * alpha[:, :, None], dst, num_segments=n)
    if concat:
        out = out.reshape(n, heads * out_ch)
    else:
        out = out.mean(axis=1)
    return out + b


def reference(x, edge_index, batch, resource_features, W1, att_src1, att_dst1, b1,
              W2, att_src2, att_dst2, b2, ln_w, ln_b, Wr, br):
    # task_conv1 -> dropout (identity at eval) -> elu
    h1 = jax.nn.elu(_gat_layer(x, edge_index, W1, att_src1, att_dst1, b1, HEADS, HID, True))
    # task_conv2 (heads=1, concat=False)
    h2 = _gat_layer(h1, edge_index, W2, att_src2, att_dst2, b2, 1, HID, False)
    # LayerNorm
    mu = jnp.mean(h2, axis=-1, keepdims=True)
    var = jnp.mean((h2 - mu) ** 2, axis=-1, keepdims=True)
    xn = (h2 - mu) / jnp.sqrt(var + 1e-5) * ln_w + ln_b
    # expand per resource
    x_expanded = jnp.repeat(xn[:, None, :], R, axis=1)
    # resource linear -> dropout (identity) -> elu
    resource_embedding = jax.nn.elu(resource_features @ Wr + br)
    # global_mean_pool (computed in original forward; does not feed the output)
    counts = jax.ops.segment_sum(jnp.ones((N,), jnp.float32), batch, num_segments=G)
    pooled_x = jax.ops.segment_sum(xn, batch, num_segments=G) / jnp.maximum(counts, 1.0)[:, None]
    del pooled_x
    combined_features = jnp.concatenate([x_expanded, resource_embedding], axis=-1)
    return combined_features

if __name__ == "__main__":
    import jax
    _d = setup_inputs()
    print(jax.jit(kernel)(*tuple(_d.values())))

</pallas_src>

<mosaic_0001>
#map = affine_map<(d0, d1) -> (0, 0)>
#map1 = affine_map<(d0, d1) -> (0)>
module attributes {stable_mosaic.version = 14 : i64} {
  func.func @ek(%arg0: i32, %arg1: i32, %arg2: memref<10240x128xf32, #tpu.memory_space<hbm>>, %arg3: memref<10240x8xf32, #tpu.memory_space<hbm>>, %arg4: memref<327680xi32, #tpu.memory_space<hbm>>, %arg5: memref<2560x128xi32, #tpu.memory_space<hbm>>, %arg6: memref<10240x128xf32, #tpu.memory_space<hbm>>, %arg7: memref<10240x8xf32, #tpu.memory_space<hbm>>, %arg8: memref<20480x128xf32, #tpu.memory_space<hbm>>, %arg9: memref<20480x8xf32, #tpu.memory_space<hbm>>, %arg10: memref<10240xi32, #tpu.memory_space<vmem>>, %arg11: memref<80x128xi32, #tpu.memory_space<vmem>>, %arg12: memref<128x128xf32, #tpu.memory_space<vmem>>, %arg13: memref<128x8xf32, #tpu.memory_space<vmem>>, %arg14: memref<128x8xf32, #tpu.memory_space<vmem>>, %arg15: memref<256xf32, #tpu.memory_space<vmem>>, %arg16: memref<128x8xf32, #tpu.memory_space<vmem>>, %arg17: memref<10240x128xf32, #tpu.memory_space<vmem_shared>>, %arg18: memref<10240x8xf32, #tpu.memory_space<vmem_shared>>, %arg19: memref<!tpu.dma_semaphore, #tpu.memory_space<semaphore_mem>>, %arg20: memref<!tpu.dma_semaphore, #tpu.memory_space<semaphore_mem>>, %arg21: memref<!tpu.dma_semaphore, #tpu.memory_space<semaphore_mem>>) attributes {dimension_semantics = [#tpu.dimension_semantics<core_parallel>, #tpu.dimension_semantics<subcore_parallel>], iteration_bounds = array<i64: 2, 16>, scalar_prefetch = 0 : i64, scratch_operands = 12 : i64, tpu.core_type = #tpu.core_type<sc_vector_subcore>, window_params = [{transform_indices = #map}, {transform_indices = #map}, {transform_indices = #map1}, {transform_indices = #map}, {transform_indices = #map}, {transform_indices = #map}, {transform_indices = #map}, {transform_indices = #map}]} {
    %mul3A = arith.constant 2 : i32
    %mul3A_0 = arith.muli %arg1, %mul3A : i32
    %add3A = arith.addi %mul3A_0, %arg0 : i32
    %mul3A_1 = arith.constant 10240 : i32
    %mul3A_2 = arith.muli %add3A, %mul3A_1 : i32
    "tpu.region"() ({
      %run_scoped3A = tpu.sem_alloc : memref<!tpu.dma_semaphore, #tpu.memory_space<semaphore_mem>>
      %dma_start3A = tpu.memref_slice %arg4[%mul3A_2] : memref<327680xi32, #tpu.memory_space<hbm>> -> memref<10240xi32, #tpu.memory_space<hbm>>
      %dma_start3A_35 = tpu.memref_slice %arg4[%mul3A_2] : memref<327680xi32, #tpu.memory_space<hbm>> -> memref<10240xi32, #tpu.memory_space<hbm>>
      tpu.enqueue_dma source(%dma_start3A_35 : memref<10240xi32, #tpu.memory_space<hbm>>) target(%arg10 : memref<10240xi32, #tpu.memory_space<vmem>>) target_semaphore(%run_scoped3A : memref<!tpu.dma_semaphore, #tpu.memory_space<semaphore_mem>>)
      %dma_wait3A = tpu.memref_slice %arg4[%mul3A_2] : memref<327680xi32, #tpu.memory_space<hbm>> -> memref<10240xi32, #tpu.memory_space<hbm>>
      %dma_wait3A_36 = tpu.memref_slice %arg4[%mul3A_2] : memref<327680xi32, #tpu.memory_space<hbm>> -> memref<10240xi32, #tpu.memory_space<hbm>>
      tpu.wait_dma2 semaphore(%run_scoped3A : memref<!tpu.dma_semaphore, #tpu.memory_space<semaphore_mem>>) src(%dma_wait3A_36 : memref<10240xi32, #tpu.memory_space<hbm>>) dst(%arg10 : memref<10240xi32, #tpu.memory_space<vmem>>)
      tpu.yield
    }) : () -> ()
    %mul3A_3 = arith.constant 80 : i32
    %mul3A_4 = arith.muli %add3A, %mul3A_3 : i32
    "tpu.region"() ({
      %run_scoped3A = tpu.sem_alloc : memref<!tpu.dma_semaphore, #tpu.memory_space<semaphore_mem>>
      %dma_start3A = arith.constant 0 : i32
      %dma_start3A_35 = tpu.memref_slice %arg5[%mul3A_4, %dma_start3A] : memref<2560x128xi32, #tpu.memory_space<hbm>> -> memref<80x128xi32, #tpu.memory_space<hbm>>
      %dma_start3A_36 = arith.constant 0 : i32
      %dma_start3A_37 = tpu.memref_slice %arg5[%mul3A_4, %dma_start3A_36] : memref<2560x128xi32, #tpu.memory_space<hbm>> -> memref<80x128xi32, #tpu.memory_space<hbm>>
      tpu.enqueue_dma source(%dma_start3A_37 : memref<80x128xi32, #tpu.memory_space<hbm>>) target(%arg11 : memref<80x128xi32, #tpu.memory_space<vmem>>) target_semaphore(%run_scoped3A : memref<!tpu.dma_semaphore, #tpu.memory_space<semaphore_mem>>)
      %dma_wait3A = arith.constant 0 : i32
      %dma_wait3A_38 = tpu.memref_slice %arg5[%mul3A_4, %dma_wait3A] : memref<2560x128xi32, #tpu.memory_space<hbm>> -> memref<80x128xi32, #tpu.memory_space<hbm>>
      %dma_wait3A_39 = arith.constant 0 : i32
      %dma_wait3A_40 = tpu.memref_slice %arg5[%mul3A_4, %dma_wait3A_39] : memref<2560x128xi32, #tpu.memory_space<hbm>> -> memref<80x128xi32, #tpu.memory_space<hbm>>
      tpu.wait_dma2 semaphore(%run_scoped3A : memref<!tpu.dma_semaphore, #tpu.memory_space<semaphore_mem>>) src(%dma_wait3A_40 : memref<80x128xi32, #tpu.memory_space<hbm>>) dst(%arg11 : memref<80x128xi32, #tpu.memory_space<vmem>>)
      tpu.yield
    }) : () -> ()
    %mul3A_5 = arith.constant 640 : i32
    %mul3A_6 = arith.muli %arg1, %mul3A_5 : i32
    %mul3A_7 = arith.constant 640 : i32
    %mul3A_8 = arith.muli %arg1, %mul3A_7 : i32
    "tpu.region"() ({
      %run_scoped3A = tpu.sem_alloc : memref<!tpu.dma_semaphore, #tpu.memory_space<semaphore_mem>>
      %dma_start3A = arith.constant 0 : i32
      %dma_start3A_35 = tpu.memref_slice %arg17[%mul3A_8, %dma_start3A] : memref<10240x128xf32, #tpu.memory_space<vmem_shared>> -> memref<640x128xf32, #tpu.memory_space<vmem_shared>>
      %dma_start3A_36 = arith.constant 0 : i32
      %dma_start3A_37 = tpu.memref_slice %arg6[%mul3A_6, %dma_start3A_36] : memref<10240x128xf32, #tpu.memory_space<hbm>> -> memref<640x128xf32, #tpu.memory_space<hbm>>
      tpu.enqueue_dma source(%dma_start3A_37 : memref<640x128xf32, #tpu.memory_space<hbm>>) target(%dma_start3A_35 : memref<640x128xf32, #tpu.memory_space<vmem_shared>>) target_semaphore(%run_scoped3A : memref<!tpu.dma_semaphore, #tpu.memory_space<semaphore_mem>>)
      %dma_wait3A = arith.constant 0 : i32
      %dma_wait3A_38 = tpu.memref_slice %arg17[%mul3A_8, %dma_wait3A] : memref<10240x128xf32, #tpu.memory_space<vmem_shared>> -> memref<640x128xf32, #tpu.memory_space<vmem_shared>>
      %dma_wait3A_39 = arith.constant 0 : i32
      %dma_wait3A_40 = tpu.memref_slice %arg6[%mul3A_6, %dma_wait3A_39] : memref<10240x128xf32, #tpu.memory_space<hbm>> -> memref<640x128xf32, #tpu.memory_space<hbm>>
      tpu.wait_dma2 semaphore(%run_scoped3A : memref<!tpu.dma_semaphore, #tpu.memory_space<semaphore_mem>>) src(%dma_wait3A_40 : memref<640x128xf32, #tpu.memory_space<hbm>>) dst(%dma_wait3A_38 : memref<640x128xf32, #tpu.memory_space<vmem_shared>>)
      tpu.yield
    }) : () -> ()
    %mul3A_9 = arith.constant 640 : i32
    %mul3A_10 = arith.muli %arg1, %mul3A_9 : i32
    %mul3A_11 = arith.constant 640 : i32
    %mul3A_12 = arith.muli %arg1, %mul3A_11 : i32
    "tpu.region"() ({
      %run_scoped3A = tpu.sem_alloc : memref<!tpu.dma_semaphore, #tpu.memory_space<semaphore_mem>>
      %dma_start3A = arith.constant 0 : i32
      %dma_start3A_35 = tpu.memref_slice %arg18[%mul3A_12, %dma_start3A] : memref<10240x8xf32, #tpu.memory_space<vmem_shared>> -> memref<640x8xf32, #tpu.memory_space<vmem_shared>>
      %dma_start3A_36 = arith.constant 0 : i32
      %dma_start3A_37 = tpu.memref_slice %arg7[%mul3A_10, %dma_start3A_36] : memref<10240x8xf32, #tpu.memory_space<hbm>> -> memref<640x8xf32, #tpu.memory_space<hbm>>
      tpu.enqueue_dma source(%dma_start3A_37 : memref<640x8xf32, #tpu.memory_space<hbm>>) target(%dma_start3A_35 : memref<640x8xf32, #tpu.memory_space<vmem_shared>>) target_semaphore(%run_scoped3A : memref<!tpu.dma_semaphore, #tpu.memory_space<semaphore_mem>>)
      %dma_wait3A = arith.constant 0 : i32
      %dma_wait3A_38 = tpu.memref_slice %arg18[%mul3A_12, %dma_wait3A] : memref<10240x8xf32, #tpu.memory_space<vmem_shared>> -> memref<640x8xf32, #tpu.memory_space<vmem_shared>>
      %dma_wait3A_39 = arith.constant 0 : i32
      %dma_wait3A_40 = tpu.memref_slice %arg7[%mul3A_10, %dma_wait3A_39] : memref<10240x8xf32, #tpu.memory_space<hbm>> -> memref<640x8xf32, #tpu.memory_space<hbm>>
      tpu.wait_dma2 semaphore(%run_scoped3A : memref<!tpu.dma_semaphore, #tpu.memory_space<semaphore_mem>>) src(%dma_wait3A_40 : memref<640x8xf32, #tpu.memory_space<hbm>>) dst(%dma_wait3A_38 : memref<640x8xf32, #tpu.memory_space<vmem_shared>>)
      tpu.yield
    }) : () -> ()
    %barrier3A = arith.constant 0 : index
    tpu.barrier barrier_id(%barrier3A)
    %iota3A = tpu.iota {dimensions = array<i32: 0>} : vector<16xi32>
    %lt3A = arith.constant 8 : i32
    %lt3A_13 = vector.broadcast %lt3A : i32 to vector<16xi32>
    %lt3A_14 = arith.cmpi slt, %iota3A, %lt3A_13 : vector<16xi32>
    %scan3A = arith.constant 0 : i32
    %scan3A_15 = arith.constant 0 : i32
    %scan3A_16 = arith.constant 80 : i32
    %scan3A_17 = arith.addi %scan3A_15, %scan3A_16 : i32
    %scan3A_18 = arith.constant 1 : i32
    scf.for %scan3A_35 = %scan3A_15 to %scan3A_17 step %scan3A_18  : i32 {
      %mul3A_36 = arith.constant 128 : i32
      %mul3A_37 = arith.muli %scan3A_35, %mul3A_36 : i32
      %dma_start3A = tpu.memref_slice %arg10[%mul3A_37] : memref<10240xi32, #tpu.memory_space<vmem>> -> memref<128xi32, #tpu.memory_space<vmem>>
      %dma_start3A_38 = arith.constant 0 : i32
      %dma_start3A_39 = arith.constant 0 : i32
      %dma_start3A_40 = tpu.memref_slice %arg2[%dma_start3A_38, %dma_start3A_39] : memref<10240x128xf32, #tpu.memory_space<hbm>> -> memref<10240x128xf32, #tpu.memory_space<hbm>>
      tpu.enqueue_indirect_dma source(%dma_start3A_40 : memref<10240x128xf32, #tpu.memory_space<hbm>>) target(%arg12 : memref<128x128xf32, #tpu.memory_space<vmem>>) offsets(%dma_start3A : memref<128xi32, #tpu.memory_space<vmem>>) semaphore(%arg19 : memref<!tpu.dma_semaphore, #tpu.memory_space<semaphore_mem>>)
      %mul3A_41 = arith.constant 128 : i32
      %mul3A_42 = arith.muli %scan3A_35, %mul3A_41 : i32
      %dma_start3A_43 = tpu.memref_slice %arg10[%mul3A_42] : memref<10240xi32, #tpu.memory_space<vmem>> -> memref<128xi32, #tpu.memory_space<vmem>>
      %dma_start3A_44 = arith.constant 0 : i32
      %dma_start3A_45 = arith.constant 0 : i32
      %dma_start3A_46 = tpu.memref_slice %arg3[%dma_start3A_44, %dma_start3A_45] : memref<10240x8xf32, #tpu.memory_space<hbm>> -> memref<10240x8xf32, #tpu.memory_space<hbm>>
      tpu.enqueue_indirect_dma source(%dma_start3A_46 : memref<10240x8xf32, #tpu.memory_space<hbm>>) target(%arg13 : memref<128x8xf32, #tpu.memory_space<vmem>>) offsets(%dma_start3A_43 : memref<128xi32, #tpu.memory_space<vmem>>) semaphore(%arg20 : memref<!tpu.dma_semaphore, #tpu.memory_space<semaphore_mem>>)
      %dma_start3A_47 = arith.constant 0 : i32
      %dma_start3A_48 = tpu.memref_slice %arg11[%scan3A_35, %dma_start3A_47] : memref<80x128xi32, #tpu.memory_space<vmem>> -> memref<1x128xi32, #tpu.memory_space<vmem>>
      %dma_start3A_49 = tpu.memref_squeeze %dma_start3A_48 : memref<1x128xi32, #tpu.memory_space<vmem>> -> memref<128xi32, #tpu.memory_space<vmem>>
      %dma_start3A_50 = arith.constant 0 : i32
      %dma_start3A_51 = arith.constant 0 : i32
      %dma_start3A_52 = tpu.memref_slice %arg3[%dma_start3A_50, %dma_start3A_51] : memref<10240x8xf32, #tpu.memory_space<hbm>> -> memref<10240x8xf32, #tpu.memory_space<hbm>>
      tpu.enqueue_indirect_dma source(%dma_start3A_52 : memref<10240x8xf32, #tpu.memory_space<hbm>>) target(%arg14 : memref<128x8xf32, #tpu.memory_space<vmem>>) offsets(%dma_start3A_49 : memref<128xi32, #tpu.memory_space<vmem>>) semaphore(%arg21 : memref<!tpu.dma_semaphore, #tpu.memory_space<semaphore_mem>>)
      %dma_wait3A = tpu.memref_slice %arg10[%mul3A_37] : memref<10240xi32, #tpu.memory_space<vmem>> -> memref<128xi32, #tpu.memory_space<vmem>>
      %dma_wait3A_53 = arith.constant 0 : i32
      %dma_wait3A_54 = arith.constant 0 : i32
      %dma_wait3A_55 = tpu.memref_slice %arg2[%dma_wait3A_53, %dma_wait3A_54] : memref<10240x128xf32, #tpu.memory_space<hbm>> -> memref<10240x128xf32, #tpu.memory_space<hbm>>
      tpu.wait_indirect_dma semaphore(%arg19 : memref<!tpu.dma_semaphore, #tpu.memory_space<semaphore_mem>>) src(%dma_wait3A_55 : memref<10240x128xf32, #tpu.memory_space<hbm>>) dst(%arg12 : memref<128x128xf32, #tpu.memory_space<vmem>>)
      %dma_wait3A_56 = tpu.memref_slice %arg10[%mul3A_42] : memref<10240xi32, #tpu.memory_space<vmem>> -> memref<128xi32, #tpu.memory_space<vmem>>
      %dma_wait3A_57 = arith.constant 0 : i32
      %dma_wait3A_58 = arith.constant 0 : i32
      %dma_wait3A_59 = tpu.memref_slice %arg3[%dma_wait3A_57, %dma_wait3A_58] : memref<10240x8xf32, #tpu.memory_space<hbm>> -> memref<10240x8xf32, #tpu.memory_space<hbm>>
      tpu.wait_indirect_dma semaphore(%arg20 : memref<!tpu.dma_semaphore, #tpu.memory_space<semaphore_mem>>) src(%dma_wait3A_59 : memref<10240x8xf32, #tpu.memory_space<hbm>>) dst(%arg13 : memref<128x8xf32, #tpu.memory_space<vmem>>)
      %dma_wait3A_60 = arith.constant 0 : i32
      %dma_wait3A_61 = tpu.memref_slice %arg11[%scan3A_35, %dma_wait3A_60] : memref<80x128xi32, #tpu.memory_space<vmem>> -> memref<1x128xi32, #tpu.memory_space<vmem>>
      %dma_wait3A_62 = tpu.memref_squeeze %dma_wait3A_61 : memref<1x128xi32, #tpu.memory_space<vmem>> -> memref<128xi32, #tpu.memory_space<vmem>>
      %dma_wait3A_63 = arith.constant 0 : i32
      %dma_wait3A_64 = arith.constant 0 : i32
      %dma_wait3A_65 = tpu.memref_slice %arg3[%dma_wait3A_63, %dma_wait3A_64] : memref<10240x8xf32, #tpu.memory_space<hbm>> -> memref<10240x8xf32, #tpu.memory_space<hbm>>
      tpu.wait_indirect_dma semaphore(%arg21 : memref<!tpu.dma_semaphore, #tpu.memory_space<semaphore_mem>>) src(%dma_wait3A_65 : memref<10240x8xf32, #tpu.memory_space<hbm>>) dst(%arg14 : memref<128x8xf32, #tpu.memory_space<vmem>>)
      %add3A_66 = arith.constant 0 : i32
      %add3A_67 = vector.broadcast %add3A_66 : i32 to vector<16xi32>
      %add3A_68 = arith.addi %iota3A, %add3A_67 : vector<16xi32>
      %mul3A_69 = arith.constant 0 : i32
      %mul3A_70 = vector.broadcast %mul3A_69 : i32 to vector<16xi32>
      %mul3A_71 = arith.muli %iota3A, %mul3A_70 : vector<16xi32>
      %add3A_72 = arith.constant 0 : i32
      %add3A_73 = vector.broadcast %add3A_72 : i32 to vector<16xi32>
      %add3A_74 = arith.addi %mul3A_71, %add3A_73 : vector<16xi32>
      %gather3A = tpu.vector_load_idx %arg13[%add3A_68, %add3A_74] : memref<128x8xf32, #tpu.memory_space<vmem>>[vector<16xi32>, vector<16xi32>], vector<16xf32>,
      %mul3A_75 = arith.constant 0 : i32
      %mul3A_76 = vector.broadcast %mul3A_75 : i32 to vector<16xi32>
      %mul3A_77 = arith.muli %iota3A, %mul3A_76 : vector<16xi32>
      %add3A_78 = arith.constant 4 : i32
      %add3A_79 = vector.broadcast %add3A_78 : i32 to vector<16xi32>
      %add3A_80 = arith.addi %mul3A_77, %add3A_79 : vector<16xi32>
      %gather3A_81 = tpu.vector_load_idx %arg14[%add3A_68, %add3A_80] : memref<128x8xf32, #tpu.memory_space<vmem>>[vector<16xi32>, vector<16xi32>], vector<16xf32>,
      %add3A_82 = arith.addf %gather3A, %gather3A_81 : vector<16xf32>
      %ge3A = arith.constant 0.000000e+00 : f32
      %ge3A_83 = vector.broadcast %ge3A : f32 to vector<16xf32>
      %ge3A_84 = arith.cmpf oge, %add3A_82, %ge3A_83 : vector<16xf32>
      %mul3A_85 = arith.constant 2.000000e-01 : f32
      %mul3A_86 = vector.broadcast %mul3A_85 : f32 to vector<16xf32>
      %mul3A_87 = arith.mulf %mul3A_86, %add3A_82 : vector<16xf32>
      %select_n3A = arith.select %ge3A_84, %add3A_82, %mul3A_87 : vector<16xi1>, vector<16xf32>
      %exp3A = math.exp %select_n3A : vector<16xf32>
      %mul3A_88 = arith.constant 2 : i32
      %mul3A_89 = vector.broadcast %mul3A_88 : i32 to vector<16xi32>
      %mul3A_90 = arith.muli %add3A_68, %mul3A_89 : vector<16xi32>
      %add3A_91 = arith.constant 0 : i32
      %add3A_92 = vector.broadcast %add3A_91 : i32 to vector<16xi32>
      %add3A_93 = arith.addi %mul3A_90, %add3A_92 : vector<16xi32>
      tpu.vector_store_idx %arg15[%add3A_93], %exp3A : memref<256xf32, #tpu.memory_space<vmem>>[vector<16xi32>], vector<16xf32>,
      %mul3A_94 = arith.constant 0 : i32
      %mul3A_95 = vector.broadcast %mul3A_94 : i32 to vector<16xi32>
      %mul3A_96 = arith.muli %iota3A, %mul3A_95 : vector<16xi32>
      %add3A_97 = arith.constant 1 : i32
      %add3A_98 = vector.broadcast %add3A_97 : i32 to vector<16xi32>
      %add3A_99 = arith.addi %mul3A_96, %add3A_98 : vector<16xi32>
      %gather3A_100 = tpu.vector_load_idx %arg13[%add3A_68, %add3A_99] : memref<128x8xf32, #tpu.memory_space<vmem>>[vector<16xi32>, vector<16xi32>], vector<16xf32>,
      %mul3A_101 = arith.constant 0 : i32
      %mul3A_102 = vector.broadcast %mul3A_101 : i32 to vector<16xi32>
      %mul3A_103 = arith.muli %iota3A, %mul3A_102 : vector<16xi32>
      %add3A_104 = arith.constant 5 : i32
      %add3A_105 = vector.broadcast %add3A_104 : i32 to vector<16xi32>
      %add3A_106 = arith.addi %mul3A_103, %add3A_105 : vector<16xi32>
      %gather3A_107 = tpu.vector_load_idx %arg14[%add3A_68, %add3A_106] : memref<128x8xf32, #tpu.memory_space<vmem>>[vector<16xi32>, vector<16xi32>], vector<16xf32>,
      %add3A_108 = arith.addf %gather3A_100, %gather3A_107 : vector<16xf32>
      %ge3A_109 = arith.constant 0.000000e+00 : f32
      %ge3A_110 = vector.broadcast %ge3A_109 : f32 to vector<16xf32>
      %ge3A_111 = arith.cmpf oge, %add3A_108, %ge3A_110 : vector<16xf32>
      %mul3A_112 = arith.constant 2.000000e-01 : f32
      %mul3A_113 = vector.broadcast %mul3A_112 : f32 to vector<16xf32>
      %mul3A_114 = arith.mulf %mul3A_113, %add3A_108 : vector<16xf32>
      %select_n3A_115 = arith.select %ge3A_111, %add3A_108, %mul3A_114 : vector<16xi1>, vector<16xf32>
      %exp3A_116 = math.exp %select_n3A_115 : vector<16xf32>
      %mul3A_117 = arith.constant 2 : i32
      %mul3A_118 = vector.broadcast %mul3A_117 : i32 to vector<16xi32>
      %mul3A_119 = arith.muli %add3A_68, %mul3A_118 : vector<16xi32>
      %add3A_120 = arith.constant 1 : i32
      %add3A_121 = vector.broadcast %add3A_120 : i32 to vector<16xi32>
      %add3A_122 = arith.addi %mul3A_119, %add3A_121 : vector<16xi32>
      tpu.vector_store_idx %arg15[%add3A_122], %exp3A_116 : memref<256xf32, #tpu.memory_space<vmem>>[vector<16xi32>], vector<16xf32>,
      %add3A_123 = arith.constant 16 : i32
      %add3A_124 = vector.broadcast %add3A_123 : i32 to vector<16xi32>
      %add3A_125 = arith.addi %iota3A, %add3A_124 : vector<16xi32>
      %mul3A_126 = arith.constant 0 : i32
      %mul3A_127 = vector.broadcast %mul3A_126 : i32 to vector<16xi32>
      %mul3A_128 = arith.muli %iota3A, %mul3A_127 : vector<16xi32>
      %add3A_129 = arith.constant 0 : i32
      %add3A_130 = vector.broadcast %add3A_129 : i32 to vector<16xi32>
      %add3A_131 = arith.addi %mul3A_128, %add3A_130 : vector<16xi32>
      %gather3A_132 = tpu.vector_load_idx %arg13[%add3A_125, %add3A_131] : memref<128x8xf32, #tpu.memory_space<vmem>>[vector<16xi32>, vector<16xi32>], vector<16xf32>,
      %mul3A_133 = arith.constant 0 : i32
      %mul3A_134 = vector.broadcast %mul3A_133 : i32 to vector<16xi32>
      %mul3A_135 = arith.muli %iota3A, %mul3A_134 : vector<16xi32>
      %add3A_136 = arith.constant 4 : i32
      %add3A_137 = vector.broadcast %add3A_136 : i32 to vector<16xi32>
      %add3A_138 = arith.addi %mul3A_135, %add3A_137 : vector<16xi32>
      %gather3A_139 = tpu.vector_load_idx %arg14[%add3A_125, %add3A_138] : memref<128x8xf32, #tpu.memory_space<vmem>>[vector<16xi32>, vector<16xi32>], vector<16xf32>,
      %add3A_140 = arith.addf %gather3A_132, %gather3A_139 : vector<16xf32>
      %ge3A_141 = arith.constant 0.000000e+00 : f32
      %ge3A_142 = vector.broadcast %ge3A_141 : f32 to vector<16xf32>
      %ge3A_143 = arith.cmpf oge, %add3A_140, %ge3A_142 : vector<16xf32>
      %mul3A_144 = arith.constant 2.000000e-01 : f32
      %mul3A_145 = vector.broadcast %mul3A_144 : f32 to vector<16xf32>
      %mul3A_146 = arith.mulf %mul3A_145, %add3A_140 : vector<16xf32>
      %select_n3A_147 = arith.select %ge3A_143, %add3A_140, %mul3A_146 : vector<16xi1>, vector<16xf32>
      %exp3A_148 = math.exp %select_n3A_147 : vector<16xf32>
      %mul3A_149 = arith.constant 2 : i32
      %mul3A_150 = vector.broadcast %mul3A_149 : i32 to vector<16xi32>
      %mul3A_151 = arith.muli %add3A_125, %mul3A_150 : vector<16xi32>
      %add3A_152 = arith.constant 0 : i32
      %add3A_153 = vector.broadcast %add3A_152 : i32 to vector<16xi32>
      %add3A_154 = arith.addi %mul3A_151, %add3A_153 : vector<16xi32>
      tpu.vector_store_idx %arg15[%add3A_154], %exp3A_148 : memref<256xf32, #tpu.memory_space<vmem>>[vector<16xi32>], vector<16xf32>,
      %mul3A_155 = arith.constant 0 : i32
      %mul3A_156 = vector.broadcast %mul3A_155 : i32 to vector<16xi32>
      %mul3A_157 = arith.muli %iota3A, %mul3A_156 : vector<16xi32>
      %add3A_158 = arith.constant 1 : i32
      %add3A_159 = vector.broadcast %add3A_158 : i32 to vector<16xi32>
      %add3A_160 = arith.addi %mul3A_157, %add3A_159 : vector<16xi32>
      %gather3A_161 = tpu.vector_load_idx %arg13[%add3A_125, %add3A_160] : memref<128x8xf32, #tpu.memory_space<vmem>>[vector<16xi32>, vector<16xi32>], vector<16xf32>,
      %mul3A_162 = arith.constant 0 : i32
      %mul3A_163 = vector.broadcast %mul3A_162 : i32 to vector<16xi32>
      %mul3A_164 = arith.muli %iota3A, %mul3A_163 : vector<16xi32>
      %add3A_165 = arith.constant 5 : i32
      %add3A_166 = vector.broadcast %add3A_165 : i32 to vector<16xi32>
      %add3A_167 = arith.addi %mul3A_164, %add3A_166 : vector<16xi32>
      %gather3A_168 = tpu.vector_load_idx %arg14[%add3A_125, %add3A_167] : memref<128x8xf32, #tpu.memory_space<vmem>>[vector<16xi32>, vector<16xi32>], vector<16xf32>,
      %add3A_169 = arith.addf %gather3A_161, %gather3A_168 : vector<16xf32>
      %ge3A_170 = arith.constant 0.000000e+00 : f32
      %ge3A_171 = vector.broadcast %ge3A_170 : f32 to vector<16xf32>
      %ge3A_172 = arith.cmpf oge, %add3A_169, %ge3A_171 : vector<16xf32>
      %mul3A_173 = arith.constant 2.000000e-01 : f32
      %mul3A_174 = vector.broadcast %mul3A_173 : f32 to vector<16xf32>
      %mul3A_175 = arith.mulf %mul3A_174, %add3A_169 : vector<16xf32>
      %select_n3A_176 = arith.select %ge3A_172, %add3A_169, %mul3A_175 : vector<16xi1>, vector<16xf32>
      %exp3A_177 = math.exp %select_n3A_176 : vector<16xf32>
      %mul3A_178 = arith.constant 2 : i32
      %mul3A_179 = vector.broadcast %mul3A_178 : i32 to vector<16xi32>
      %mul3A_180 = arith.muli %add3A_125, %mul3A_179 : vector<16xi32>
      %add3A_181 = arith.constant 1 : i32
      %add3A_182 = vector.broadcast %add3A_181 : i32 to vector<16xi32>
      %add3A_183 = arith.addi %mul3A_180, %add3A_182 : vector<16xi32>
      tpu.vector_store_idx %arg15[%add3A_183], %exp3A_177 : memref<256xf32, #tpu.memory_space<vmem>>[vector<16xi32>], vector<16xf32>,
      %add3A_184 = arith.constant 32 : i32
      %add3A_185 = vector.broadcast %add3A_184 : i32 to vector<16xi32>
      %add3A_186 = arith.addi %iota3A, %add3A_185 : vector<16xi32>
      %mul3A_187 = arith.constant 0 : i32
      %mul3A_188 = vector.broadcast %mul3A_187 : i32 to vector<16xi32>
      %mul3A_189 = arith.muli %iota3A, %mul3A_188 : vector<16xi32>
      %add3A_190 = arith.constant 0 : i32
      %add3A_191 = vector.broadcast %add3A_190 : i32 to vector<16xi32>
      %add3A_192 = arith.addi %mul3A_189, %add3A_191 : vector<16xi32>
      %gather3A_193 = tpu.vector_load_idx %arg13[%add3A_186, %add3A_192] : memref<128x8xf32, #tpu.memory_space<vmem>>[vector<16xi32>, vector<16xi32>], vector<16xf32>,
      %mul3A_194 = arith.constant 0 : i32
      %mul3A_195 = vector.broadcast %mul3A_194 : i32 to vector<16xi32>
      %mul3A_196 = arith.muli %iota3A, %mul3A_195 : vector<16xi32>
      %add3A_197 = arith.constant 4 : i32
      %add3A_198 = vector.broadcast %add3A_197 : i32 to vector<16xi32>
      %add3A_199 = arith.addi %mul3A_196, %add3A_198 : vector<16xi32>
      %gather3A_200 = tpu.vector_load_idx %arg14[%add3A_186, %add3A_199] : memref<128x8xf32, #tpu.memory_space<vmem>>[vector<16xi32>, vector<16xi32>], vector<16xf32>,
      %add3A_201 = arith.addf %gather3A_193, %gather3A_200 : vector<16xf32>
      %ge3A_202 = arith.constant 0.000000e+00 : f32
      %ge3A_203 = vector.broadcast %ge3A_202 : f32 to vector<16xf32>
      %ge3A_204 = arith.cmpf oge, %add3A_201, %ge3A_203 : vector<16xf32>
      %mul3A_205 = arith.constant 2.000000e-01 : f32
      %mul3A_206 = vector.broadcast %mul3A_205 : f32 to vector<16xf32>
      %mul3A_207 = arith.mulf %mul3A_206, %add3A_201 : vector<16xf32>
      %select_n3A_208 = arith.select %ge3A_204, %add3A_201, %mul3A_207 : vector<16xi1>, vector<16xf32>
      %exp3A_209 = math.exp %select_n3A_208 : vector<16xf32>
      %mul3A_210 = arith.constant 2 : i32
      %mul3A_211 = vector.broadcast %mul3A_210 : i32 to vector<16xi32>
      %mul3A_212 = arith.muli %add3A_186, %mul3A_211 : vector<16xi32>
      %add3A_213 = arith.constant 0 : i32
      %add3A_214 = vector.broadcast %add3A_213 : i32 to vector<16xi32>
      %add3A_215 = arith.addi %mul3A_212, %add3A_214 : vector<16xi32>
      tpu.vector_store_idx %arg15[%add3A_215], %exp3A_209 : memref<256xf32, #tpu.memory_space<vmem>>[vector<16xi32>], vector<16xf32>,
      %mul3A_216 = arith.constant 0 : i32
      %mul3A_217 = vector.broadcast %mul3A_216 : i32 to vector<16xi32>
      %mul3A_218 = arith.muli %iota3A, %mul3A_217 : vector<16xi32>
      %add3A_219 = arith.constant 1 : i32
      %add3A_220 = vector.broadcast %add3A_219 : i32 to vector<16xi32>
      %add3A_221 = arith.addi %mul3A_218, %add3A_220 : vector<16xi32>
      %gather3A_222 = tpu.vector_load_idx %arg13[%add3A_186, %add3A_221] : memref<128x8xf32, #tpu.memory_space<vmem>>[vector<16xi32>, vector<16xi32>], vector<16xf32>,
      %mul3A_223 = arith.constant 0 : i32
      %mul3A_224 = vector.broadcast %mul3A_223 : i32 to vector<16xi32>
      %mul3A_225 = arith.muli %iota3A, %mul3A_224 : vector<16xi32>
      %add3A_226 = arith.constant 5 : i32
      %add3A_227 = vector.broadcast %add3A_226 : i32 to vector<16xi32>
      %add3A_228 = arith.addi %mul3A_225, %add3A_227 : vector<16xi32>
      %gather3A_229 = tpu.vector_load_idx %arg14[%add3A_186, %add3A_228] : memref<128x8xf32, #tpu.memory_space<vmem>>[vector<16xi32>, vector<16xi32>], vector<16xf32>,
      %add3A_230 = arith.addf %gather3A_222, %gather3A_229 : vector<16xf32>
      %ge3A_231 = arith.constant 0.000000e+00 : f32
      %ge3A_232 = vector.broadcast %ge3A_231 : f32 to vector<16xf32>
      %ge3A_233 = arith.cmpf oge, %add3A_230, %ge3A_232 : vector<16xf32>
      %mul3A_234 = arith.constant 2.000000e-01 : f32
      %mul3A_235 = vector.broadcast %mul3A_234 : f32 to vector<16xf32>
      %mul3A_236 = arith.mulf %mul3A_235, %add3A_230 : vector<16xf32>
      %select_n3A_237 = arith.select %ge3A_233, %add3A_230, %mul3A_236 : vector<16xi1>, vector<16xf32>
      %exp3A_238 = math.exp %select_n3A_237 : vector<16xf32>
      %mul3A_239 = arith.constant 2 : i32
      %mul3A_240 = vector.broadcast %mul3A_239 : i32 to vector<16xi32>
      %mul3A_241 = arith.muli %add3A_186, %mul3A_240 : vector<16xi32>
      %add3A_242 = arith.constant 1 : i32
      %add3A_243 = vector.broadcast %add3A_242 : i32 to vector<16xi32>
      %add3A_244 = arith.addi %mul3A_241, %add3A_243 : vector<16xi32>
      tpu.vector_store_idx %arg15[%add3A_244], %exp3A_238 : memref<256xf32, #tpu.memory_space<vmem>>[vector<16xi32>], vector<16xf32>,
      %add3A_245 = arith.constant 48 : i32
      %add3A_246 = vector.broadcast %add3A_245 : i32 to vector<16xi32>
      %add3A_247 = arith.addi %iota3A, %add3A_246 : vector<16xi32>
      %mul3A_248 = arith.constant 0 : i32
      %mul3A_249 = vector.broadcast %mul3A_248 : i32 to vector<16xi32>
      %mul3A_250 = arith.muli %iota3A, %mul3A_249 : vector<16xi32>
      %add3A_251 = arith.constant 0 : i32
      %add3A_252 = vector.broadcast %add3A_251 : i32 to vector<16xi32>
      %add3A_253 = arith.addi %mul3A_250, %add3A_252 : vector<16xi32>
      %gather3A_254 = tpu.vector_load_idx %arg13[%add3A_247, %add3A_253] : memref<128x8xf32, #tpu.memory_space<vmem>>[vector<16xi32>, vector<16xi32>], vector<16xf32>,
      %mul3A_255 = arith.constant 0 : i32
      %mul3A_256 = vector.broadcast %mul3A_255 : i32 to vector<16xi32>
      %mul3A_257 = arith.muli %iota3A, %mul3A_256 : vector<16xi32>
      %add3A_258 = arith.constant 4 : i32
      %add3A_259 = vector.broadcast %add3A_258 : i32 to vector<16xi32>
      %add3A_260 = arith.addi %mul3A_257, %add3A_259 : vector<16xi32>
      %gather3A_261 = tpu.vector_load_idx %arg14[%add3A_247, %add3A_260] : memref<128x8xf32, #tpu.memory_space<vmem>>[vector<16xi32>, vector<16xi32>], vector<16xf32>,
      %add3A_262 = arith.addf %gather3A_254, %gather3A_261 : vector<16xf32>
      %ge3A_263 = arith.constant 0.000000e+00 : f32
      %ge3A_264 = vector.broadcast %ge3A_263 : f32 to vector<16xf32>
      %ge3A_265 = arith.cmpf oge, %add3A_262, %ge3A_264 : vector<16xf32>
      %mul3A_266 = arith.constant 2.000000e-01 : f32
      %mul3A_267 = vector.broadcast %mul3A_266 : f32 to vector<16xf32>
      %mul3A_268 = arith.mulf %mul3A_267, %add3A_262 : vector<16xf32>
      %select_n3A_269 = arith.select %ge3A_265, %add3A_262, %mul3A_268 : vector<16xi1>, vector<16xf32>
      %exp3A_270 = math.exp %select_n3A_269 : vector<16xf32>
      %mul3A_271 = arith.constant 2 : i32
      %mul3A_272 = vector.broadcast %mul3A_271 : i32 to vector<16xi32>
      %mul3A_273 = arith.muli %add3A_247, %mul3A_272 : vector<16xi32>
      %add3A_274 = arith.constant 0 : i32
      %add3A_275 = vector.broadcast %add3A_274 : i32 to vector<16xi32>
      %add3A_276 = arith.addi %mul3A_273, %add3A_275 : vector<16xi32>
      tpu.vector_store_idx %arg15[%add3A_276], %exp3A_270 : memref<256xf32, #tpu.memory_space<vmem>>[vector<16xi32>], vector<16xf32>,
      %mul3A_277 = arith.constant 0 : i32
      %mul3A_278 = vector.broadcast %mul3A_277 : i32 to vector<16xi32>
      %mul3A_279 = arith.muli %iota3A, %mul3A_278 : vector<16xi32>
      %add3A_280 = arith.constant 1 : i32
      %add3A_281 = vector.broadcast %add3A_280 : i32 to vector<16xi32>
      %add3A_282 = arith.addi %mul3A_279, %add3A_281 : vector<16xi32>
      %gather3A_283 = tpu.vector_load_idx %arg13[%add3A_247, %add3A_282] : memref<128x8xf32, #tpu.memory_space<vmem>>[vector<16xi32>, vector<16xi32>], vector<16xf32>,
      %mul3A_284 = arith.constant 0 : i32
      %mul3A_285 = vector.broadcast %mul3A_284 : i32 to vector<16xi32>
      %mul3A_286 = arith.muli %iota3A, %mul3A_285 : vector<16xi32>
      %add3A_287 = arith.constant 5 : i32
      %add3A_288 = vector.broadcast %add3A_287 : i32 to vector<16xi32>
      %add3A_289 = arith.addi %mul3A_286, %add3A_288 : vector<16xi32>
      %gather3A_290 = tpu.vector_load_idx %arg14[%add3A_247, %add3A_289] : memref<128x8xf32, #tpu.memory_space<vmem>>[vector<16xi32>, vector<16xi32>], vector<16xf32>,
      %add3A_291 = arith.addf %gather3A_283, %gather3A_290 : vector<16xf32>
      %ge3A_292 = arith.constant 0.000000e+00 : f32
      %ge3A_293 = vector.broadcast %ge3A_292 : f32 to vector<16xf32>
      %ge3A_294 = arith.cmpf oge, %add3A_291, %ge3A_293 : vector<16xf32>
      %mul3A_295 = arith.constant 2.000000e-01 : f32
      %mul3A_296 = vector.broadcast %mul3A_295 : f32 to vector<16xf32>
      %mul3A_297 = arith.mulf %mul3A_296, %add3A_291 : vector<16xf32>
      %select_n3A_298 = arith.select %ge3A_294, %add3A_291, %mul3A_297 : vector<16xi1>, vector<16xf32>
      %exp3A_299 = math.exp %select_n3A_298 : vector<16xf32>
      %mul3A_300 = arith.constant 2 : i32
      %mul3A_301 = vector.broadcast %mul3A_300 : i32 to vector<16xi32>
      %mul3A_302 = arith.muli %add3A_247, %mul3A_301 : vector<16xi32>
      %add3A_303 = arith.constant 1 : i32
      %add3A_304 = vector.broadcast %add3A_303 : i32 to vector<16xi32>
      %add3A_305 = arith.addi %mul3A_302, %add3A_304 : vector<16xi32>
      tpu.vector_store_idx %arg15[%add3A_305], %exp3A_299 : memref<256xf32, #tpu.memory_space<vmem>>[vector<16xi32>], vector<16xf32>,
      %add3A_306 = arith.constant 64 : i32
      %add3A_307 = vector.broadcast %add3A_306 : i32 to vector<16xi32>
      %add3A_308 = arith.addi %iota3A, %add3A_307 : vector<16xi32>
      %mul3A_309 = arith.constant 0 : i32
      %mul3A_310 = vector.broadcast %mul3A_309 : i32 to vector<16xi32>
      %mul3A_311 = arith.muli %iota3A, %mul3A_310 : vector<16xi32>
      %add3A_312 = arith.constant 0 : i32
      %add3A_313 = vector.broadcast %add3A_312 : i32 to vector<16xi32>
      %add3A_314 = arith.addi %mul3A_311, %add3A_313 : vector<16xi32>
      %gather3A_315 = tpu.vector_load_idx %arg13[%add3A_308, %add3A_314] : memref<128x8xf32, #tpu.memory_space<vmem>>[vector<16xi32>, vector<16xi32>], vector<16xf32>,
      %mul3A_316 = arith.constant 0 : i32
      %mul3A_317 = vector.broadcast %mul3A_316 : i32 to vector<16xi32>
      %mul3A_318 = arith.muli %iota3A, %mul3A_317 : vector<16xi32>
      %add3A_319 = arith.constant 4 : i32
      %add3A_320 = vector.broadcast %add3A_319 : i32 to vector<16xi32>
      %add3A_321 = arith.addi %mul3A_318, %add3A_320 : vector<16xi32>
      %gather3A_322 = tpu.vector_load_idx %arg14[%add3A_308, %add3A_321] : memref<128x8xf32, #tpu.memory_space<vmem>>[vector<16xi32>, vector<16xi32>], vector<16xf32>,
      %add3A_323 = arith.addf %gather3A_315, %gather3A_322 : vector<16xf32>
      %ge3A_324 = arith.constant 0.000000e+00 : f32
      %ge3A_325 = vector.broadcast %ge3A_324 : f32 to vector<16xf32>
      %ge3A_326 = arith.cmpf oge, %add3A_323, %ge3A_325 : vector<16xf32>
      %mul3A_327 = arith.constant 2.000000e-01 : f32
      %mul3A_328 = vector.broadcast %mul3A_327 : f32 to vector<16xf32>
      %mul3A_329 = arith.mulf %mul3A_328, %add3A_323 : vector<16xf32>
      %select_n3A_330 = arith.select %ge3A_326, %add3A_323, %mul3A_329 : vector<16xi1>, vector<16xf32>
      %exp3A_331 = math.exp %select_n3A_330 : vector<16xf32>
      %mul3A_332 = arith.constant 2 : i32
      %mul3A_333 = vector.broadcast %mul3A_332 : i32 to vector<16xi32>
      %mul3A_334 = arith.muli %add3A_308, %mul3A_333 : vector<16xi32>
      %add3A_335 = arith.constant 0 : i32
      %add3A_336 = vector.broadcast %add3A_335 : i32 to vector<16xi32>
      %add3A_337 = arith.addi %mul3A_334, %add3A_336 : vector<16xi32>
      tpu.vector_store_idx %arg15[%add3A_337], %exp3A_331 : memref<256xf32, #tpu.memory_space<vmem>>[vector<16xi32>], vector<16xf32>,
      %mul3A_338 = arith.constant 0 : i32
      %mul3A_339 = vector.broadcast %mul3A_338 : i32 to vector<16xi32>
      %mul3A_340 = arith.muli %iota3A, %mul3A_339 : vector<16xi32>
      %add3A_341 = arith.constant 1 : i32
      %add3A_342 = vector.broadcast %add3A_341 : i32 to vector<16xi32>
      %add3A_343 = arith.addi %mul3A_340, %add3A_342 : vector<16xi32>
      %gather3A_344 = tpu.vector_load_idx %arg13[%add3A_308, %add3A_343] : memref<128x8xf32, #tpu.memory_space<vmem>>[vector<16xi32>, vector<16xi32>], vector<16xf32>,
      %mul3A_345 = arith.constant 0 : i32
      %mul3A_346 = vector.broadcast %mul3A_345 : i32 to vector<16xi32>
      %mul3A_347 = arith.muli %iota3A, %mul3A_346 : vector<16xi32>
      %add3A_348 = arith.constant 5 : i32
      %add3A_349 = vector.broadcast %add3A_348 : i32 to vector<16xi32>
      %add3A_350 = arith.addi %mul3A_347, %add3A_349 : vector<16xi32>
      %gather3A_351 = tpu.vector_load_idx %arg14[%add3A_308, %add3A_350] : memref<128x8xf32, #tpu.memory_space<vmem>>[vector<16xi32>, vector<16xi32>], vector<16xf32>,
      %add3A_352 = arith.addf %gather3A_344, %gather3A_351 : vector<16xf32>
      %ge3A_353 = arith.constant 0.000000e+00 : f32
      %ge3A_354 = vector.broadcast %ge3A_353 : f32 to vector<16xf32>
      %ge3A_355 = arith.cmpf oge, %add3A_352, %ge3A_354 : vector<16xf32>
      %mul3A_356 = arith.constant 2.000000e-01 : f32
      %mul3A_357 = vector.broadcast %mul3A_356 : f32 to vector<16xf32>
      %mul3A_358 = arith.mulf %mul3A_357, %add3A_352 : vector<16xf32>
      %select_n3A_359 = arith.select %ge3A_355, %add3A_352, %mul3A_358 : vector<16xi1>, vector<16xf32>
      %exp3A_360 = math.exp %select_n3A_359 : vector<16xf32>
      %mul3A_361 = arith.constant 2 : i32
      %mul3A_362 = vector.broadcast %mul3A_361 : i32 to vector<16xi32>
      %mul3A_363 = arith.muli %add3A_308, %mul3A_362 : vector<16xi32>
      %add3A_364 = arith.constant 1 : i32
      %add3A_365 = vector.broadcast %add3A_364 : i32 to vector<16xi32>
      %add3A_366 = arith.addi %mul3A_363, %add3A_365 : vector<16xi32>
      tpu.vector_store_idx %arg15[%add3A_366], %exp3A_360 : memref<256xf32, #tpu.memory_space<vmem>>[vector<16xi32>], vector<16xf32>,
      %add3A_367 = arith.constant 80 : i32
      %add3A_368 = vector.broadcast %add3A_367 : i32 to vector<16xi32>
      %add3A_369 = arith.addi %iota3A, %add3A_368 : vector<16xi32>
      %mul3A_370 = arith.constant 0 : i32
      %mul3A_371 = vector.broadcast %mul3A_370 : i32 to vector<16xi32>
      %mul3A_372 = arith.muli %iota3A, %mul3A_371 : vector<16xi32>
      %add3A_373 = arith.constant 0 : i32
      %add3A_374 = vector.broadcast %add3A_373 : i32 to vector<16xi32>
      %add3A_375 = arith.addi %mul3A_372, %add3A_374 : vector<16xi32>
      %gather3A_376 = tpu.vector_load_idx %arg13[%add3A_369, %add3A_375] : memref<128x8xf32, #tpu.memory_space<vmem>>[vector<16xi32>, vector<16xi32>], vector<16xf32>,
      %mul3A_377 = arith.constant 0 : i32
      %mul3A_378 = vector.broadcast %mul3A_377 : i32 to vector<16xi32>
      %mul3A_379 = arith.muli %iota3A, %mul3A_378 : vector<16xi32>
      %add3A_380 = arith.constant 4 : i32
      %add3A_381 = vector.broadcast %add3A_380 : i32 to vector<16xi32>
      %add3A_382 = arith.addi %mul3A_379, %add3A_381 : vector<16xi32>
      %gather3A_383 = tpu.vector_load_idx %arg14[%add3A_369, %add3A_382] : memref<128x8xf32, #tpu.memory_space<vmem>>[vector<16xi32>, vector<16xi32>], vector<16xf32>,
      %add3A_384 = arith.addf %gather3A_376, %gather3A_383 : vector<16xf32>
      %ge3A_385 = arith.constant 0.000000e+00 : f32
      %ge3A_386 = vector.broadcast %ge3A_385 : f32 to vector<16xf32>
      %ge3A_387 = arith.cmpf oge, %add3A_384, %ge3A_386 : vector<16xf32>
      %mul3A_388 = arith.constant 2.000000e-01 : f32
      %mul3A_389 = vector.broadcast %mul3A_388 : f32 to vector<16xf32>
      %mul3A_390 = arith.mulf %mul3A_389, %add3A_384 : vector<16xf32>
      %select_n3A_391 = arith.select %ge3A_387, %add3A_384, %mul3A_390 : vector<16xi1>, vector<16xf32>
      %exp3A_392 = math.exp %select_n3A_391 : vector<16xf32>
      %mul3A_393 = arith.constant 2 : i32
      %mul3A_394 = vector.broadcast %mul3A_393 : i32 to vector<16xi32>
      %mul3A_395 = arith.muli %add3A_369, %mul3A_394 : vector<16xi32>
      %add3A_396 = arith.constant 0 : i32
      %add3A_397 = vector.broadcast %add3A_396 : i32 to vector<16xi32>
      %add3A_398 = arith.addi %mul3A_395, %add3A_397 : vector<16xi32>
      tpu.vector_store_idx %arg15[%add3A_398], %exp3A_392 : memref<256xf32, #tpu.memory_space<vmem>>[vector<16xi32>], vector<16xf32>,
      %mul3A_399 = arith.constant 0 : i32
      %mul3A_400 = vector.broadcast %mul3A_399 : i32 to vector<16xi32>
      %mul3A_401 = arith.muli %iota3A, %mul3A_400 : vector<16xi32>
      %add3A_402 = arith.constant 1 : i32
      %add3A_403 = vector.broadcast %add3A_402 : i32 to vector<16xi32>
      %add3A_404 = arith.addi %mul3A_401, %add3A_403 : vector<16xi32>
      %gather3A_405 = tpu.vector_load_idx %arg13[%add3A_369, %add3A_404] : memref<128x8xf32, #tpu.memory_space<vmem>>[vector<16xi32>, vector<16xi32>], vector<16xf32>,
      %mul3A_406 = arith.constant 0 : i32
      %mul3A_407 = vector.broadcast %mul3A_406 : i32 to vector<16xi32>
      %mul3A_408 = arith.muli %iota3A, %mul3A_407 : vector<16xi32>
      %add3A_409 = arith.constant 5 : i32
      %add3A_410 = vector.broadcast %add3A_409 : i32 to vector<16xi32>
      %add3A_411 = arith.addi %mul3A_408, %add3A_410 : vector<16xi32>
      %gather3A_412 = tpu.vector_load_idx %arg14[%add3A_369, %add3A_411] : memref<128x8xf32, #tpu.memory_space<vmem>>[vector<16xi32>, vector<16xi32>], vector<16xf32>,
      %add3A_413 = arith.addf %gather3A_405, %gather3A_412 : vector<16xf32>
      %ge3A_414 = arith.constant 0.000000e+00 : f32
      %ge3A_415 = vector.broadcast %ge3A_414 : f32 to vector<16xf32>
      %ge3A_416 = arith.cmpf oge, %add3A_413, %ge3A_415 : vector<16xf32>
      %mul3A_417 = arith.constant 2.000000e-01 : f32
      %mul3A_418 = vector.broadcast %mul3A_417 : f32 to vector<16xf32>
      %mul3A_419 = arith.mulf %mul3A_418, %add3A_413 : vector<16xf32>
      %select_n3A_420 = arith.select %ge3A_416, %add3A_413, %mul3A_419 : vector<16xi1>, vector<16xf32>
      %exp3A_421 = math.exp %select_n3A_420 : vector<16xf32>
      %mul3A_422 = arith.constant 2 : i32
      %mul3A_423 = vector.broadcast %mul3A_422 : i32 to vector<16xi32>
      %mul3A_424 = arith.muli %add3A_369, %mul3A_423 : vector<16xi32>
      %add3A_425 = arith.constant 1 : i32
      %add3A_426 = vector.broadcast %add3A_425 : i32 to vector<16xi32>
      %add3A_427 = arith.addi %mul3A_424, %add3A_426 : vector<16xi32>
      tpu.vector_store_idx %arg15[%add3A_427], %exp3A_421 : memref<256xf32, #tpu.memory_space<vmem>>[vector<16xi32>], vector<16xf32>,
      %add3A_428 = arith.constant 96 : i32
      %add3A_429 = vector.broadcast %add3A_428 : i32 to vector<16xi32>
      %add3A_430 = arith.addi %iota3A, %add3A_429 : vector<16xi32>
      %mul3A_431 = arith.constant 0 : i32
      %mul3A_432 = vector.broadcast %mul3A_431 : i32 to vector<16xi32>
      %mul3A_433 = arith.muli %iota3A, %mul3A_432 : vector<16xi32>
      %add3A_434 = arith.constant 0 : i32
      %add3A_435 = vector.broadcast %add3A_434 : i32 to vector<16xi32>
      %add3A_436 = arith.addi %mul3A_433, %add3A_435 : vector<16xi32>
      %gather3A_437 = tpu.vector_load_idx %arg13[%add3A_430, %add3A_436] : memref<128x8xf32, #tpu.memory_space<vmem>>[vector<16xi32>, vector<16xi32>], vector<16xf32>,
      %mul3A_438 = arith.constant 0 : i32
      %mul3A_439 = vector.broadcast %mul3A_438 : i32 to vector<16xi32>
      %mul3A_440 = arith.muli %iota3A, %mul3A_439 : vector<16xi32>
      %add3A_441 = arith.constant 4 : i32
      %add3A_442 = vector.broadcast %add3A_441 : i32 to vector<16xi32>
      %add3A_443 = arith.addi %mul3A_440, %add3A_442 : vector<16xi32>
      %gather3A_444 = tpu.vector_load_idx %arg14[%add3A_430, %add3A_443] : memref<128x8xf32, #tpu.memory_space<vmem>>[vector<16xi32>, vector<16xi32>], vector<16xf32>,
      %add3A_445 = arith.addf %gather3A_437, %gather3A_444 : vector<16xf32>
      %ge3A_446 = arith.constant 0.000000e+00 : f32
      %ge3A_447 = vector.broadcast %ge3A_446 : f32 to vector<16xf32>
      %ge3A_448 = arith.cmpf oge, %add3A_445, %ge3A_447 : vector<16xf32>
      %mul3A_449 = arith.constant 2.000000e-01 : f32
      %mul3A_450 = vector.broadcast %mul3A_449 : f32 to vector<16xf32>
      %mul3A_451 = arith.mulf %mul3A_450, %add3A_445 : vector<16xf32>
      %select_n3A_452 = arith.select %ge3A_448, %add3A_445, %mul3A_451 : vector<16xi1>, vector<16xf32>
      %exp3A_453 = math.exp %select_n3A_452 : vector<16xf32>
      %mul3A_454 = arith.constant 2 : i32
      %mul3A_455 = vector.broadcast %mul3A_454 : i32 to vector<16xi32>
      %mul3A_456 = arith.muli %add3A_430, %mul3A_455 : vector<16xi32>
      %add3A_457 = arith.constant 0 : i32
      %add3A_458 = vector.broadcast %add3A_457 : i32 to vector<16xi32>
      %add3A_459 = arith.addi %mul3A_456, %add3A_458 : vector<16xi32>
      tpu.vector_store_idx %arg15[%add3A_459], %exp3A_453 : memref<256xf32, #tpu.memory_space<vmem>>[vector<16xi32>], vector<16xf32>,
      %mul3A_460 = arith.constant 0 : i32
      %mul3A_461 = vector.broadcast %mul3A_460 : i32 to vector<16xi32>
      %mul3A_462 = arith.muli %iota3A, %mul3A_461 : vector<16xi32>
      %add3A_463 = arith.constant 1 : i32
      %add3A_464 = vector.broadcast %add3A_463 : i32 to vector<16xi32>
      %add3A_465 = arith.addi %mul3A_462, %add3A_464 : vector<16xi32>
      %gather3A_466 = tpu.vector_load_idx %arg13[%add3A_430, %add3A_465] : memref<128x8xf32, #tpu.memory_space<vmem>>[vector<16xi32>, vector<16xi32>], vector<16xf32>,
      %mul3A_467 = arith.constant 0 : i32
      %mul3A_468 = vector.broadcast %mul3A_467 : i32 to vector<16xi32>
      %mul3A_469 = arith.muli %iota3A, %mul3A_468 : vector<16xi32>
      %add3A_470 = arith.constant 5 : i32
      %add3A_471 = vector.broadcast %add3A_470 : i32 to vector<16xi32>
      %add3A_472 = arith.addi %mul3A_469, %add3A_471 : vector<16xi32>
      %gather3A_473 = tpu.vector_load_idx %arg14[%add3A_430, %add3A_472] : memref<128x8xf32, #tpu.memory_space<vmem>>[vector<16xi32>, vector<16xi32>], vector<16xf32>,
      %add3A_474 = arith.addf %gather3A_466, %gather3A_473 : vector<16xf32>
      %ge3A_475 = arith.constant 0.000000e+00 : f32
      %ge3A_476 = vector.broadcast %ge3A_475 : f32 to vector<16xf32>
      %ge3A_477 = arith.cmpf oge, %add3A_474, %ge3A_476 : vector<16xf32>
      %mul3A_478 = arith.constant 2.000000e-01 : f32
      %mul3A_479 = vector.broadcast %mul3A_478 : f32 to vector<16xf32>
      %mul3A_480 = arith.mulf %mul3A_479, %add3A_474 : vector<16xf32>
      %select_n3A_481 = arith.select %ge3A_477, %add3A_474, %mul3A_480 : vector<16xi1>, vector<16xf32>
      %exp3A_482 = math.exp %select_n3A_481 : vector<16xf32>
      %mul3A_483 = arith.constant 2 : i32
      %mul3A_484 = vector.broadcast %mul3A_483 : i32 to vector<16xi32>
      %mul3A_485 = arith.muli %add3A_430, %mul3A_484 : vector<16xi32>
      %add3A_486 = arith.constant 1 : i32
      %add3A_487 = vector.broadcast %add3A_486 : i32 to vector<16xi32>
      %add3A_488 = arith.addi %mul3A_485, %add3A_487 : vector<16xi32>
      tpu.vector_store_idx %arg15[%add3A_488], %exp3A_482 : memref<256xf32, #tpu.memory_space<vmem>>[vector<16xi32>], vector<16xf32>,
      %add3A_489 = arith.constant 112 : i32
      %add3A_490 = vector.broadcast %add3A_489 : i32 to vector<16xi32>
      %add3A_491 = arith.addi %iota3A, %add3A_490 : vector<16xi32>
      %mul3A_492 = arith.constant 0 : i32
      %mul3A_493 = vector.broadcast %mul3A_492 : i32 to vector<16xi32>
      %mul3A_494 = arith.muli %iota3A, %mul3A_493 : vector<16xi32>
      %add3A_495 = arith.constant 0 : i32
      %add3A_496 = vector.broadcast %add3A_495 : i32 to vector<16xi32>
      %add3A_497 = arith.addi %mul3A_494, %add3A_496 : vector<16xi32>
      %gather3A_498 = tpu.vector_load_idx %arg13[%add3A_491, %add3A_497] : memref<128x8xf32, #tpu.memory_space<vmem>>[vector<16xi32>, vector<16xi32>], vector<16xf32>,
      %mul3A_499 = arith.constant 0 : i32
      %mul3A_500 = vector.broadcast %mul3A_499 : i32 to vector<16xi32>
      %mul3A_501 = arith.muli %iota3A, %mul3A_500 : vector<16xi32>
      %add3A_502 = arith.constant 4 : i32
      %add3A_503 = vector.broadcast %add3A_502 : i32 to vector<16xi32>
      %add3A_504 = arith.addi %mul3A_501, %add3A_503 : vector<16xi32>
      %gather3A_505 = tpu.vector_load_idx %arg14[%add3A_491, %add3A_504] : memref<128x8xf32, #tpu.memory_space<vmem>>[vector<16xi32>, vector<16xi32>], vector<16xf32>,
      %add3A_506 = arith.addf %gather3A_498, %gather3A_505 : vector<16xf32>
      %ge3A_507 = arith.constant 0.000000e+00 : f32
      %ge3A_508 = vector.broadcast %ge3A_507 : f32 to vector<16xf32>
      %ge3A_509 = arith.cmpf oge, %add3A_506, %ge3A_508 : vector<16xf32>
      %mul3A_510 = arith.constant 2.000000e-01 : f32
      %mul3A_511 = vector.broadcast %mul3A_510 : f32 to vector<16xf32>
      %mul3A_512 = arith.mulf %mul3A_511, %add3A_506 : vector<16xf32>
      %select_n3A_513 = arith.select %ge3A_509, %add3A_506, %mul3A_512 : vector<16xi1>, vector<16xf32>
      %exp3A_514 = math.exp %select_n3A_513 : vector<16xf32>
      %mul3A_515 = arith.constant 2 : i32
      %mul3A_516 = vector.broadcast %mul3A_515 : i32 to vector<16xi32>
      %mul3A_517 = arith.muli %add3A_491, %mul3A_516 : vector<16xi32>
      %add3A_518 = arith.constant 0 : i32
      %add3A_519 = vector.broadcast %add3A_518 : i32 to vector<16xi32>
      %add3A_520 = arith.addi %mul3A_517, %add3A_519 : vector<16xi32>
      tpu.vector_store_idx %arg15[%add3A_520], %exp3A_514 : memref<256xf32, #tpu.memory_space<vmem>>[vector<16xi32>], vector<16xf32>,
      %mul3A_521 = arith.constant 0 : i32
      %mul3A_522 = vector.broadcast %mul3A_521 : i32 to vector<16xi32>
      %mul3A_523 = arith.muli %iota3A, %mul3A_522 : vector<16xi32>
      %add3A_524 = arith.constant 1 : i32
      %add3A_525 = vector.broadcast %add3A_524 : i32 to vector<16xi32>
      %add3A_526 = arith.addi %mul3A_523, %add3A_525 : vector<16xi32>
      %gather3A_527 = tpu.vector_load_idx %arg13[%add3A_491, %add3A_526] : memref<128x8xf32, #tpu.memory_space<vmem>>[vector<16xi32>, vector<16xi32>], vector<16xf32>,
      %mul3A_528 = arith.constant 0 : i32
      %mul3A_529 = vector.broadcast %mul3A_528 : i32 to vector<16xi32>
      %mul3A_530 = arith.muli %iota3A, %mul3A_529 : vector<16xi32>
      %add3A_531 = arith.constant 5 : i32
      %add3A_532 = vector.broadcast %add3A_531 : i32 to vector<16xi32>
      %add3A_533 = arith.addi %mul3A_530, %add3A_532 : vector<16xi32>
      %gather3A_534 = tpu.vector_load_idx %arg14[%add3A_491, %add3A_533] : memref<128x8xf32, #tpu.memory_space<vmem>>[vector<16xi32>, vector<16xi32>], vector<16xf32>,
      %add3A_535 = arith.addf %gather3A_527, %gather3A_534 : vector<16xf32>
      %ge3A_536 = arith.constant 0.000000e+00 : f32
      %ge3A_537 = vector.broadcast %ge3A_536 : f32 to vector<16xf32>
      %ge3A_538 = arith.cmpf oge, %add3A_535, %ge3A_537 : vector<16xf32>
      %mul3A_539 = arith.constant 2.000000e-01 : f32
      %mul3A_540 = vector.broadcast %mul3A_539 : f32 to vector<16xf32>
      %mul3A_541 = arith.mulf %mul3A_540, %add3A_535 : vector<16xf32>
      %select_n3A_542 = arith.select %ge3A_538, %add3A_535, %mul3A_541 : vector<16xi1>, vector<16xf32>
      %exp3A_543 = math.exp %select_n3A_542 : vector<16xf32>
      %mul3A_544 = arith.constant 2 : i32
      %mul3A_545 = vector.broadcast %mul3A_544 : i32 to vector<16xi32>
      %mul3A_546 = arith.muli %add3A_491, %mul3A_545 : vector<16xi32>
      %add3A_547 = arith.constant 1 : i32
      %add3A_548 = vector.broadcast %add3A_547 : i32 to vector<16xi32>
      %add3A_549 = arith.addi %mul3A_546, %add3A_548 : vector<16xi32>
      tpu.vector_store_idx %arg15[%add3A_549], %exp3A_543 : memref<256xf32, #tpu.memory_space<vmem>>[vector<16xi32>], vector<16xf32>,
      %scan3A_550 = arith.constant 0 : i32
      %scan3A_551 = arith.constant 0 : i32
      %scan3A_552 = arith.constant 128 : i32
      %scan3A_553 = arith.addi %scan3A_551, %scan3A_552 : i32
      %scan3A_554 = arith.constant 1 : i32
      scf.for %scan3A_556 = %scan3A_551 to %scan3A_553 step %scan3A_554  : i32 {
        %mul3A_557 = arith.constant 2 : i32
        %mul3A_558 = arith.muli %scan3A_556, %mul3A_557 : i32
        %add3A_559 = arith.constant 0 : i32
        %add3A_560 = arith.addi %mul3A_558, %add3A_559 : i32
        %broadcast_in_dim3A = vector.broadcast %add3A_560 : i32 to vector<16xi32>
        %gather3A_561 = tpu.vector_load_idx %arg15[%broadcast_in_dim3A] : memref<256xf32, #tpu.memory_space<vmem>>[vector<16xi32>], vector<16xf32>,
        %mul3A_562 = arith.constant 2 : i32
        %mul3A_563 = arith.muli %scan3A_556, %mul3A_562 : i32
        %add3A_564 = arith.constant 1 : i32
        %add3A_565 = arith.addi %mul3A_563, %add3A_564 : i32
        %broadcast_in_dim3A_566 = vector.broadcast %add3A_565 : i32 to vector<16xi32>
        %gather3A_567 = tpu.vector_load_idx %arg15[%broadcast_in_dim3A_566] : memref<256xf32, #tpu.memory_space<vmem>>[vector<16xi32>], vector<16xf32>,
        %get3A = arith.index_cast %scan3A_556 : i32 to index
        %get3A_568 = arith.constant 0 : index
        %get3A_569 = tpu.vector_load %arg12[%get3A, %get3A_568] {strides = array<i32>} : memref<128x128xf32, #tpu.memory_space<vmem>>, vector<16xf32>,
        %mul3A_570 = arith.mulf %get3A_569, %gather3A_561 : vector<16xf32>
        %swap3A = arith.index_cast %scan3A_556 : i32 to index
        %swap3A_571 = arith.constant 0 : index
        %swap3A_572 = tpu.vector_load %arg12[%swap3A, %swap3A_571] {strides = array<i32>} : memref<128x128xf32, #tpu.memory_space<vmem>>, vector<16xf32>,
        tpu.vector_store %arg12[%swap3A, %swap3A_571], %mul3A_570 {strides = array<i32>} : memref<128x128xf32, #tpu.memory_space<vmem>>, vector<16xf32>,
        %get3A_573 = arith.index_cast %scan3A_556 : i32 to index
        %get3A_574 = arith.constant 16 : index
        %get3A_575 = tpu.vector_load %arg12[%get3A_573, %get3A_574] {strides = array<i32>} : memref<128x128xf32, #tpu.memory_space<vmem>>, vector<16xf32>,
        %mul3A_576 = arith.mulf %get3A_575, %gather3A_561 : vector<16xf32>
        %swap3A_577 = arith.index_cast %scan3A_556 : i32 to index
        %swap3A_578 = arith.constant 16 : index
        %swap3A_579 = tpu.vector_load %arg12[%swap3A_577, %swap3A_578] {strides = array<i32>} : memref<128x128xf32, #tpu.memory_space<vmem>>, vector<16xf32>,
        tpu.vector_store %arg12[%swap3A_577, %swap3A_578], %mul3A_576 {strides = array<i32>} : memref<128x128xf32, #tpu.memory_space<vmem>>, vector<16xf32>,
        %get3A_580 = arith.index_cast %scan3A_556 : i32 to index
        %get3A_581 = arith.constant 32 : index
        %get3A_582 = tpu.vector_load %arg12[%get3A_580, %get3A_581] {strides = array<i32>} : memref<128x128xf32, #tpu.memory_space<vmem>>, vector<16xf32>,
        %mul3A_583 = arith.mulf %get3A_582, %gather3A_561 : vector<16xf32>
        %swap3A_584 = arith.index_cast %scan3A_556 : i32 to index
        %swap3A_585 = arith.constant 32 : index
        %swap3A_586 = tpu.vector_load %arg12[%swap3A_584, %swap3A_585] {strides = array<i32>} : memref<128x128xf32, #tpu.memory_space<vmem>>, vector<16xf32>,
        tpu.vector_store %arg12[%swap3A_584, %swap3A_585], %mul3A_583 {strides = array<i32>} : memref<128x128xf32, #tpu.memory_space<vmem>>, vector<16xf32>,
        %get3A_587 = arith.index_cast %scan3A_556 : i32 to index
        %get3A_588 = arith.constant 48 : index
        %get3A_589 = tpu.vector_load %arg12[%get3A_587, %get3A_588] {strides = array<i32>} : memref<128x128xf32, #tpu.memory_space<vmem>>, vector<16xf32>,
        %mul3A_590 = arith.mulf %get3A_589, %gather3A_561 : vector<16xf32>
        %swap3A_591 = arith.index_cast %scan3A_556 : i32 to index
        %swap3A_592 = arith.constant 48 : index
        %swap3A_593 = tpu.vector_load %arg12[%swap3A_591, %swap3A_592] {strides = array<i32>} : memref<128x128xf32, #tpu.memory_space<vmem>>, vector<16xf32>,
        tpu.vector_store %arg12[%swap3A_591, %swap3A_592], %mul3A_590 {strides = array<i32>} : memref<128x128xf32, #tpu.memory_space<vmem>>, vector<16xf32>,
        %get3A_594 = arith.index_cast %scan3A_556 : i32 to index
        %get3A_595 = arith.constant 64 : index
        %get3A_596 = tpu.vector_load %arg12[%get3A_594, %get3A_595] {strides = array<i32>} : memref<128x128xf32, #tpu.memory_space<vmem>>, vector<16xf32>,
        %mul3A_597 = arith.mulf %get3A_596, %gather3A_567 : vector<16xf32>
        %swap3A_598 = arith.index_cast %scan3A_556 : i32 to index
        %swap3A_599 = arith.constant 64 : index
        %swap3A_600 = tpu.vector_load %arg12[%swap3A_598, %swap3A_599] {strides = array<i32>} : memref<128x128xf32, #tpu.memory_space<vmem>>, vector<16xf32>,
        tpu.vector_store %arg12[%swap3A_598, %swap3A_599], %mul3A_597 {strides = array<i32>} : memref<128x128xf32, #tpu.memory_space<vmem>>, vector<16xf32>,
        %get3A_601 = arith.index_cast %scan3A_556 : i32 to index
        %get3A_602 = arith.constant 80 : index
        %get3A_603 = tpu.vector_load %arg12[%get3A_601, %get3A_602] {strides = array<i32>} : memref<128x128xf32, #tpu.memory_space<vmem>>, vector<16xf32>,
        %mul3A_604 = arith.mulf %get3A_603, %gather3A_567 : vector<16xf32>
        %swap3A_605 = arith.index_cast %scan3A_556 : i32 to index
        %swap3A_606 = arith.constant 80 : index
        %swap3A_607 = tpu.vector_load %arg12[%swap3A_605, %swap3A_606] {strides = array<i32>} : memref<128x128xf32, #tpu.memory_space<vmem>>, vector<16xf32>,
        tpu.vector_store %arg12[%swap3A_605, %swap3A_606], %mul3A_604 {strides = array<i32>} : memref<128x128xf32, #tpu.memory_space<vmem>>, vector<16xf32>,
        %get3A_608 = arith.index_cast %scan3A_556 : i32 to index
        %get3A_609 = arith.constant 96 : index
        %get3A_610 = tpu.vector_load %arg12[%get3A_608, %get3A_609] {strides = array<i32>} : memref<128x128xf32, #tpu.memory_space<vmem>>, vector<16xf32>,
        %mul3A_611 = arith.mulf %get3A_610, %gather3A_567 : vector<16xf32>
        %swap3A_612 = arith.index_cast %scan3A_556 : i32 to index
        %swap3A_613 = arith.constant 96 : index
        %swap3A_614 = tpu.vector_load %arg12[%swap3A_612, %swap3A_613] {strides = array<i32>} : memref<128x128xf32, #tpu.memory_space<vmem>>, vector<16xf32>,
        tpu.vector_store %arg12[%swap3A_612, %swap3A_613], %mul3A_611 {strides = array<i32>} : memref<128x128xf32, #tpu.memory_space<vmem>>, vector<16xf32>,
        %get3A_615 = arith.index_cast %scan3A_556 : i32 to index
        %get3A_616 = arith.constant 112 : index
        %get3A_617 = tpu.vector_load %arg12[%get3A_615, %get3A_616] {strides = array<i32>} : memref<128x128xf32, #tpu.memory_space<vmem>>, vector<16xf32>,
        %mul3A_618 = arith.mulf %get3A_617, %gather3A_567 : vector<16xf32>
        %swap3A_619 = arith.index_cast %scan3A_556 : i32 to index
        %swap3A_620 = arith.constant 112 : index
        %swap3A_621 = tpu.vector_load %arg12[%swap3A_619, %swap3A_620] {strides = array<i32>} : memref<128x128xf32, #tpu.memory_space<vmem>>, vector<16xf32>,
        tpu.vector_store %arg12[%swap3A_619, %swap3A_620], %mul3A_618 {strides = array<i32>} : memref<128x128xf32, #tpu.memory_space<vmem>>, vector<16xf32>,
        %broadcast_in_dim3A_622 = arith.constant 0.000000e+00 : f32
        %broadcast_in_dim3A_623 = vector.broadcast %broadcast_in_dim3A_622 : f32 to vector<16xf32>
        %eq3A = arith.constant 0 : i32
        %eq3A_624 = vector.broadcast %eq3A : i32 to vector<16xi32>
        %eq3A_625 = arith.cmpi eq, %iota3A, %eq3A_624 : vector<16xi32>
        %select_n3A_626 = arith.select %eq3A_625, %gather3A_561, %broadcast_in_dim3A_623 : vector<16xi1>, vector<16xf32>
        %eq3A_627 = arith.constant 1 : i32
        %eq3A_628 = vector.broadcast %eq3A_627 : i32 to vector<16xi32>
        %eq3A_629 = arith.cmpi eq, %iota3A, %eq3A_628 : vector<16xi32>
        %select_n3A_630 = arith.select %eq3A_629, %gather3A_567, %select_n3A_626 : vector<16xi1>, vector<16xf32>
        %broadcast_in_dim3A_631 = vector.broadcast %scan3A_556 : i32 to vector<16xi32>
        tpu.vector_store_idx %arg16[%broadcast_in_dim3A_631, %iota3A], %select_n3A_630 masked %lt3A_14 : memref<128x8xf32, #tpu.memory_space<vmem>>[vector<16xi32>, vector<16xi32>], vector<16xf32>, vector<16xi1>
      }
      %scan3A_555 = arith.constant 128 : i32
      "tpu.region"() ({
        %run_scoped3A = tpu.sem_alloc : memref<!tpu.dma_semaphore, #tpu.memory_space<semaphore_mem>>
        %dma_start3A_556 = arith.constant 0 : i32
        %dma_start3A_557 = tpu.memref_slice %arg11[%scan3A_35, %dma_start3A_556] : memref<80x128xi32, #tpu.memory_space<vmem>> -> memref<1x128xi32, #tpu.memory_space<vmem>>
        %dma_start3A_558 = tpu.memref_squeeze %dma_start3A_557 : memref<1x128xi32, #tpu.memory_space<vmem>> -> memref<128xi32, #tpu.memory_space<vmem>>
        %dma_start3A_559 = arith.constant 0 : i32
        %dma_start3A_560 = arith.constant 0 : i32
        %dma_start3A_561 = tpu.memref_slice %arg17[%dma_start3A_559, %dma_start3A_560] : memref<10240x128xf32, #tpu.memory_space<vmem_shared>> -> memref<10240x128xf32, #tpu.memory_space<vmem_shared>>
        tpu.enqueue_indirect_dma source(%arg12 : memref<128x128xf32, #tpu.memory_space<vmem>>) target(%dma_start3A_561 : memref<10240x128xf32, #tpu.memory_space<vmem_shared>>) offsets(%dma_start3A_558 : memref<128xi32, #tpu.memory_space<vmem>>) semaphore(%run_scoped3A : memref<!tpu.dma_semaphore, #tpu.memory_space<semaphore_mem>>) {add = true}
        %dma_wait3A_562 = arith.constant 0 : i32
        %dma_wait3A_563 = tpu.memref_slice %arg11[%scan3A_35, %dma_wait3A_562] : memref<80x128xi32, #tpu.memory_space<vmem>> -> memref<1x128xi32, #tpu.memory_space<vmem>>
        %dma_wait3A_564 = tpu.memref_squeeze %dma_wait3A_563 : memref<1x128xi32, #tpu.memory_space<vmem>> -> memref<128xi32, #tpu.memory_space<vmem>>
        %dma_wait3A_565 = arith.constant 0 : i32
        %dma_wait3A_566 = arith.constant 0 : i32
        %dma_wait3A_567 = tpu.memref_slice %arg17[%dma_wait3A_565, %dma_wait3A_566] : memref<10240x128xf32, #tpu.memory_space<vmem_shared>> -> memref<10240x128xf32, #tpu.memory_space<vmem_shared>>
        tpu.wait_indirect_dma semaphore(%run_scoped3A : memref<!tpu.dma_semaphore, #tpu.memory_space<semaphore_mem>>) src(%arg12 : memref<128x128xf32, #tpu.memory_space<vmem>>) dst(%dma_wait3A_567 : memref<10240x128xf32, #tpu.memory_space<vmem_shared>>)
        tpu.yield
      }) : () -> ()
      "tpu.region"() ({
        %run_scoped3A = tpu.sem_alloc : memref<!tpu.dma_semaphore, #tpu.memory_space<semaphore_mem>>
        %dma_start3A_556 = arith.constant 0 : i32
        %dma_start3A_557 = tpu.memref_slice %arg11[%scan3A_35, %dma_start3A_556] : memref<80x128xi32, #tpu.memory_space<vmem>> -> memref<1x128xi32, #tpu.memory_space<vmem>>
        %dma_start3A_558 = tpu.memref_squeeze %dma_start3A_557 : memref<1x128xi32, #tpu.memory_space<vmem>> -> memref<128xi32, #tpu.memory_space<vmem>>
        %dma_start3A_559 = arith.constant 0 : i32
        %dma_start3A_560 = arith.constant 0 : i32
        %dma_start3A_561 = tpu.memref_slice %arg18[%dma_start3A_559, %dma_start3A_560] : memref<10240x8xf32, #tpu.memory_space<vmem_shared>> -> memref<10240x8xf32, #tpu.memory_space<vmem_shared>>
        tpu.enqueue_indirect_dma source(%arg16 : memref<128x8xf32, #tpu.memory_space<vmem>>) target(%dma_start3A_561 : memref<10240x8xf32, #tpu.memory_space<vmem_shared>>) offsets(%dma_start3A_558 : memref<128xi32, #tpu.memory_space<vmem>>) semaphore(%run_scoped3A : memref<!tpu.dma_semaphore, #tpu.memory_space<semaphore_mem>>) {add = true}
        %dma_wait3A_562 = arith.constant 0 : i32
        %dma_wait3A_563 = tpu.memref_slice %arg11[%scan3A_35, %dma_wait3A_562] : memref<80x128xi32, #tpu.memory_space<vmem>> -> memref<1x128xi32, #tpu.memory_space<vmem>>
        %dma_wait3A_564 = tpu.memref_squeeze %dma_wait3A_563 : memref<1x128xi32, #tpu.memory_space<vmem>> -> memref<128xi32, #tpu.memory_space<vmem>>
        %dma_wait3A_565 = arith.constant 0 : i32
        %dma_wait3A_566 = arith.constant 0 : i32
        %dma_wait3A_567 = tpu.memref_slice %arg18[%dma_wait3A_565, %dma_wait3A_566] : memref<10240x8xf32, #tpu.memory_space<vmem_shared>> -> memref<10240x8xf32, #tpu.memory_space<vmem_shared>>
        tpu.wait_indirect_dma semaphore(%run_scoped3A : memref<!tpu.dma_semaphore, #tpu.memory_space<semaphore_mem>>) src(%arg16 : memref<128x8xf32, #tpu.memory_space<vmem>>) dst(%dma_wait3A_567 : memref<10240x8xf32, #tpu.memory_space<vmem_shared>>)
        tpu.yield
      }) : () -> ()
    }
    %scan3A_19 = arith.constant 80 : i32
    %barrier3A_20 = arith.constant 0 : index
    tpu.barrier barrier_id(%barrier3A_20)
    %mul3A_21 = arith.constant 640 : i32
    %mul3A_22 = arith.muli %arg1, %mul3A_21 : i32
    %mul3A_23 = arith.constant 10240 : i32
    %mul3A_24 = arith.muli %arg0, %mul3A_23 : i32
    %mul3A_25 = arith.constant 640 : i32
    %mul3A_26 = arith.muli %arg1, %mul3A_25 : i32
    %add3A_27 = arith.addi %mul3A_24, %mul3A_26 : i32
    "tpu.region"() ({
      %run_scoped3A = tpu.sem_alloc : memref<!tpu.dma_semaphore, #tpu.memory_space<semaphore_mem>>
      %dma_start3A = arith.constant 0 : i32
      %dma_start3A_35 = tpu.memref_slice %arg8[%add3A_27, %dma_start3A] : memref<20480x128xf32, #tpu.memory_space<hbm>> -> memref<640x128xf32, #tpu.memory_space<hbm>>
      %dma_start3A_36 = arith.constant 0 : i32
      %dma_start3A_37 = tpu.memref_slice %arg17[%mul3A_22, %dma_start3A_36] : memref<10240x128xf32, #tpu.memory_space<vmem_shared>> -> memref<640x128xf32, #tpu.memory_space<vmem_shared>>
      tpu.enqueue_dma source(%dma_start3A_37 : memref<640x128xf32, #tpu.memory_space<vmem_shared>>) target(%dma_start3A_35 : memref<640x128xf32, #tpu.memory_space<hbm>>) target_semaphore(%run_scoped3A : memref<!tpu.dma_semaphore, #tpu.memory_space<semaphore_mem>>)
      %dma_wait3A = arith.constant 0 : i32
      %dma_wait3A_38 = tpu.memref_slice %arg8[%add3A_27, %dma_wait3A] : memref<20480x128xf32, #tpu.memory_space<hbm>> -> memref<640x128xf32, #tpu.memory_space<hbm>>
      %dma_wait3A_39 = arith.constant 0 : i32
      %dma_wait3A_40 = tpu.memref_slice %arg17[%mul3A_22, %dma_wait3A_39] : memref<10240x128xf32, #tpu.memory_space<vmem_shared>> -> memref<640x128xf32, #tpu.memory_space<vmem_shared>>
      tpu.wait_dma2 semaphore(%run_scoped3A : memref<!tpu.dma_semaphore, #tpu.memory_space<semaphore_mem>>) src(%dma_wait3A_40 : memref<640x128xf32, #tpu.memory_space<vmem_shared>>) dst(%dma_wait3A_38 : memref<640x128xf32, #tpu.memory_space<hbm>>)
      tpu.yield
    }) : () -> ()
    %mul3A_28 = arith.constant 640 : i32
    %mul3A_29 = arith.muli %arg1, %mul3A_28 : i32
    %mul3A_30 = arith.constant 10240 : i32
    %mul3A_31 = arith.muli %arg0, %mul3A_30 : i32
    %mul3A_32 = arith.constant 640 : i32
    %mul3A_33 = arith.muli %arg1, %mul3A_32 : i32
    %add3A_34 = arith.addi %mul3A_31, %mul3A_33 : i32
    "tpu.region"() ({
      %run_scoped3A = tpu.sem_alloc : memref<!tpu.dma_semaphore, #tpu.memory_space<semaphore_mem>>
      %dma_start3A = arith.constant 0 : i32
      %dma_start3A_35 = tpu.memref_slice %arg9[%add3A_34, %dma_start3A] : memref<20480x8xf32, #tpu.memory_space<hbm>> -> memref<640x8xf32, #tpu.memory_space<hbm>>
      %dma_start3A_36 = arith.constant 0 : i32
      %dma_start3A_37 = tpu.memref_slice %arg18[%mul3A_29, %dma_start3A_36] : memref<10240x8xf32, #tpu.memory_space<vmem_shared>> -> memref<640x8xf32, #tpu.memory_space<vmem_shared>>
      tpu.enqueue_dma source(%dma_start3A_37 : memref<640x8xf32, #tpu.memory_space<vmem_shared>>) target(%dma_start3A_35 : memref<640x8xf32, #tpu.memory_space<hbm>>) target_semaphore(%run_scoped3A : memref<!tpu.dma_semaphore, #tpu.memory_space<semaphore_mem>>)
      %dma_wait3A = arith.constant 0 : i32
      %dma_wait3A_38 = tpu.memref_slice %arg9[%add3A_34, %dma_wait3A] : memref<20480x8xf32, #tpu.memory_space<hbm>> -> memref<640x8xf32, #tpu.memory_space<hbm>>
      %dma_wait3A_39 = arith.constant 0 : i32
      %dma_wait3A_40 = tpu.memref_slice %arg18[%mul3A_29, %dma_wait3A_39] : memref<10240x8xf32, #tpu.memory_space<vmem_shared>> -> memref<640x8xf32, #tpu.memory_space<vmem_shared>>
      tpu.wait_dma2 semaphore(%run_scoped3A : memref<!tpu.dma_semaphore, #tpu.memory_space<semaphore_mem>>) src(%dma_wait3A_40 : memref<640x8xf32, #tpu.memory_space<vmem_shared>>) dst(%dma_wait3A_38 : memref<640x8xf32, #tpu.memory_space<hbm>>)
      tpu.yield
    }) : () -> ()
    return
  }
}

#map = affine_map<(d0, d1) -> (0, 0)>
#map1 = affine_map<(d0, d1) -> (0)>
module attributes {stable_mosaic.version = 14 : i64} {
  func.func @ek(%arg0: i32, %arg1: i32, %arg2: memref<10240x64xf32, #tpu.memory_space<hbm>>, %arg3: memref<10240x8xf32, #tpu.memory_space<hbm>>, %arg4: memref<327680xi32, #tpu.memory_space<hbm>>, %arg5: memref<2560x128xi32, #tpu.memory_space<hbm>>, %arg6: memref<10240x64xf32, #tpu.memory_space<hbm>>, %arg7: memref<10240x8xf32, #tpu.memory_space<hbm>>, %arg8: memref<20480x64xf32, #tpu.memory_space<hbm>>, %arg9: memref<20480x8xf32, #tpu.memory_space<hbm>>, %arg10: memref<10240xi32, #tpu.memory_space<vmem>>, %arg11: memref<80x128xi32, #tpu.memory_space<vmem>>, %arg12: memref<128x64xf32, #tpu.memory_space<vmem>>, %arg13: memref<128x8xf32, #tpu.memory_space<vmem>>, %arg14: memref<128x8xf32, #tpu.memory_space<vmem>>, %arg15: memref<128xf32, #tpu.memory_space<vmem>>, %arg16: memref<128x8xf32, #tpu.memory_space<vmem>>, %arg17: memref<10240x64xf32, #tpu.memory_space<vmem_shared>>, %arg18: memref<10240x8xf32, #tpu.memory_space<vmem_shared>>, %arg19: memref<!tpu.dma_semaphore, #tpu.memory_space<semaphore_mem>>, %arg20: memref<!tpu.dma_semaphore, #tpu.memory_space<semaphore_mem>>, %arg21: memref<!tpu.dma_semaphore, #tpu.memory_space<semaphore_mem>>) attributes {dimension_semantics = [#tpu.dimension_semantics<core_parallel>, #tpu.dimension_semantics<subcore_parallel>], iteration_bounds = array<i64: 2, 16>, scalar_prefetch = 0 : i64, scratch_operands = 12 : i64, tpu.core_type = #tpu.core_type<sc_vector_subcore>, window_params = [{transform_indices = #map}, {transform_indices = #map}, {transform_indices = #map1}, {transform_indices = #map}, {transform_indices = #map}, {transform_indices = #map}, {transform_indices = #map}, {transform_indices = #map}]} {
    %mul3A = arith.constant 2 : i32
    %mul3A_0 = arith.muli %arg1, %mul3A : i32
    %add3A = arith.addi %mul3A_0, %arg0 : i32
    %mul3A_1 = arith.constant 10240 : i32
    %mul3A_2 = arith.muli %add3A, %mul3A_1 : i32
    "tpu.region"() ({
      %run_scoped3A = tpu.sem_alloc : memref<!tpu.dma_semaphore, #tpu.memory_space<semaphore_mem>>
      %dma_start3A = tpu.memref_slice %arg4[%mul3A_2] : memref<327680xi32, #tpu.memory_space<hbm>> -> memref<10240xi32, #tpu.memory_space<hbm>>
      %dma_start3A_35 = tpu.memref_slice %arg4[%mul3A_2] : memref<327680xi32, #tpu.memory_space<hbm>> -> memref<10240xi32, #tpu.memory_space<hbm>>
      tpu.enqueue_dma source(%dma_start3A_35 : memref<10240xi32, #tpu.memory_space<hbm>>) target(%arg10 : memref<10240xi32, #tpu.memory_space<vmem>>) target_semaphore(%run_scoped3A : memref<!tpu.dma_semaphore, #tpu.memory_space<semaphore_mem>>)
      %dma_wait3A = tpu.memref_slice %arg4[%mul3A_2] : memref<327680xi32, #tpu.memory_space<hbm>> -> memref<10240xi32, #tpu.memory_space<hbm>>
      %dma_wait3A_36 = tpu.memref_slice %arg4[%mul3A_2] : memref<327680xi32, #tpu.memory_space<hbm>> -> memref<10240xi32, #tpu.memory_space<hbm>>
      tpu.wait_dma2 semaphore(%run_scoped3A : memref<!tpu.dma_semaphore, #tpu.memory_space<semaphore_mem>>) src(%dma_wait3A_36 : memref<10240xi32, #tpu.memory_space<hbm>>) dst(%arg10 : memref<10240xi32, #tpu.memory_space<vmem>>)
      tpu.yield
    }) : () -> ()
    %mul3A_3 = arith.constant 80 : i32
    %mul3A_4 = arith.muli %add3A, %mul3A_3 : i32
    "tpu.region"() ({
      %run_scoped3A = tpu.sem_alloc : memref<!tpu.dma_semaphore, #tpu.memory_space<semaphore_mem>>
      %dma_start3A = arith.constant 0 : i32
      %dma_start3A_35 = tpu.memref_slice %arg5[%mul3A_4, %dma_start3A] : memref<2560x128xi32, #tpu.memory_space<hbm>> -> memref<80x128xi32, #tpu.memory_space<hbm>>
      %dma_start3A_36 = arith.constant 0 : i32
      %dma_start3A_37 = tpu.memref_slice %arg5[%mul3A_4, %dma_start3A_36] : memref<2560x128xi32, #tpu.memory_space<hbm>> -> memref<80x128xi32, #tpu.memory_space<hbm>>
      tpu.enqueue_dma source(%dma_start3A_37 : memref<80x128xi32, #tpu.memory_space<hbm>>) target(%arg11 : memref<80x128xi32, #tpu.memory_space<vmem>>) target_semaphore(%run_scoped3A : memref<!tpu.dma_semaphore, #tpu.memory_space<semaphore_mem>>)
      %dma_wait3A = arith.constant 0 : i32
      %dma_wait3A_38 = tpu.memref_slice %arg5[%mul3A_4, %dma_wait3A] : memref<2560x128xi32, #tpu.memory_space<hbm>> -> memref<80x128xi32, #tpu.memory_space<hbm>>
      %dma_wait3A_39 = arith.constant 0 : i32
      %dma_wait3A_40 = tpu.memref_slice %arg5[%mul3A_4, %dma_wait3A_39] : memref<2560x128xi32, #tpu.memory_space<hbm>> -> memref<80x128xi32, #tpu.memory_space<hbm>>
      tpu.wait_dma2 semaphore(%run_scoped3A : memref<!tpu.dma_semaphore, #tpu.memory_space<semaphore_mem>>) src(%dma_wait3A_40 : memref<80x128xi32, #tpu.memory_space<hbm>>) dst(%arg11 : memref<80x128xi32, #tpu.memory_space<vmem>>)
      tpu.yield
    }) : () -> ()
    %mul3A_5 = arith.constant 640 : i32
    %mul3A_6 = arith.muli %arg1, %mul3A_5 : i32
    %mul3A_7 = arith.constant 640 : i32
    %mul3A_8 = arith.muli %arg1, %mul3A_7 : i32
    "tpu.region"() ({
      %run_scoped3A = tpu.sem_alloc : memref<!tpu.dma_semaphore, #tpu.memory_space<semaphore_mem>>
      %dma_start3A = arith.constant 0 : i32
      %dma_start3A_35 = tpu.memref_slice %arg17[%mul3A_8, %dma_start3A] : memref<10240x64xf32, #tpu.memory_space<vmem_shared>> -> memref<640x64xf32, #tpu.memory_space<vmem_shared>>
      %dma_start3A_36 = arith.constant 0 : i32
      %dma_start3A_37 = tpu.memref_slice %arg6[%mul3A_6, %dma_start3A_36] : memref<10240x64xf32, #tpu.memory_space<hbm>> -> memref<640x64xf32, #tpu.memory_space<hbm>>
      tpu.enqueue_dma source(%dma_start3A_37 : memref<640x64xf32, #tpu.memory_space<hbm>>) target(%dma_start3A_35 : memref<640x64xf32, #tpu.memory_space<vmem_shared>>) target_semaphore(%run_scoped3A : memref<!tpu.dma_semaphore, #tpu.memory_space<semaphore_mem>>)
      %dma_wait3A = arith.constant 0 : i32
      %dma_wait3A_38 = tpu.memref_slice %arg17[%mul3A_8, %dma_wait3A] : memref<10240x64xf32, #tpu.memory_space<vmem_shared>> -> memref<640x64xf32, #tpu.memory_space<vmem_shared>>
      %dma_wait3A_39 = arith.constant 0 : i32
      %dma_wait3A_40 = tpu.memref_slice %arg6[%mul3A_6, %dma_wait3A_39] : memref<10240x64xf32, #tpu.memory_space<hbm>> -> memref<640x64xf32, #tpu.memory_space<hbm>>
      tpu.wait_dma2 semaphore(%run_scoped3A : memref<!tpu.dma_semaphore, #tpu.memory_space<semaphore_mem>>) src(%dma_wait3A_40 : memref<640x64xf32, #tpu.memory_space<hbm>>) dst(%dma_wait3A_38 : memref<640x64xf32, #tpu.memory_space<vmem_shared>>)
      tpu.yield
    }) : () -> ()
    %mul3A_9 = arith.constant 640 : i32
    %mul3A_10 = arith.muli %arg1, %mul3A_9 : i32
    %mul3A_11 = arith.constant 640 : i32
    %mul3A_12 = arith.muli %arg1, %mul3A_11 : i32
    "tpu.region"() ({
      %run_scoped3A = tpu.sem_alloc : memref<!tpu.dma_semaphore, #tpu.memory_space<semaphore_mem>>
      %dma_start3A = arith.constant 0 : i32
      %dma_start3A_35 = tpu.memref_slice %arg18[%mul3A_12, %dma_start3A] : memref<10240x8xf32, #tpu.memory_space<vmem_shared>> -> memref<640x8xf32, #tpu.memory_space<vmem_shared>>
      %dma_start3A_36 = arith.constant 0 : i32
      %dma_start3A_37 = tpu.memref_slice %arg7[%mul3A_10, %dma_start3A_36] : memref<10240x8xf32, #tpu.memory_space<hbm>> -> memref<640x8xf32, #tpu.memory_space<hbm>>
      tpu.enqueue_dma source(%dma_start3A_37 : memref<640x8xf32, #tpu.memory_space<hbm>>) target(%dma_start3A_35 : memref<640x8xf32, #tpu.memory_space<vmem_shared>>) target_semaphore(%run_scoped3A : memref<!tpu.dma_semaphore, #tpu.memory_space<semaphore_mem>>)
      %dma_wait3A = arith.constant 0 : i32
      %dma_wait3A_38 = tpu.memref_slice %arg18[%mul3A_12, %dma_wait3A] : memref<10240x8xf32, #tpu.memory_space<vmem_shared>> -> memref<640x8xf32, #tpu.memory_space<vmem_shared>>
      %dma_wait3A_39 = arith.constant 0 : i32
      %dma_wait3A_40 = tpu.memref_slice %arg7[%mul3A_10, %dma_wait3A_39] : memref<10240x8xf32, #tpu.memory_space<hbm>> -> memref<640x8xf32, #tpu.memory_space<hbm>>
      tpu.wait_dma2 semaphore(%run_scoped3A : memref<!tpu.dma_semaphore, #tpu.memory_space<semaphore_mem>>) src(%dma_wait3A_40 : memref<640x8xf32, #tpu.memory_space<hbm>>) dst(%dma_wait3A_38 : memref<640x8xf32, #tpu.memory_space<vmem_shared>>)
      tpu.yield
    }) : () -> ()
    %barrier3A = arith.constant 0 : index
    tpu.barrier barrier_id(%barrier3A)
    %iota3A = tpu.iota {dimensions = array<i32: 0>} : vector<16xi32>
    %lt3A = arith.constant 8 : i32
    %lt3A_13 = vector.broadcast %lt3A : i32 to vector<16xi32>
    %lt3A_14 = arith.cmpi slt, %iota3A, %lt3A_13 : vector<16xi32>
    %scan3A = arith.constant 0 : i32
    %scan3A_15 = arith.constant 0 : i32
    %scan3A_16 = arith.constant 80 : i32
    %scan3A_17 = arith.addi %scan3A_15, %scan3A_16 : i32
    %scan3A_18 = arith.constant 1 : i32
    scf.for %scan3A_35 = %scan3A_15 to %scan3A_17 step %scan3A_18  : i32 {
      %mul3A_36 = arith.constant 128 : i32
      %mul3A_37 = arith.muli %scan3A_35, %mul3A_36 : i32
      %dma_start3A = tpu.memref_slice %arg10[%mul3A_37] : memref<10240xi32, #tpu.memory_space<vmem>> -> memref<128xi32, #tpu.memory_space<vmem>>
      %dma_start3A_38 = arith.constant 0 : i32
      %dma_start3A_39 = arith.constant 0 : i32
      %dma_start3A_40 = tpu.memref_slice %arg2[%dma_start3A_38, %dma_start3A_39] : memref<10240x64xf32, #tpu.memory_space<hbm>> -> memref<10240x64xf32, #tpu.memory_space<hbm>>
      tpu.enqueue_indirect_dma source(%dma_start3A_40 : memref<10240x64xf32, #tpu.memory_space<hbm>>) target(%arg12 : memref<128x64xf32, #tpu.memory_space<vmem>>) offsets(%dma_start3A : memref<128xi32, #tpu.memory_space<vmem>>) semaphore(%arg19 : memref<!tpu.dma_semaphore, #tpu.memory_space<semaphore_mem>>)
      %mul3A_41 = arith.constant 128 : i32
      %mul3A_42 = arith.muli %scan3A_35, %mul3A_41 : i32
      %dma_start3A_43 = tpu.memref_slice %arg10[%mul3A_42] : memref<10240xi32, #tpu.memory_space<vmem>> -> memref<128xi32, #tpu.memory_space<vmem>>
      %dma_start3A_44 = arith.constant 0 : i32
      %dma_start3A_45 = arith.constant 0 : i32
      %dma_start3A_46 = tpu.memref_slice %arg3[%dma_start3A_44, %dma_start3A_45] : memref<10240x8xf32, #tpu.memory_space<hbm>> -> memref<10240x8xf32, #tpu.memory_space<hbm>>
      tpu.enqueue_indirect_dma source(%dma_start3A_46 : memref<10240x8xf32, #tpu.memory_space<hbm>>) target(%arg13 : memref<128x8xf32, #tpu.memory_space<vmem>>) offsets(%dma_start3A_43 : memref<128xi32, #tpu.memory_space<vmem>>) semaphore(%arg20 : memref<!tpu.dma_semaphore, #tpu.memory_space<semaphore_mem>>)
      %dma_start3A_47 = arith.constant 0 : i32
      %dma_start3A_48 = tpu.memref_slice %arg11[%scan3A_35, %dma_start3A_47] : memref<80x128xi32, #tpu.memory_space<vmem>> -> memref<1x128xi32, #tpu.memory_space<vmem>>
      %dma_start3A_49 = tpu.memref_squeeze %dma_start3A_48 : memref<1x128xi32, #tpu.memory_space<vmem>> -> memref<128xi32, #tpu.memory_space<vmem>>
      %dma_start3A_50 = arith.constant 0 : i32
      %dma_start3A_51 = arith.constant 0 : i32
      %dma_start3A_52 = tpu.memref_slice %arg3[%dma_start3A_50, %dma_start3A_51] : memref<10240x8xf32, #tpu.memory_space<hbm>> -> memref<10240x8xf32, #tpu.memory_space<hbm>>
      tpu.enqueue_indirect_dma source(%dma_start3A_52 : memref<10240x8xf32, #tpu.memory_space<hbm>>) target(%arg14 : memref<128x8xf32, #tpu.memory_space<vmem>>) offsets(%dma_start3A_49 : memref<128xi32, #tpu.memory_space<vmem>>) semaphore(%arg21 : memref<!tpu.dma_semaphore, #tpu.memory_space<semaphore_mem>>)
      %dma_wait3A = tpu.memref_slice %arg10[%mul3A_37] : memref<10240xi32, #tpu.memory_space<vmem>> -> memref<128xi32, #tpu.memory_space<vmem>>
      %dma_wait3A_53 = arith.constant 0 : i32
      %dma_wait3A_54 = arith.constant 0 : i32
      %dma_wait3A_55 = tpu.memref_slice %arg2[%dma_wait3A_53, %dma_wait3A_54] : memref<10240x64xf32, #tpu.memory_space<hbm>> -> memref<10240x64xf32, #tpu.memory_space<hbm>>
      tpu.wait_indirect_dma semaphore(%arg19 : memref<!tpu.dma_semaphore, #tpu.memory_space<semaphore_mem>>) src(%dma_wait3A_55 : memref<10240x64xf32, #tpu.memory_space<hbm>>) dst(%arg12 : memref<128x64xf32, #tpu.memory_space<vmem>>)
      %dma_wait3A_56 = tpu.memref_slice %arg10[%mul3A_42] : memref<10240xi32, #tpu.memory_space<vmem>> -> memref<128xi32, #tpu.memory_space<vmem>>
      %dma_wait3A_57 = arith.constant 0 : i32
      %dma_wait3A_58 = arith.constant 0 : i32
      %dma_wait3A_59 = tpu.memref_slice %arg3[%dma_wait3A_57, %dma_wait3A_58] : memref<10240x8xf32, #tpu.memory_space<hbm>> -> memref<10240x8xf32, #tpu.memory_space<hbm>>
      tpu.wait_indirect_dma semaphore(%arg20 : memref<!tpu.dma_semaphore, #tpu.memory_space<semaphore_mem>>) src(%dma_wait3A_59 : memref<10240x8xf32, #tpu.memory_space<hbm>>) dst(%arg13 : memref<128x8xf32, #tpu.memory_space<vmem>>)
      %dma_wait3A_60 = arith.constant 0 : i32
      %dma_wait3A_61 = tpu.memref_slice %arg11[%scan3A_35, %dma_wait3A_60] : memref<80x128xi32, #tpu.memory_space<vmem>> -> memref<1x128xi32, #tpu.memory_space<vmem>>
      %dma_wait3A_62 = tpu.memref_squeeze %dma_wait3A_61 : memref<1x128xi32, #tpu.memory_space<vmem>> -> memref<128xi32, #tpu.memory_space<vmem>>
      %dma_wait3A_63 = arith.constant 0 : i32
      %dma_wait3A_64 = arith.constant 0 : i32
      %dma_wait3A_65 = tpu.memref_slice %arg3[%dma_wait3A_63, %dma_wait3A_64] : memref<10240x8xf32, #tpu.memory_space<hbm>> -> memref<10240x8xf32, #tpu.memory_space<hbm>>
      tpu.wait_indirect_dma semaphore(%arg21 : memref<!tpu.dma_semaphore, #tpu.memory_space<semaphore_mem>>) src(%dma_wait3A_65 : memref<10240x8xf32, #tpu.memory_space<hbm>>) dst(%arg14 : memref<128x8xf32, #tpu.memory_space<vmem>>)
      %add3A_66 = arith.constant 0 : i32
      %add3A_67 = vector.broadcast %add3A_66 : i32 to vector<16xi32>
      %add3A_68 = arith.addi %iota3A, %add3A_67 : vector<16xi32>
      %mul3A_69 = arith.constant 0 : i32
      %mul3A_70 = vector.broadcast %mul3A_69 : i32 to vector<16xi32>
      %mul3A_71 = arith.muli %iota3A, %mul3A_70 : vector<16xi32>
      %add3A_72 = arith.constant 0 : i32
      %add3A_73 = vector.broadcast %add3A_72 : i32 to vector<16xi32>
      %add3A_74 = arith.addi %mul3A_71, %add3A_73 : vector<16xi32>
      %gather3A = tpu.vector_load_idx %arg13[%add3A_68, %add3A_74] : memref<128x8xf32, #tpu.memory_space<vmem>>[vector<16xi32>, vector<16xi32>], vector<16xf32>,
      %mul3A_75 = arith.constant 0 : i32
      %mul3A_76 = vector.broadcast %mul3A_75 : i32 to vector<16xi32>
      %mul3A_77 = arith.muli %iota3A, %mul3A_76 : vector<16xi32>
      %add3A_78 = arith.constant 4 : i32
      %add3A_79 = vector.broadcast %add3A_78 : i32 to vector<16xi32>
      %add3A_80 = arith.addi %mul3A_77, %add3A_79 : vector<16xi32>
      %gather3A_81 = tpu.vector_load_idx %arg14[%add3A_68, %add3A_80] : memref<128x8xf32, #tpu.memory_space<vmem>>[vector<16xi32>, vector<16xi32>], vector<16xf32>,
      %add3A_82 = arith.addf %gather3A, %gather3A_81 : vector<16xf32>
      %ge3A = arith.constant 0.000000e+00 : f32
      %ge3A_83 = vector.broadcast %ge3A : f32 to vector<16xf32>
      %ge3A_84 = arith.cmpf oge, %add3A_82, %ge3A_83 : vector<16xf32>
      %mul3A_85 = arith.constant 2.000000e-01 : f32
      %mul3A_86 = vector.broadcast %mul3A_85 : f32 to vector<16xf32>
      %mul3A_87 = arith.mulf %mul3A_86, %add3A_82 : vector<16xf32>
      %select_n3A = arith.select %ge3A_84, %add3A_82, %mul3A_87 : vector<16xi1>, vector<16xf32>
      %exp3A = math.exp %select_n3A : vector<16xf32>
      %mul3A_88 = arith.constant 1 : i32
      %mul3A_89 = vector.broadcast %mul3A_88 : i32 to vector<16xi32>
      %mul3A_90 = arith.muli %add3A_68, %mul3A_89 : vector<16xi32>
      %add3A_91 = arith.constant 0 : i32
      %add3A_92 = vector.broadcast %add3A_91 : i32 to vector<16xi32>
      %add3A_93 = arith.addi %mul3A_90, %add3A_92 : vector<16xi32>
      tpu.vector_store_idx %arg15[%add3A_93], %exp3A : memref<128xf32, #tpu.memory_space<vmem>>[vector<16xi32>], vector<16xf32>,
      %add3A_94 = arith.constant 16 : i32
      %add3A_95 = vector.broadcast %add3A_94 : i32 to vector<16xi32>
      %add3A_96 = arith.addi %iota3A, %add3A_95 : vector<16xi32>
      %mul3A_97 = arith.constant 0 : i32
      %mul3A_98 = vector.broadcast %mul3A_97 : i32 to vector<16xi32>
      %mul3A_99 = arith.muli %iota3A, %mul3A_98 : vector<16xi32>
      %add3A_100 = arith.constant 0 : i32
      %add3A_101 = vector.broadcast %add3A_100 : i32 to vector<16xi32>
      %add3A_102 = arith.addi %mul3A_99, %add3A_101 : vector<16xi32>
      %gather3A_103 = tpu.vector_load_idx %arg13[%add3A_96, %add3A_102] : memref<128x8xf32, #tpu.memory_space<vmem>>[vector<16xi32>, vector<16xi32>], vector<16xf32>,
      %mul3A_104 = arith.constant 0 : i32
      %mul3A_105 = vector.broadcast %mul3A_104 : i32 to vector<16xi32>
      %mul3A_106 = arith.muli %iota3A, %mul3A_105 : vector<16xi32>
      %add3A_107 = arith.constant 4 : i32
      %add3A_108 = vector.broadcast %add3A_107 : i32 to vector<16xi32>
      %add3A_109 = arith.addi %mul3A_106, %add3A_108 : vector<16xi32>
      %gather3A_110 = tpu.vector_load_idx %arg14[%add3A_96, %add3A_109] : memref<128x8xf32, #tpu.memory_space<vmem>>[vector<16xi32>, vector<16xi32>], vector<16xf32>,
      %add3A_111 = arith.addf %gather3A_103, %gather3A_110 : vector<16xf32>
      %ge3A_112 = arith.constant 0.000000e+00 : f32
      %ge3A_113 = vector.broadcast %ge3A_112 : f32 to vector<16xf32>
      %ge3A_114 = arith.cmpf oge, %add3A_111, %ge3A_113 : vector<16xf32>
      %mul3A_115 = arith.constant 2.000000e-01 : f32
      %mul3A_116 = vector.broadcast %mul3A_115 : f32 to vector<16xf32>
      %mul3A_117 = arith.mulf %mul3A_116, %add3A_111 : vector<16xf32>
      %select_n3A_118 = arith.select %ge3A_114, %add3A_111, %mul3A_117 : vector<16xi1>, vector<16xf32>
      %exp3A_119 = math.exp %select_n3A_118 : vector<16xf32>
      %mul3A_120 = arith.constant 1 : i32
      %mul3A_121 = vector.broadcast %mul3A_120 : i32 to vector<16xi32>
      %mul3A_122 = arith.muli %add3A_96, %mul3A_121 : vector<16xi32>
      %add3A_123 = arith.constant 0 : i32
      %add3A_124 = vector.broadcast %add3A_123 : i32 to vector<16xi32>
      %add3A_125 = arith.addi %mul3A_122, %add3A_124 : vector<16xi32>
      tpu.vector_store_idx %arg15[%add3A_125], %exp3A_119 : memref<128xf32, #tpu.memory_space<vmem>>[vector<16xi32>], vector<16xf32>,
      %add3A_126 = arith.constant 32 : i32
      %add3A_127 = vector.broadcast %add3A_126 : i32 to vector<16xi32>
      %add3A_128 = arith.addi %iota3A, %add3A_127 : vector<16xi32>
      %mul3A_129 = arith.constant 0 : i32
      %mul3A_130 = vector.broadcast %mul3A_129 : i32 to vector<16xi32>
      %mul3A_131 = arith.muli %iota3A, %mul3A_130 : vector<16xi32>
      %add3A_132 = arith.constant 0 : i32
      %add3A_133 = vector.broadcast %add3A_132 : i32 to vector<16xi32>
      %add3A_134 = arith.addi %mul3A_131, %add3A_133 : vector<16xi32>
      %gather3A_135 = tpu.vector_load_idx %arg13[%add3A_128, %add3A_134] : memref<128x8xf32, #tpu.memory_space<vmem>>[vector<16xi32>, vector<16xi32>], vector<16xf32>,
      %mul3A_136 = arith.constant 0 : i32
      %mul3A_137 = vector.broadcast %mul3A_136 : i32 to vector<16xi32>
      %mul3A_138 = arith.muli %iota3A, %mul3A_137 : vector<16xi32>
      %add3A_139 = arith.constant 4 : i32
      %add3A_140 = vector.broadcast %add3A_139 : i32 to vector<16xi32>
      %add3A_141 = arith.addi %mul3A_138, %add3A_140 : vector<16xi32>
      %gather3A_142 = tpu.vector_load_idx %arg14[%add3A_128, %add3A_141] : memref<128x8xf32, #tpu.memory_space<vmem>>[vector<16xi32>, vector<16xi32>], vector<16xf32>,
      %add3A_143 = arith.addf %gather3A_135, %gather3A_142 : vector<16xf32>
      %ge3A_144 = arith.constant 0.000000e+00 : f32
      %ge3A_145 = vector.broadcast %ge3A_144 : f32 to vector<16xf32>
      %ge3A_146 = arith.cmpf oge, %add3A_143, %ge3A_145 : vector<16xf32>
      %mul3A_147 = arith.constant 2.000000e-01 : f32
      %mul3A_148 = vector.broadcast %mul3A_147 : f32 to vector<16xf32>
      %mul3A_149 = arith.mulf %mul3A_148, %add3A_143 : vector<16xf32>
      %select_n3A_150 = arith.select %ge3A_146, %add3A_143, %mul3A_149 : vector<16xi1>, vector<16xf32>
      %exp3A_151 = math.exp %select_n3A_150 : vector<16xf32>
      %mul3A_152 = arith.constant 1 : i32
      %mul3A_153 = vector.broadcast %mul3A_152 : i32 to vector<16xi32>
      %mul3A_154 = arith.muli %add3A_128, %mul3A_153 : vector<16xi32>
      %add3A_155 = arith.constant 0 : i32
      %add3A_156 = vector.broadcast %add3A_155 : i32 to vector<16xi32>
      %add3A_157 = arith.addi %mul3A_154, %add3A_156 : vector<16xi32>
      tpu.vector_store_idx %arg15[%add3A_157], %exp3A_151 : memref<128xf32, #tpu.memory_space<vmem>>[vector<16xi32>], vector<16xf32>,
      %add3A_158 = arith.constant 48 : i32
      %add3A_159 = vector.broadcast %add3A_158 : i32 to vector<16xi32>
      %add3A_160 = arith.addi %iota3A, %add3A_159 : vector<16xi32>
      %mul3A_161 = arith.constant 0 : i32
      %mul3A_162 = vector.broadcast %mul3A_161 : i32 to vector<16xi32>
      %mul3A_163 = arith.muli %iota3A, %mul3A_162 : vector<16xi32>
      %add3A_164 = arith.constant 0 : i32
      %add3A_165 = vector.broadcast %add3A_164 : i32 to vector<16xi32>
      %add3A_166 = arith.addi %mul3A_163, %add3A_165 : vector<16xi32>
      %gather3A_167 = tpu.vector_load_idx %arg13[%add3A_160, %add3A_166] : memref<128x8xf32, #tpu.memory_space<vmem>>[vector<16xi32>, vector<16xi32>], vector<16xf32>,
      %mul3A_168 = arith.constant 0 : i32
      %mul3A_169 = vector.broadcast %mul3A_168 : i32 to vector<16xi32>
      %mul3A_170 = arith.muli %iota3A, %mul3A_169 : vector<16xi32>
      %add3A_171 = arith.constant 4 : i32
      %add3A_172 = vector.broadcast %add3A_171 : i32 to vector<16xi32>
      %add3A_173 = arith.addi %mul3A_170, %add3A_172 : vector<16xi32>
      %gather3A_174 = tpu.vector_load_idx %arg14[%add3A_160, %add3A_173] : memref<128x8xf32, #tpu.memory_space<vmem>>[vector<16xi32>, vector<16xi32>], vector<16xf32>,
      %add3A_175 = arith.addf %gather3A_167, %gather3A_174 : vector<16xf32>
      %ge3A_176 = arith.constant 0.000000e+00 : f32
      %ge3A_177 = vector.broadcast %ge3A_176 : f32 to vector<16xf32>
      %ge3A_178 = arith.cmpf oge, %add3A_175, %ge3A_177 : vector<16xf32>
      %mul3A_179 = arith.constant 2.000000e-01 : f32
      %mul3A_180 = vector.broadcast %mul3A_179 : f32 to vector<16xf32>
      %mul3A_181 = arith.mulf %mul3A_180, %add3A_175 : vector<16xf32>
      %select_n3A_182 = arith.select %ge3A_178, %add3A_175, %mul3A_181 : vector<16xi1>, vector<16xf32>
      %exp3A_183 = math.exp %select_n3A_182 : vector<16xf32>
      %mul3A_184 = arith.constant 1 : i32
      %mul3A_185 = vector.broadcast %mul3A_184 : i32 to vector<16xi32>
      %mul3A_186 = arith.muli %add3A_160, %mul3A_185 : vector<16xi32>
      %add3A_187 = arith.constant 0 : i32
      %add3A_188 = vector.broadcast %add3A_187 : i32 to vector<16xi32>
      %add3A_189 = arith.addi %mul3A_186, %add3A_188 : vector<16xi32>
      tpu.vector_store_idx %arg15[%add3A_189], %exp3A_183 : memref<128xf32, #tpu.memory_space<vmem>>[vector<16xi32>], vector<16xf32>,
      %add3A_190 = arith.constant 64 : i32
      %add3A_191 = vector.broadcast %add3A_190 : i32 to vector<16xi32>
      %add3A_192 = arith.addi %iota3A, %add3A_191 : vector<16xi32>
      %mul3A_193 = arith.constant 0 : i32
      %mul3A_194 = vector.broadcast %mul3A_193 : i32 to vector<16xi32>
      %mul3A_195 = arith.muli %iota3A, %mul3A_194 : vector<16xi32>
      %add3A_196 = arith.constant 0 : i32
      %add3A_197 = vector.broadcast %add3A_196 : i32 to vector<16xi32>
      %add3A_198 = arith.addi %mul3A_195, %add3A_197 : vector<16xi32>
      %gather3A_199 = tpu.vector_load_idx %arg13[%add3A_192, %add3A_198] : memref<128x8xf32, #tpu.memory_space<vmem>>[vector<16xi32>, vector<16xi32>], vector<16xf32>,
      %mul3A_200 = arith.constant 0 : i32
      %mul3A_201 = vector.broadcast %mul3A_200 : i32 to vector<16xi32>
      %mul3A_202 = arith.muli %iota3A, %mul3A_201 : vector<16xi32>
      %add3A_203 = arith.constant 4 : i32
      %add3A_204 = vector.broadcast %add3A_203 : i32 to vector<16xi32>
      %add3A_205 = arith.addi %mul3A_202, %add3A_204 : vector<16xi32>
      %gather3A_206 = tpu.vector_load_idx %arg14[%add3A_192, %add3A_205] : memref<128x8xf32, #tpu.memory_space<vmem>>[vector<16xi32>, vector<16xi32>], vector<16xf32>,
      %add3A_207 = arith.addf %gather3A_199, %gather3A_206 : vector<16xf32>
      %ge3A_208 = arith.constant 0.000000e+00 : f32
      %ge3A_209 = vector.broadcast %ge3A_208 : f32 to vector<16xf32>
      %ge3A_210 = arith.cmpf oge, %add3A_207, %ge3A_209 : vector<16xf32>
      %mul3A_211 = arith.constant 2.000000e-01 : f32
      %mul3A_212 = vector.broadcast %mul3A_211 : f32 to vector<16xf32>
      %mul3A_213 = arith.mulf %mul3A_212, %add3A_207 : vector<16xf32>
      %select_n3A_214 = arith.select %ge3A_210, %add3A_207, %mul3A_213 : vector<16xi1>, vector<16xf32>
      %exp3A_215 = math.exp %select_n3A_214 : vector<16xf32>
      %mul3A_216 = arith.constant 1 : i32
      %mul3A_217 = vector.broadcast %mul3A_216 : i32 to vector<16xi32>
      %mul3A_218 = arith.muli %add3A_192, %mul3A_217 : vector<16xi32>
      %add3A_219 = arith.constant 0 : i32
      %add3A_220 = vector.broadcast %add3A_219 : i32 to vector<16xi32>
      %add3A_221 = arith.addi %mul3A_218, %add3A_220 : vector<16xi32>
      tpu.vector_store_idx %arg15[%add3A_221], %exp3A_215 : memref<128xf32, #tpu.memory_space<vmem>>[vector<16xi32>], vector<16xf32>,
      %add3A_222 = arith.constant 80 : i32
      %add3A_223 = vector.broadcast %add3A_222 : i32 to vector<16xi32>
      %add3A_224 = arith.addi %iota3A, %add3A_223 : vector<16xi32>
      %mul3A_225 = arith.constant 0 : i32
      %mul3A_226 = vector.broadcast %mul3A_225 : i32 to vector<16xi32>
      %mul3A_227 = arith.muli %iota3A, %mul3A_226 : vector<16xi32>
      %add3A_228 = arith.constant 0 : i32
      %add3A_229 = vector.broadcast %add3A_228 : i32 to vector<16xi32>
      %add3A_230 = arith.addi %mul3A_227, %add3A_229 : vector<16xi32>
      %gather3A_231 = tpu.vector_load_idx %arg13[%add3A_224, %add3A_230] : memref<128x8xf32, #tpu.memory_space<vmem>>[vector<16xi32>, vector<16xi32>], vector<16xf32>,
      %mul3A_232 = arith.constant 0 : i32
      %mul3A_233 = vector.broadcast %mul3A_232 : i32 to vector<16xi32>
      %mul3A_234 = arith.muli %iota3A, %mul3A_233 : vector<16xi32>
      %add3A_235 = arith.constant 4 : i32
      %add3A_236 = vector.broadcast %add3A_235 : i32 to vector<16xi32>
      %add3A_237 = arith.addi %mul3A_234, %add3A_236 : vector<16xi32>
      %gather3A_238 = tpu.vector_load_idx %arg14[%add3A_224, %add3A_237] : memref<128x8xf32, #tpu.memory_space<vmem>>[vector<16xi32>, vector<16xi32>], vector<16xf32>,
      %add3A_239 = arith.addf %gather3A_231, %gather3A_238 : vector<16xf32>
      %ge3A_240 = arith.constant 0.000000e+00 : f32
      %ge3A_241 = vector.broadcast %ge3A_240 : f32 to vector<16xf32>
      %ge3A_242 = arith.cmpf oge, %add3A_239, %ge3A_241 : vector<16xf32>
      %mul3A_243 = arith.constant 2.000000e-01 : f32
      %mul3A_244 = vector.broadcast %mul3A_243 : f32 to vector<16xf32>
      %mul3A_245 = arith.mulf %mul3A_244, %add3A_239 : vector<16xf32>
      %select_n3A_246 = arith.select %ge3A_242, %add3A_239, %mul3A_245 : vector<16xi1>, vector<16xf32>
      %exp3A_247 = math.exp %select_n3A_246 : vector<16xf32>
      %mul3A_248 = arith.constant 1 : i32
      %mul3A_249 = vector.broadcast %mul3A_248 : i32 to vector<16xi32>
      %mul3A_250 = arith.muli %add3A_224, %mul3A_249 : vector<16xi32>
      %add3A_251 = arith.constant 0 : i32
      %add3A_252 = vector.broadcast %add3A_251 : i32 to vector<16xi32>
      %add3A_253 = arith.addi %mul3A_250, %add3A_252 : vector<16xi32>
      tpu.vector_store_idx %arg15[%add3A_253], %exp3A_247 : memref<128xf32, #tpu.memory_space<vmem>>[vector<16xi32>], vector<16xf32>,
      %add3A_254 = arith.constant 96 : i32
      %add3A_255 = vector.broadcast %add3A_254 : i32 to vector<16xi32>
      %add3A_256 = arith.addi %iota3A, %add3A_255 : vector<16xi32>
      %mul3A_257 = arith.constant 0 : i32
      %mul3A_258 = vector.broadcast %mul3A_257 : i32 to vector<16xi32>
      %mul3A_259 = arith.muli %iota3A, %mul3A_258 : vector<16xi32>
      %add3A_260 = arith.constant 0 : i32
      %add3A_261 = vector.broadcast %add3A_260 : i32 to vector<16xi32>
      %add3A_262 = arith.addi %mul3A_259, %add3A_261 : vector<16xi32>
      %gather3A_263 = tpu.vector_load_idx %arg13[%add3A_256, %add3A_262] : memref<128x8xf32, #tpu.memory_space<vmem>>[vector<16xi32>, vector<16xi32>], vector<16xf32>,
      %mul3A_264 = arith.constant 0 : i32
      %mul3A_265 = vector.broadcast %mul3A_264 : i32 to vector<16xi32>
      %mul3A_266 = arith.muli %iota3A, %mul3A_265 : vector<16xi32>
      %add3A_267 = arith.constant 4 : i32
      %add3A_268 = vector.broadcast %add3A_267 : i32 to vector<16xi32>
      %add3A_269 = arith.addi %mul3A_266, %add3A_268 : vector<16xi32>
      %gather3A_270 = tpu.vector_load_idx %arg14[%add3A_256, %add3A_269] : memref<128x8xf32, #tpu.memory_space<vmem>>[vector<16xi32>, vector<16xi32>], vector<16xf32>,
      %add3A_271 = arith.addf %gather3A_263, %gather3A_270 : vector<16xf32>
      %ge3A_272 = arith.constant 0.000000e+00 : f32
      %ge3A_273 = vector.broadcast %ge3A_272 : f32 to vector<16xf32>
      %ge3A_274 = arith.cmpf oge, %add3A_271, %ge3A_273 : vector<16xf32>
      %mul3A_275 = arith.constant 2.000000e-01 : f32
      %mul3A_276 = vector.broadcast %mul3A_275 : f32 to vector<16xf32>
      %mul3A_277 = arith.mulf %mul3A_276, %add3A_271 : vector<16xf32>
      %select_n3A_278 = arith.select %ge3A_274, %add3A_271, %mul3A_277 : vector<16xi1>, vector<16xf32>
      %exp3A_279 = math.exp %select_n3A_278 : vector<16xf32>
      %mul3A_280 = arith.constant 1 : i32
      %mul3A_281 = vector.broadcast %mul3A_280 : i32 to vector<16xi32>
      %mul3A_282 = arith.muli %add3A_256, %mul3A_281 : vector<16xi32>
      %add3A_283 = arith.constant 0 : i32
      %add3A_284 = vector.broadcast %add3A_283 : i32 to vector<16xi32>
      %add3A_285 = arith.addi %mul3A_282, %add3A_284 : vector<16xi32>
      tpu.vector_store_idx %arg15[%add3A_285], %exp3A_279 : memref<128xf32, #tpu.memory_space<vmem>>[vector<16xi32>], vector<16xf32>,
      %add3A_286 = arith.constant 112 : i32
      %add3A_287 = vector.broadcast %add3A_286 : i32 to vector<16xi32>
      %add3A_288 = arith.addi %iota3A, %add3A_287 : vector<16xi32>
      %mul3A_289 = arith.constant 0 : i32
      %mul3A_290 = vector.broadcast %mul3A_289 : i32 to vector<16xi32>
      %mul3A_291 = arith.muli %iota3A, %mul3A_290 : vector<16xi32>
      %add3A_292 = arith.constant 0 : i32
      %add3A_293 = vector.broadcast %add3A_292 : i32 to vector<16xi32>
      %add3A_294 = arith.addi %mul3A_291, %add3A_293 : vector<16xi32>
      %gather3A_295 = tpu.vector_load_idx %arg13[%add3A_288, %add3A_294] : memref<128x8xf32, #tpu.memory_space<vmem>>[vector<16xi32>, vector<16xi32>], vector<16xf32>,
      %mul3A_296 = arith.constant 0 : i32
      %mul3A_297 = vector.broadcast %mul3A_296 : i32 to vector<16xi32>
      %mul3A_298 = arith.muli %iota3A, %mul3A_297 : vector<16xi32>
      %add3A_299 = arith.constant 4 : i32
      %add3A_300 = vector.broadcast %add3A_299 : i32 to vector<16xi32>
      %add3A_301 = arith.addi %mul3A_298, %add3A_300 : vector<16xi32>
      %gather3A_302 = tpu.vector_load_idx %arg14[%add3A_288, %add3A_301] : memref<128x8xf32, #tpu.memory_space<vmem>>[vector<16xi32>, vector<16xi32>], vector<16xf32>,
      %add3A_303 = arith.addf %gather3A_295, %gather3A_302 : vector<16xf32>
      %ge3A_304 = arith.constant 0.000000e+00 : f32
      %ge3A_305 = vector.broadcast %ge3A_304 : f32 to vector<16xf32>
      %ge3A_306 = arith.cmpf oge, %add3A_303, %ge3A_305 : vector<16xf32>
      %mul3A_307 = arith.constant 2.000000e-01 : f32
      %mul3A_308 = vector.broadcast %mul3A_307 : f32 to vector<16xf32>
      %mul3A_309 = arith.mulf %mul3A_308, %add3A_303 : vector<16xf32>
      %select_n3A_310 = arith.select %ge3A_306, %add3A_303, %mul3A_309 : vector<16xi1>, vector<16xf32>
      %exp3A_311 = math.exp %select_n3A_310 : vector<16xf32>
      %mul3A_312 = arith.constant 1 : i32
      %mul3A_313 = vector.broadcast %mul3A_312 : i32 to vector<16xi32>
      %mul3A_314 = arith.muli %add3A_288, %mul3A_313 : vector<16xi32>
      %add3A_315 = arith.constant 0 : i32
      %add3A_316 = vector.broadcast %add3A_315 : i32 to vector<16xi32>
      %add3A_317 = arith.addi %mul3A_314, %add3A_316 : vector<16xi32>
      tpu.vector_store_idx %arg15[%add3A_317], %exp3A_311 : memref<128xf32, #tpu.memory_space<vmem>>[vector<16xi32>], vector<16xf32>,
      %scan3A_318 = arith.constant 0 : i32
      %scan3A_319 = arith.constant 0 : i32
      %scan3A_320 = arith.constant 128 : i32
      %scan3A_321 = arith.addi %scan3A_319, %scan3A_320 : i32
      %scan3A_322 = arith.constant 1 : i32
      scf.for %scan3A_324 = %scan3A_319 to %scan3A_321 step %scan3A_322  : i32 {
        %mul3A_325 = arith.constant 1 : i32
        %mul3A_326 = arith.muli %scan3A_324, %mul3A_325 : i32
        %add3A_327 = arith.constant 0 : i32
        %add3A_328 = arith.addi %mul3A_326, %add3A_327 : i32
        %broadcast_in_dim3A = vector.broadcast %add3A_328 : i32 to vector<16xi32>
        %gather3A_329 = tpu.vector_load_idx %arg15[%broadcast_in_dim3A] : memref<128xf32, #tpu.memory_space<vmem>>[vector<16xi32>], vector<16xf32>,
        %get3A = arith.index_cast %scan3A_324 : i32 to index
        %get3A_330 = arith.constant 0 : index
        %get3A_331 = tpu.vector_load %arg12[%get3A, %get3A_330] {strides = array<i32>} : memref<128x64xf32, #tpu.memory_space<vmem>>, vector<16xf32>,
        %mul3A_332 = arith.mulf %get3A_331, %gather3A_329 : vector<16xf32>
        %swap3A = arith.index_cast %scan3A_324 : i32 to index
        %swap3A_333 = arith.constant 0 : index
        %swap3A_334 = tpu.vector_load %arg12[%swap3A, %swap3A_333] {strides = array<i32>} : memref<128x64xf32, #tpu.memory_space<vmem>>, vector<16xf32>,
        tpu.vector_store %arg12[%swap3A, %swap3A_333], %mul3A_332 {strides = array<i32>} : memref<128x64xf32, #tpu.memory_space<vmem>>, vector<16xf32>,
        %get3A_335 = arith.index_cast %scan3A_324 : i32 to index
        %get3A_336 = arith.constant 16 : index
        %get3A_337 = tpu.vector_load %arg12[%get3A_335, %get3A_336] {strides = array<i32>} : memref<128x64xf32, #tpu.memory_space<vmem>>, vector<16xf32>,
        %mul3A_338 = arith.mulf %get3A_337, %gather3A_329 : vector<16xf32>
        %swap3A_339 = arith.index_cast %scan3A_324 : i32 to index
        %swap3A_340 = arith.constant 16 : index
        %swap3A_341 = tpu.vector_load %arg12[%swap3A_339, %swap3A_340] {strides = array<i32>} : memref<128x64xf32, #tpu.memory_space<vmem>>, vector<16xf32>,
        tpu.vector_store %arg12[%swap3A_339, %swap3A_340], %mul3A_338 {strides = array<i32>} : memref<128x64xf32, #tpu.memory_space<vmem>>, vector<16xf32>,
        %get3A_342 = arith.index_cast %scan3A_324 : i32 to index
        %get3A_343 = arith.constant 32 : index
        %get3A_344 = tpu.vector_load %arg12[%get3A_342, %get3A_343] {strides = array<i32>} : memref<128x64xf32, #tpu.memory_space<vmem>>, vector<16xf32>,
        %mul3A_345 = arith.mulf %get3A_344, %gather3A_329 : vector<16xf32>
        %swap3A_346 = arith.index_cast %scan3A_324 : i32 to index
        %swap3A_347 = arith.constant 32 : index
        %swap3A_348 = tpu.vector_load %arg12[%swap3A_346, %swap3A_347] {strides = array<i32>} : memref<128x64xf32, #tpu.memory_space<vmem>>, vector<16xf32>,
        tpu.vector_store %arg12[%swap3A_346, %swap3A_347], %mul3A_345 {strides = array<i32>} : memref<128x64xf32, #tpu.memory_space<vmem>>, vector<16xf32>,
        %get3A_349 = arith.index_cast %scan3A_324 : i32 to index
        %get3A_350 = arith.constant 48 : index
        %get3A_351 = tpu.vector_load %arg12[%get3A_349, %get3A_350] {strides = array<i32>} : memref<128x64xf32, #tpu.memory_space<vmem>>, vector<16xf32>,
        %mul3A_352 = arith.mulf %get3A_351, %gather3A_329 : vector<16xf32>
        %swap3A_353 = arith.index_cast %scan3A_324 : i32 to index
        %swap3A_354 = arith.constant 48 : index
        %swap3A_355 = tpu.vector_load %arg12[%swap3A_353, %swap3A_354] {strides = array<i32>} : memref<128x64xf32, #tpu.memory_space<vmem>>, vector<16xf32>,
        tpu.vector_store %arg12[%swap3A_353, %swap3A_354], %mul3A_352 {strides = array<i32>} : memref<128x64xf32, #tpu.memory_space<vmem>>, vector<16xf32>,
        %broadcast_in_dim3A_356 = arith.constant 0.000000e+00 : f32
        %broadcast_in_dim3A_357 = vector.broadcast %broadcast_in_dim3A_356 : f32 to vector<16xf32>
        %eq3A = arith.constant 0 : i32
        %eq3A_358 = vector.broadcast %eq3A : i32 to vector<16xi32>
        %eq3A_359 = arith.cmpi eq, %iota3A, %eq3A_358 : vector<16xi32>
        %select_n3A_360 = arith.select %eq3A_359, %gather3A_329, %broadcast_in_dim3A_357 : vector<16xi1>, vector<16xf32>
        %broadcast_in_dim3A_361 = vector.broadcast %scan3A_324 : i32 to vector<16xi32>
        tpu.vector_store_idx %arg16[%broadcast_in_dim3A_361, %iota3A], %select_n3A_360 masked %lt3A_14 : memref<128x8xf32, #tpu.memory_space<vmem>>[vector<16xi32>, vector<16xi32>], vector<16xf32>, vector<16xi1>
      }
      %scan3A_323 = arith.constant 128 : i32
      "tpu.region"() ({
        %run_scoped3A = tpu.sem_alloc : memref<!tpu.dma_semaphore, #tpu.memory_space<semaphore_mem>>
        %dma_start3A_324 = arith.constant 0 : i32
        %dma_start3A_325 = tpu.memref_slice %arg11[%scan3A_35, %dma_start3A_324] : memref<80x128xi32, #tpu.memory_space<vmem>> -> memref<1x128xi32, #tpu.memory_space<vmem>>
        %dma_start3A_326 = tpu.memref_squeeze %dma_start3A_325 : memref<1x128xi32, #tpu.memory_space<vmem>> -> memref<128xi32, #tpu.memory_space<vmem>>
        %dma_start3A_327 = arith.constant 0 : i32
        %dma_start3A_328 = arith.constant 0 : i32
        %dma_start3A_329 = tpu.memref_slice %arg17[%dma_start3A_327, %dma_start3A_328] : memref<10240x64xf32, #tpu.memory_space<vmem_shared>> -> memref<10240x64xf32, #tpu.memory_space<vmem_shared>>
        tpu.enqueue_indirect_dma source(%arg12 : memref<128x64xf32, #tpu.memory_space<vmem>>) target(%dma_start3A_329 : memref<10240x64xf32, #tpu.memory_space<vmem_shared>>) offsets(%dma_start3A_326 : memref<128xi32, #tpu.memory_space<vmem>>) semaphore(%run_scoped3A : memref<!tpu.dma_semaphore, #tpu.memory_space<semaphore_mem>>) {add = true}
        %dma_wait3A_330 = arith.constant 0 : i32
        %dma_wait3A_331 = tpu.memref_slice %arg11[%scan3A_35, %dma_wait3A_330] : memref<80x128xi32, #tpu.memory_space<vmem>> -> memref<1x128xi32, #tpu.memory_space<vmem>>
        %dma_wait3A_332 = tpu.memref_squeeze %dma_wait3A_331 : memref<1x128xi32, #tpu.memory_space<vmem>> -> memref<128xi32, #tpu.memory_space<vmem>>
        %dma_wait3A_333 = arith.constant 0 : i32
        %dma_wait3A_334 = arith.constant 0 : i32
        %dma_wait3A_335 = tpu.memref_slice %arg17[%dma_wait3A_333, %dma_wait3A_334] : memref<10240x64xf32, #tpu.memory_space<vmem_shared>> -> memref<10240x64xf32, #tpu.memory_space<vmem_shared>>
        tpu.wait_indirect_dma semaphore(%run_scoped3A : memref<!tpu.dma_semaphore, #tpu.memory_space<semaphore_mem>>) src(%arg12 : memref<128x64xf32, #tpu.memory_space<vmem>>) dst(%dma_wait3A_335 : memref<10240x64xf32, #tpu.memory_space<vmem_shared>>)
        tpu.yield
      }) : () -> ()
      "tpu.region"() ({
        %run_scoped3A = tpu.sem_alloc : memref<!tpu.dma_semaphore, #tpu.memory_space<semaphore_mem>>
        %dma_start3A_324 = arith.constant 0 : i32
        %dma_start3A_325 = tpu.memref_slice %arg11[%scan3A_35, %dma_start3A_324] : memref<80x128xi32, #tpu.memory_space<vmem>> -> memref<1x128xi32, #tpu.memory_space<vmem>>
        %dma_start3A_326 = tpu.memref_squeeze %dma_start3A_325 : memref<1x128xi32, #tpu.memory_space<vmem>> -> memref<128xi32, #tpu.memory_space<vmem>>
        %dma_start3A_327 = arith.constant 0 : i32
        %dma_start3A_328 = arith.constant 0 : i32
        %dma_start3A_329 = tpu.memref_slice %arg18[%dma_start3A_327, %dma_start3A_328] : memref<10240x8xf32, #tpu.memory_space<vmem_shared>> -> memref<10240x8xf32, #tpu.memory_space<vmem_shared>>
        tpu.enqueue_indirect_dma source(%arg16 : memref<128x8xf32, #tpu.memory_space<vmem>>) target(%dma_start3A_329 : memref<10240x8xf32, #tpu.memory_space<vmem_shared>>) offsets(%dma_start3A_326 : memref<128xi32, #tpu.memory_space<vmem>>) semaphore(%run_scoped3A : memref<!tpu.dma_semaphore, #tpu.memory_space<semaphore_mem>>) {add = true}
        %dma_wait3A_330 = arith.constant 0 : i32
        %dma_wait3A_331 = tpu.memref_slice %arg11[%scan3A_35, %dma_wait3A_330] : memref<80x128xi32, #tpu.memory_space<vmem>> -> memref<1x128xi32, #tpu.memory_space<vmem>>
        %dma_wait3A_332 = tpu.memref_squeeze %dma_wait3A_331 : memref<1x128xi32, #tpu.memory_space<vmem>> -> memref<128xi32, #tpu.memory_space<vmem>>
        %dma_wait3A_333 = arith.constant 0 : i32
        %dma_wait3A_334 = arith.constant 0 : i32
        %dma_wait3A_335 = tpu.memref_slice %arg18[%dma_wait3A_333, %dma_wait3A_334] : memref<10240x8xf32, #tpu.memory_space<vmem_shared>> -> memref<10240x8xf32, #tpu.memory_space<vmem_shared>>
        tpu.wait_indirect_dma semaphore(%run_scoped3A : memref<!tpu.dma_semaphore, #tpu.memory_space<semaphore_mem>>) src(%arg16 : memref<128x8xf32, #tpu.memory_space<vmem>>) dst(%dma_wait3A_335 : memref<10240x8xf32, #tpu.memory_space<vmem_shared>>)
        tpu.yield
      }) : () -> ()
    }
    %scan3A_19 = arith.constant 80 : i32
    %barrier3A_20 = arith.constant 0 : index
    tpu.barrier barrier_id(%barrier3A_20)
    %mul3A_21 = arith.constant 640 : i32
    %mul3A_22 = arith.muli %arg1, %mul3A_21 : i32
    %mul3A_23 = arith.constant 10240 : i32
    %mul3A_24 = arith.muli %arg0, %mul3A_23 : i32
    %mul3A_25 = arith.constant 640 : i32
    %mul3A_26 = arith.muli %arg1, %mul3A_25 : i32
    %add3A_27 = arith.addi %mul3A_24, %mul3A_26 : i32
    "tpu.region"() ({
      %run_scoped3A = tpu.sem_alloc : memref<!tpu.dma_semaphore, #tpu.memory_space<semaphore_mem>>
      %dma_start3A = arith.constant 0 : i32
      %dma_start3A_35 = tpu.memref_slice %arg8[%add3A_27, %dma_start3A] : memref<20480x64xf32, #tpu.memory_space<hbm>> -> memref<640x64xf32, #tpu.memory_space<hbm>>
      %dma_start3A_36 = arith.constant 0 : i32
      %dma_start3A_37 = tpu.memref_slice %arg17[%mul3A_22, %dma_start3A_36] : memref<10240x64xf32, #tpu.memory_space<vmem_shared>> -> memref<640x64xf32, #tpu.memory_space<vmem_shared>>
      tpu.enqueue_dma source(%dma_start3A_37 : memref<640x64xf32, #tpu.memory_space<vmem_shared>>) target(%dma_start3A_35 : memref<640x64xf32, #tpu.memory_space<hbm>>) target_semaphore(%run_scoped3A : memref<!tpu.dma_semaphore, #tpu.memory_space<semaphore_mem>>)
      %dma_wait3A = arith.constant 0 : i32
      %dma_wait3A_38 = tpu.memref_slice %arg8[%add3A_27, %dma_wait3A] : memref<20480x64xf32, #tpu.memory_space<hbm>> -> memref<640x64xf32, #tpu.memory_space<hbm>>
      %dma_wait3A_39 = arith.constant 0 : i32
      %dma_wait3A_40 = tpu.memref_slice %arg17[%mul3A_22, %dma_wait3A_39] : memref<10240x64xf32, #tpu.memory_space<vmem_shared>> -> memref<640x64xf32, #tpu.memory_space<vmem_shared>>
      tpu.wait_dma2 semaphore(%run_scoped3A : memref<!tpu.dma_semaphore, #tpu.memory_space<semaphore_mem>>) src(%dma_wait3A_40 : memref<640x64xf32, #tpu.memory_space<vmem_shared>>) dst(%dma_wait3A_38 : memref<640x64xf32, #tpu.memory_space<hbm>>)
      tpu.yield
    }) : () -> ()
    %mul3A_28 = arith.constant 640 : i32
    %mul3A_29 = arith.muli %arg1, %mul3A_28 : i32
    %mul3A_30 = arith.constant 10240 : i32
    %mul3A_31 = arith.muli %arg0, %mul3A_30 : i32
    %mul3A_32 = arith.constant 640 : i32
    %mul3A_33 = arith.muli %arg1, %mul3A_32 : i32
    %add3A_34 = arith.addi %mul3A_31, %mul3A_33 : i32
    "tpu.region"() ({
      %run_scoped3A = tpu.sem_alloc : memref<!tpu.dma_semaphore, #tpu.memory_space<semaphore_mem>>
      %dma_start3A = arith.constant 0 : i32
      %dma_start3A_35 = tpu.memref_slice %arg9[%add3A_34, %dma_start3A] : memref<20480x8xf32, #tpu.memory_space<hbm>> -> memref<640x8xf32, #tpu.memory_space<hbm>>
      %dma_start3A_36 = arith.constant 0 : i32
      %dma_start3A_37 = tpu.memref_slice %arg18[%mul3A_29, %dma_start3A_36] : memref<10240x8xf32, #tpu.memory_space<vmem_shared>> -> memref<640x8xf32, #tpu.memory_space<vmem_shared>>
      tpu.enqueue_dma source(%dma_start3A_37 : memref<640x8xf32, #tpu.memory_space<vmem_shared>>) target(%dma_start3A_35 : memref<640x8xf32, #tpu.memory_space<hbm>>) target_semaphore(%run_scoped3A : memref<!tpu.dma_semaphore, #tpu.memory_space<semaphore_mem>>)
      %dma_wait3A = arith.constant 0 : i32
      %dma_wait3A_38 = tpu.memref_slice %arg9[%add3A_34, %dma_wait3A] : memref<20480x8xf32, #tpu.memory_space<hbm>> -> memref<640x8xf32, #tpu.memory_space<hbm>>
      %dma_wait3A_39 = arith.constant 0 : i32
      %dma_wait3A_40 = tpu.memref_slice %arg18[%mul3A_29, %dma_wait3A_39] : memref<10240x8xf32, #tpu.memory_space<vmem_shared>> -> memref<640x8xf32, #tpu.memory_space<vmem_shared>>
      tpu.wait_dma2 semaphore(%run_scoped3A : memref<!tpu.dma_semaphore, #tpu.memory_space<semaphore_mem>>) src(%dma_wait3A_40 : memref<640x8xf32, #tpu.memory_space<vmem_shared>>) dst(%dma_wait3A_38 : memref<640x8xf32, #tpu.memory_space<hbm>>)
      tpu.yield
    }) : () -> ()
    return
  }
}

module attributes {stable_mosaic.version = 14 : i64} {
  func.func @body(%arg0: i32, %arg1: memref<512x128xf32, #tpu.memory_space<vmem>>, %arg2: memref<128x128xf32, #tpu.memory_space<vmem>>, %arg3: memref<1x128xf32, #tpu.memory_space<vmem>>, %arg4: memref<1x128xf32, #tpu.memory_space<vmem>>, %arg5: memref<512x128xf32, #tpu.memory_space<vmem>>, %arg6: memref<512x8xf32, #tpu.memory_space<vmem>>, %arg7: memref<512x128xf32, #tpu.memory_space<vmem>>, %arg8: memref<512x8xf32, #tpu.memory_space<vmem>>) attributes {dimension_semantics = [#tpu.dimension_semantics<arbitrary>], iteration_bounds = array<i64: 20>, scalar_prefetch = 0 : i64, scratch_operands = 0 : i64, tpu.core_type = #tpu.core_type<tc>, window_params = [{transform_indices = @transform_0, window_bounds = array<i64: 512, 128>}, {pipeline_mode = #tpu.pipeline_mode<synchronous>, transform_indices = @transform_1, window_bounds = array<i64: 128, 128>}, {pipeline_mode = #tpu.pipeline_mode<synchronous>, transform_indices = @transform_2, window_bounds = array<i64: 1, 128>}, {pipeline_mode = #tpu.pipeline_mode<synchronous>, transform_indices = @transform_3, window_bounds = array<i64: 1, 128>}, {transform_indices = @transform_4, window_bounds = array<i64: 512, 128>}, {transform_indices = @transform_5, window_bounds = array<i64: 512, 8>}, {transform_indices = @transform_6, window_bounds = array<i64: 512, 128>}, {transform_indices = @transform_7, window_bounds = array<i64: 512, 8>}]} {
    %get3A = arith.constant 0 : index
    %get3A_0 = arith.constant 0 : index
    %get3A_1 = vector.load %arg1[%get3A, %get3A_0] : memref<512x128xf32, #tpu.memory_space<vmem>>, vector<512x128xf32>
    %get3A_2 = arith.constant 0 : index
    %get3A_3 = arith.constant 0 : index
    %get3A_4 = vector.load %arg2[%get3A_2, %get3A_3] : memref<128x128xf32, #tpu.memory_space<vmem>>, vector<128x128xf32>
    %dot_general3A = arith.constant dense<0.000000e+00> : vector<512x128xf32>
    %dot_general3A_5 = tpu.matmul %get3A_1, %get3A_4, %dot_general3A {dimension_numbers = #tpu.dot_dimension_numbers<[1], [0], [0], [1], [0, 0, 1, 1], [], []>, transpose_lhs_hint = false} : vector<512x128xf32>, vector<128x128xf32>, vector<512x128xf32> -> vector<512x128xf32>
    %get3A_6 = arith.constant 0 : index
    %get3A_7 = arith.constant 0 : index
    %get3A_8 = vector.load %arg3[%get3A_6, %get3A_7] : memref<1x128xf32, #tpu.memory_space<vmem>>, vector<1x128xf32>
    %mul3A = vector.broadcast %get3A_8 : vector<1x128xf32> to vector<512x128xf32>
    %mul3A_9 = arith.mulf %dot_general3A_5, %mul3A : vector<512x128xf32>
    %get3A_10 = arith.constant 0 : index
    %get3A_11 = arith.constant 0 : index
    %get3A_12 = vector.load %arg4[%get3A_10, %get3A_11] : memref<1x128xf32, #tpu.memory_space<vmem>>, vector<1x128xf32>
    %mul3A_13 = vector.broadcast %get3A_12 : vector<1x128xf32> to vector<512x128xf32>
    %mul3A_14 = arith.mulf %dot_general3A_5, %mul3A_13 : vector<512x128xf32>
    %broadcast_in_dim3A = arith.constant 0.000000e+00 : f32
    %broadcast_in_dim3A_15 = vector.broadcast %broadcast_in_dim3A : f32 to vector<512x2xf32>
    %slice3A = vector.extract_strided_slice %mul3A_9 {offsets = [0, 0], sizes = [512, 64], strides = [1, 1]} : vector<512x128xf32> to vector<512x64xf32>
    %reduce_sum3A = arith.constant dense<0.000000e+00> : vector<512xf32>
    %reduce_sum3A_16 = vector.multi_reduction <add>, %slice3A, %reduce_sum3A [1] : vector<512x64xf32> to vector<512xf32>
    %broadcast_in_dim3A_17 = vector.shape_cast %reduce_sum3A_16 : vector<512xf32> to vector<512x1xf32>
    %slice3A_18 = vector.extract_strided_slice %mul3A_9 {offsets = [0, 64], sizes = [512, 64], strides = [1, 1]} : vector<512x128xf32> to vector<512x64xf32>
    %reduce_sum3A_19 = arith.constant dense<0.000000e+00> : vector<512xf32>
    %reduce_sum3A_20 = vector.multi_reduction <add>, %slice3A_18, %reduce_sum3A_19 [1] : vector<512x64xf32> to vector<512xf32>
    %broadcast_in_dim3A_21 = vector.shape_cast %reduce_sum3A_20 : vector<512xf32> to vector<512x1xf32>
    %slice3A_22 = vector.extract_strided_slice %mul3A_14 {offsets = [0, 0], sizes = [512, 64], strides = [1, 1]} : vector<512x128xf32> to vector<512x64xf32>
    %reduce_sum3A_23 = arith.constant dense<0.000000e+00> : vector<512xf32>
    %reduce_sum3A_24 = vector.multi_reduction <add>, %slice3A_22, %reduce_sum3A_23 [1] : vector<512x64xf32> to vector<512xf32>
    %broadcast_in_dim3A_25 = vector.shape_cast %reduce_sum3A_24 : vector<512xf32> to vector<512x1xf32>
    %slice3A_26 = vector.extract_strided_slice %mul3A_14 {offsets = [0, 64], sizes = [512, 64], strides = [1, 1]} : vector<512x128xf32> to vector<512x64xf32>
    %reduce_sum3A_27 = arith.constant dense<0.000000e+00> : vector<512xf32>
    %reduce_sum3A_28 = vector.multi_reduction <add>, %slice3A_26, %reduce_sum3A_27 [1] : vector<512x64xf32> to vector<512xf32>
    %broadcast_in_dim3A_29 = vector.shape_cast %reduce_sum3A_28 : vector<512xf32> to vector<512x1xf32>
    %concatenate3A = tpu.concatenate %broadcast_in_dim3A_17, %broadcast_in_dim3A_21 in 1 : vector<512x1xf32>, vector<512x1xf32> -> vector<512x2xf32>
    %concatenate3A_30 = tpu.concatenate %broadcast_in_dim3A_25, %broadcast_in_dim3A_29 in 1 : vector<512x1xf32>, vector<512x1xf32> -> vector<512x2xf32>
    %concatenate3A_31 = tpu.concatenate %concatenate3A, %broadcast_in_dim3A_15, %concatenate3A_30, %broadcast_in_dim3A_15 in 1 : vector<512x2xf32>, vector<512x2xf32>, vector<512x2xf32>, vector<512x2xf32> -> vector<512x8xf32>
    %add3A = arith.addf %concatenate3A, %concatenate3A_30 : vector<512x2xf32>
    %ge3A = arith.constant 0.000000e+00 : f32
    %ge3A_32 = vector.broadcast %ge3A : f32 to vector<512x2xf32>
    %ge3A_33 = arith.cmpf oge, %add3A, %ge3A_32 : vector<512x2xf32>
    %mul3A_34 = arith.constant 2.000000e-01 : f32
    %mul3A_35 = vector.broadcast %mul3A_34 : f32 to vector<512x2xf32>
    %mul3A_36 = arith.mulf %mul3A_35, %add3A : vector<512x2xf32>
    %select_n3A = arith.select %ge3A_33, %add3A, %mul3A_36 : vector<512x2xi1>, vector<512x2xf32>
    %exp3A = math.exp %select_n3A : vector<512x2xf32>
    %slice3A_37 = vector.extract_strided_slice %exp3A {offsets = [0, 0], sizes = [512, 1], strides = [1, 1]} : vector<512x2xf32> to vector<512x1xf32>
    %broadcast_in_dim3A_38 = vector.shape_cast %slice3A_37 : vector<512x1xf32> to vector<512x1xf32>
    %broadcast_in_dim3A_39 = vector.broadcast %broadcast_in_dim3A_38 : vector<512x1xf32> to vector<512x64xf32>
    %slice3A_40 = vector.extract_strided_slice %exp3A {offsets = [0, 1], sizes = [512, 1], strides = [1, 1]} : vector<512x2xf32> to vector<512x1xf32>
    %broadcast_in_dim3A_41 = vector.shape_cast %slice3A_40 : vector<512x1xf32> to vector<512x1xf32>
    %broadcast_in_dim3A_42 = vector.broadcast %broadcast_in_dim3A_41 : vector<512x1xf32> to vector<512x64xf32>
    %concatenate3A_43 = tpu.concatenate %broadcast_in_dim3A_39, %broadcast_in_dim3A_42 in 1 : vector<512x64xf32>, vector<512x64xf32> -> vector<512x128xf32>
    %swap3A = arith.constant 0 : index
    %swap3A_44 = arith.constant 0 : index
    %swap3A_45 = vector.load %arg5[%swap3A, %swap3A_44] : memref<512x128xf32, #tpu.memory_space<vmem>>, vector<512x128xf32>
    tpu.vector_store %arg5[%swap3A, %swap3A_44], %dot_general3A_5 {strides = array<i32>} : memref<512x128xf32, #tpu.memory_space<vmem>>, vector<512x128xf32>,
    %swap3A_46 = arith.constant 0 : index
    %swap3A_47 = arith.constant 0 : index
    %swap3A_48 = vector.load %arg6[%swap3A_46, %swap3A_47] : memref<512x8xf32, #tpu.memory_space<vmem>>, vector<512x8xf32>
    tpu.vector_store %arg6[%swap3A_46, %swap3A_47], %concatenate3A_31 {strides = array<i32>} : memref<512x8xf32, #tpu.memory_space<vmem>>, vector<512x8xf32>,
    %mul3A_49 = arith.mulf %dot_general3A_5, %concatenate3A_43 : vector<512x128xf32>
    %swap3A_50 = arith.constant 0 : index
    %swap3A_51 = arith.constant 0 : index
    %swap3A_52 = vector.load %arg7[%swap3A_50, %swap3A_51] : memref<512x128xf32, #tpu.memory_space<vmem>>, vector<512x128xf32>
    tpu.vector_store %arg7[%swap3A_50, %swap3A_51], %mul3A_49 {strides = array<i32>} : memref<512x128xf32, #tpu.memory_space<vmem>>, vector<512x128xf32>,
    %broadcast_in_dim3A_53 = arith.constant 0.000000e+00 : f32
    %broadcast_in_dim3A_54 = vector.broadcast %broadcast_in_dim3A_53 : f32 to vector<512x6xf32>
    %concatenate3A_55 = tpu.concatenate %exp3A, %broadcast_in_dim3A_54 in 1 : vector<512x2xf32>, vector<512x6xf32> -> vector<512x8xf32>
    %swap3A_56 = arith.constant 0 : index
    %swap3A_57 = arith.constant 0 : index
    %swap3A_58 = vector.load %arg8[%swap3A_56, %swap3A_57] : memref<512x8xf32, #tpu.memory_space<vmem>>, vector<512x8xf32>
    tpu.vector_store %arg8[%swap3A_56, %swap3A_57], %concatenate3A_55 {strides = array<i32>} : memref<512x8xf32, #tpu.memory_space<vmem>>, vector<512x8xf32>,
    return
  }
  func.func @transform_0(%arg0: i32) -> (i32, i32) {
    %c0_i32 = arith.constant 0 : i32
    %c0_i32_0 = arith.constant 0 : i32
    return %arg0, %c0_i32 : i32, i32
  }
  func.func @transform_1(%arg0: i32) -> (i32, i32) {
    %c0_i32 = arith.constant 0 : i32
    %c0_i32_0 = arith.constant 0 : i32
    %c0_i32_1 = arith.constant 0 : i32
    return %c0_i32, %c0_i32_0 : i32, i32
  }
  func.func @transform_2(%arg0: i32) -> (i32, i32) {
    %c0_i32 = arith.constant 0 : i32
    %c0_i32_0 = arith.constant 0 : i32
    %c0_i32_1 = arith.constant 0 : i32
    return %c0_i32, %c0_i32_0 : i32, i32
  }
  func.func @transform_3(%arg0: i32) -> (i32, i32) {
    %c0_i32 = arith.constant 0 : i32
    %c0_i32_0 = arith.constant 0 : i32
    %c0_i32_1 = arith.constant 0 : i32
    return %c0_i32, %c0_i32_0 : i32, i32
  }
  func.func @transform_4(%arg0: i32) -> (i32, i32) {
    %c0_i32 = arith.constant 0 : i32
    %c0_i32_0 = arith.constant 0 : i32
    return %arg0, %c0_i32 : i32, i32
  }
  func.func @transform_5(%arg0: i32) -> (i32, i32) {
    %c0_i32 = arith.constant 0 : i32
    %c0_i32_0 = arith.constant 0 : i32
    return %arg0, %c0_i32 : i32, i32
  }
  func.func @transform_6(%arg0: i32) -> (i32, i32) {
    %c0_i32 = arith.constant 0 : i32
    %c0_i32_0 = arith.constant 0 : i32
    return %arg0, %c0_i32 : i32, i32
  }
  func.func @transform_7(%arg0: i32) -> (i32, i32) {
    %c0_i32 = arith.constant 0 : i32
    %c0_i32_0 = arith.constant 0 : i32
    return %arg0, %c0_i32 : i32, i32
  }
}

module attributes {stable_mosaic.version = 14 : i64} {
  func.func @body(%arg0: i32, %arg1: memref<512x128xf32, #tpu.memory_space<vmem>>, %arg2: memref<512x128xf32, #tpu.memory_space<vmem>>, %arg3: memref<512x8xf32, #tpu.memory_space<vmem>>, %arg4: memref<512x8xf32, #tpu.memory_space<vmem>>, %arg5: memref<512x128xf32, #tpu.memory_space<vmem>>, %arg6: memref<512x8xf32, #tpu.memory_space<vmem>>, %arg7: memref<128x64xf32, #tpu.memory_space<vmem>>, %arg8: memref<1x64xf32, #tpu.memory_space<vmem>>, %arg9: memref<1x64xf32, #tpu.memory_space<vmem>>, %arg10: memref<1x128xf32, #tpu.memory_space<vmem>>, %arg11: memref<512x64xf32, #tpu.memory_space<vmem>>, %arg12: memref<512x8xf32, #tpu.memory_space<vmem>>, %arg13: memref<512x64xf32, #tpu.memory_space<vmem>>, %arg14: memref<512x8xf32, #tpu.memory_space<vmem>>) attributes {dimension_semantics = [#tpu.dimension_semantics<arbitrary>], iteration_bounds = array<i64: 20>, scalar_prefetch = 0 : i64, scratch_operands = 0 : i64, tpu.core_type = #tpu.core_type<tc>, window_params = [{transform_indices = @transform_0, window_bounds = array<i64: 512, 128>}, {transform_indices = @transform_1, window_bounds = array<i64: 512, 128>}, {transform_indices = @transform_2, window_bounds = array<i64: 512, 8>}, {transform_indices = @transform_3, window_bounds = array<i64: 512, 8>}, {transform_indices = @transform_4, window_bounds = array<i64: 512, 128>}, {transform_indices = @transform_5, window_bounds = array<i64: 512, 8>}, {pipeline_mode = #tpu.pipeline_mode<synchronous>, transform_indices = @transform_6, window_bounds = array<i64: 128, 64>}, {pipeline_mode = #tpu.pipeline_mode<synchronous>, transform_indices = @transform_7, window_bounds = array<i64: 1, 64>}, {pipeline_mode = #tpu.pipeline_mode<synchronous>, transform_indices = @transform_8, window_bounds = array<i64: 1, 64>}, {pipeline_mode = #tpu.pipeline_mode<synchronous>, transform_indices = @transform_9, window_bounds = array<i64: 1, 128>}, {transform_indices = @transform_10, window_bounds = array<i64: 512, 64>}, {transform_indices = @transform_11, window_bounds = array<i64: 512, 8>}, {transform_indices = @transform_12, window_bounds = array<i64: 512, 64>}, {transform_indices = @transform_13, window_bounds = array<i64: 512, 8>}]} {
    %get3A = arith.constant 0 : index
    %get3A_0 = arith.constant 0 : index
    %get3A_1 = vector.load %arg1[%get3A, %get3A_0] : memref<512x128xf32, #tpu.memory_space<vmem>>, vector<512x128xf32>
    %get3A_2 = arith.constant 0 : index
    %get3A_3 = arith.constant 0 : index
    %get3A_4 = vector.load %arg2[%get3A_2, %get3A_3] : memref<512x128xf32, #tpu.memory_space<vmem>>, vector<512x128xf32>
    %add3A = arith.addf %get3A_1, %get3A_4 : vector<512x128xf32>
    %get3A_5 = arith.constant 0 : index
    %get3A_6 = arith.constant 0 : index
    %get3A_7 = vector.load %arg5[%get3A_5, %get3A_6] : memref<512x128xf32, #tpu.memory_space<vmem>>, vector<512x128xf32>
    %sub3A = arith.subf %add3A, %get3A_7 : vector<512x128xf32>
    %get3A_8 = arith.constant 0 : index
    %get3A_9 = arith.constant 0 : index
    %get3A_10 = vector.load %arg3[%get3A_8, %get3A_9] : memref<512x8xf32, #tpu.memory_space<vmem>>, vector<512x8xf32>
    %get3A_11 = arith.constant 0 : index
    %get3A_12 = arith.constant 0 : index
    %get3A_13 = vector.load %arg4[%get3A_11, %get3A_12] : memref<512x8xf32, #tpu.memory_space<vmem>>, vector<512x8xf32>
    %add3A_14 = arith.addf %get3A_10, %get3A_13 : vector<512x8xf32>
    %get3A_15 = arith.constant 0 : index
    %get3A_16 = arith.constant 0 : index
    %get3A_17 = vector.load %arg6[%get3A_15, %get3A_16] : memref<512x8xf32, #tpu.memory_space<vmem>>, vector<512x8xf32>
    %sub3A_18 = arith.subf %add3A_14, %get3A_17 : vector<512x8xf32>
    %slice3A = vector.extract_strided_slice %sub3A_18 {offsets = [0, 0], sizes = [512, 1], strides = [1, 1]} : vector<512x8xf32> to vector<512x1xf32>
    %broadcast_in_dim3A = vector.shape_cast %slice3A : vector<512x1xf32> to vector<512x1xf32>
    %broadcast_in_dim3A_19 = vector.broadcast %broadcast_in_dim3A : vector<512x1xf32> to vector<512x64xf32>
    %slice3A_20 = vector.extract_strided_slice %sub3A_18 {offsets = [0, 1], sizes = [512, 1], strides = [1, 1]} : vector<512x8xf32> to vector<512x1xf32>
    %broadcast_in_dim3A_21 = vector.shape_cast %slice3A_20 : vector<512x1xf32> to vector<512x1xf32>
    %broadcast_in_dim3A_22 = vector.broadcast %broadcast_in_dim3A_21 : vector<512x1xf32> to vector<512x64xf32>
    %concatenate3A = tpu.concatenate %broadcast_in_dim3A_19, %broadcast_in_dim3A_22 in 1 : vector<512x64xf32>, vector<512x64xf32> -> vector<512x128xf32>
    %div3A = arith.divf %sub3A, %concatenate3A : vector<512x128xf32>
    %get3A_23 = arith.constant 0 : index
    %get3A_24 = arith.constant 0 : index
    %get3A_25 = vector.load %arg10[%get3A_23, %get3A_24] : memref<1x128xf32, #tpu.memory_space<vmem>>, vector<1x128xf32>
    %add3A_26 = vector.broadcast %get3A_25 : vector<1x128xf32> to vector<512x128xf32>
    %add3A_27 = arith.addf %div3A, %add3A_26 : vector<512x128xf32>
    %gt3A = arith.constant 0.000000e+00 : f32
    %gt3A_28 = vector.broadcast %gt3A : f32 to vector<512x128xf32>
    %gt3A_29 = arith.cmpf ogt, %add3A_27, %gt3A_28 : vector<512x128xf32>
    %min3A = arith.constant 0.000000e+00 : f32
    %min3A_30 = vector.broadcast %min3A : f32 to vector<512x128xf32>
    %min3A_31 = arith.minimumf %add3A_27, %min3A_30 : vector<512x128xf32>
    %exp3A = math.exp %min3A_31 : vector<512x128xf32>
    %sub3A_32 = arith.constant 1.000000e+00 : f32
    %sub3A_33 = vector.broadcast %sub3A_32 : f32 to vector<512x128xf32>
    %sub3A_34 = arith.subf %exp3A, %sub3A_33 : vector<512x128xf32>
    %select_n3A = arith.select %gt3A_29, %add3A_27, %sub3A_34 : vector<512x128xi1>, vector<512x128xf32>
    %get3A_35 = arith.constant 0 : index
    %get3A_36 = arith.constant 0 : index
    %get3A_37 = vector.load %arg7[%get3A_35, %get3A_36] : memref<128x64xf32, #tpu.memory_space<vmem>>, vector<128x64xf32>
    %dot_general3A = arith.constant dense<0.000000e+00> : vector<512x64xf32>
    %dot_general3A_38 = tpu.matmul %select_n3A, %get3A_37, %dot_general3A {dimension_numbers = #tpu.dot_dimension_numbers<[1], [0], [0], [1], [0, 0, 1, 1], [], []>, transpose_lhs_hint = false} : vector<512x128xf32>, vector<128x64xf32>, vector<512x64xf32> -> vector<512x64xf32>
    %get3A_39 = arith.constant 0 : index
    %get3A_40 = arith.constant 0 : index
    %get3A_41 = vector.load %arg8[%get3A_39, %get3A_40] : memref<1x64xf32, #tpu.memory_space<vmem>>, vector<1x64xf32>
    %mul3A = vector.broadcast %get3A_41 : vector<1x64xf32> to vector<512x64xf32>
    %mul3A_42 = arith.mulf %dot_general3A_38, %mul3A : vector<512x64xf32>
    %reduce_sum3A = arith.constant dense<0.000000e+00> : vector<512xf32>
    %reduce_sum3A_43 = vector.multi_reduction <add>, %mul3A_42, %reduce_sum3A [1] : vector<512x64xf32> to vector<512xf32>
    %broadcast_in_dim3A_44 = vector.shape_cast %reduce_sum3A_43 : vector<512xf32> to vector<512x1xf32>
    %get3A_45 = arith.constant 0 : index
    %get3A_46 = arith.constant 0 : index
    %get3A_47 = vector.load %arg9[%get3A_45, %get3A_46] : memref<1x64xf32, #tpu.memory_space<vmem>>, vector<1x64xf32>
    %mul3A_48 = vector.broadcast %get3A_47 : vector<1x64xf32> to vector<512x64xf32>
    %mul3A_49 = arith.mulf %dot_general3A_38, %mul3A_48 : vector<512x64xf32>
    %reduce_sum3A_50 = arith.constant dense<0.000000e+00> : vector<512xf32>
    %reduce_sum3A_51 = vector.multi_reduction <add>, %mul3A_49, %reduce_sum3A_50 [1] : vector<512x64xf32> to vector<512xf32>
    %broadcast_in_dim3A_52 = vector.shape_cast %reduce_sum3A_51 : vector<512xf32> to vector<512x1xf32>
    %broadcast_in_dim3A_53 = arith.constant 0.000000e+00 : f32
    %broadcast_in_dim3A_54 = vector.broadcast %broadcast_in_dim3A_53 : f32 to vector<512x3xf32>
    %add3A_55 = arith.addf %broadcast_in_dim3A_44, %broadcast_in_dim3A_52 : vector<512x1xf32>
    %ge3A = arith.constant 0.000000e+00 : f32
    %ge3A_56 = vector.broadcast %ge3A : f32 to vector<512x1xf32>
    %ge3A_57 = arith.cmpf oge, %add3A_55, %ge3A_56 : vector<512x1xf32>
    %mul3A_58 = arith.constant 2.000000e-01 : f32
    %mul3A_59 = vector.broadcast %mul3A_58 : f32 to vector<512x1xf32>
    %mul3A_60 = arith.mulf %mul3A_59, %add3A_55 : vector<512x1xf32>
    %select_n3A_61 = arith.select %ge3A_57, %add3A_55, %mul3A_60 : vector<512x1xi1>, vector<512x1xf32>
    %exp3A_62 = math.exp %select_n3A_61 : vector<512x1xf32>
    %swap3A = arith.constant 0 : index
    %swap3A_63 = arith.constant 0 : index
    %swap3A_64 = vector.load %arg11[%swap3A, %swap3A_63] : memref<512x64xf32, #tpu.memory_space<vmem>>, vector<512x64xf32>
    tpu.vector_store %arg11[%swap3A, %swap3A_63], %dot_general3A_38 {strides = array<i32>} : memref<512x64xf32, #tpu.memory_space<vmem>>, vector<512x64xf32>,
    %concatenate3A_65 = tpu.concatenate %broadcast_in_dim3A_44, %broadcast_in_dim3A_54, %broadcast_in_dim3A_52, %broadcast_in_dim3A_54 in 1 : vector<512x1xf32>, vector<512x3xf32>, vector<512x1xf32>, vector<512x3xf32> -> vector<512x8xf32>
    %swap3A_66 = arith.constant 0 : index
    %swap3A_67 = arith.constant 0 : index
    %swap3A_68 = vector.load %arg12[%swap3A_66, %swap3A_67] : memref<512x8xf32, #tpu.memory_space<vmem>>, vector<512x8xf32>
    tpu.vector_store %arg12[%swap3A_66, %swap3A_67], %concatenate3A_65 {strides = array<i32>} : memref<512x8xf32, #tpu.memory_space<vmem>>, vector<512x8xf32>,
    %mul3A_69 = vector.broadcast %exp3A_62 : vector<512x1xf32> to vector<512x64xf32>
    %mul3A_70 = arith.mulf %dot_general3A_38, %mul3A_69 : vector<512x64xf32>
    %swap3A_71 = arith.constant 0 : index
    %swap3A_72 = arith.constant 0 : index
    %swap3A_73 = vector.load %arg13[%swap3A_71, %swap3A_72] : memref<512x64xf32, #tpu.memory_space<vmem>>, vector<512x64xf32>
    tpu.vector_store %arg13[%swap3A_71, %swap3A_72], %mul3A_70 {strides = array<i32>} : memref<512x64xf32, #tpu.memory_space<vmem>>, vector<512x64xf32>,
    %broadcast_in_dim3A_74 = arith.constant 0.000000e+00 : f32
    %broadcast_in_dim3A_75 = vector.broadcast %broadcast_in_dim3A_74 : f32 to vector<512x7xf32>
    %concatenate3A_76 = tpu.concatenate %exp3A_62, %broadcast_in_dim3A_75 in 1 : vector<512x1xf32>, vector<512x7xf32> -> vector<512x8xf32>
    %swap3A_77 = arith.constant 0 : index
    %swap3A_78 = arith.constant 0 : index
    %swap3A_79 = vector.load %arg14[%swap3A_77, %swap3A_78] : memref<512x8xf32, #tpu.memory_space<vmem>>, vector<512x8xf32>
    tpu.vector_store %arg14[%swap3A_77, %swap3A_78], %concatenate3A_76 {strides = array<i32>} : memref<512x8xf32, #tpu.memory_space<vmem>>, vector<512x8xf32>,
    return
  }
  func.func @transform_0(%arg0: i32) -> (i32, i32) {
    %c0_i32 = arith.constant 0 : i32
    %c0_i32_0 = arith.constant 0 : i32
    return %arg0, %c0_i32 : i32, i32
  }
  func.func @transform_1(%arg0: i32) -> (i32, i32) {
    %c0_i32 = arith.constant 0 : i32
    %c0_i32_0 = arith.constant 0 : i32
    return %arg0, %c0_i32 : i32, i32
  }
  func.func @transform_2(%arg0: i32) -> (i32, i32) {
    %c0_i32 = arith.constant 0 : i32
    %c0_i32_0 = arith.constant 0 : i32
    return %arg0, %c0_i32 : i32, i32
  }
  func.func @transform_3(%arg0: i32) -> (i32, i32) {
    %c0_i32 = arith.constant 0 : i32
    %c0_i32_0 = arith.constant 0 : i32
    return %arg0, %c0_i32 : i32, i32
  }
  func.func @transform_4(%arg0: i32) -> (i32, i32) {
    %c0_i32 = arith.constant 0 : i32
    %c0_i32_0 = arith.constant 0 : i32
    return %arg0, %c0_i32 : i32, i32
  }
  func.func @transform_5(%arg0: i32) -> (i32, i32) {
    %c0_i32 = arith.constant 0 : i32
    %c0_i32_0 = arith.constant 0 : i32
    return %arg0, %c0_i32 : i32, i32
  }
  func.func @transform_6(%arg0: i32) -> (i32, i32) {
    %c0_i32 = arith.constant 0 : i32
    %c0_i32_0 = arith.constant 0 : i32
    %c0_i32_1 = arith.constant 0 : i32
    return %c0_i32, %c0_i32_0 : i32, i32
  }
  func.func @transform_7(%arg0: i32) -> (i32, i32) {
    %c0_i32 = arith.constant 0 : i32
    %c0_i32_0 = arith.constant 0 : i32
    %c0_i32_1 = arith.constant 0 : i32
    return %c0_i32, %c0_i32_0 : i32, i32
  }
  func.func @transform_8(%arg0: i32) -> (i32, i32) {
    %c0_i32 = arith.constant 0 : i32
    %c0_i32_0 = arith.constant 0 : i32
    %c0_i32_1 = arith.constant 0 : i32
    return %c0_i32, %c0_i32_0 : i32, i32
  }
  func.func @transform_9(%arg0: i32) -> (i32, i32) {
    %c0_i32 = arith.constant 0 : i32
    %c0_i32_0 = arith.constant 0 : i32
    %c0_i32_1 = arith.constant 0 : i32
    return %c0_i32, %c0_i32_0 : i32, i32
  }
  func.func @transform_10(%arg0: i32) -> (i32, i32) {
    %c0_i32 = arith.constant 0 : i32
    %c0_i32_0 = arith.constant 0 : i32
    return %arg0, %c0_i32 : i32, i32
  }
  func.func @transform_11(%arg0: i32) -> (i32, i32) {
    %c0_i32 = arith.constant 0 : i32
    %c0_i32_0 = arith.constant 0 : i32
    return %arg0, %c0_i32 : i32, i32
  }
  func.func @transform_12(%arg0: i32) -> (i32, i32) {
    %c0_i32 = arith.constant 0 : i32
    %c0_i32_0 = arith.constant 0 : i32
    return %arg0, %c0_i32 : i32, i32
  }
  func.func @transform_13(%arg0: i32) -> (i32, i32) {
    %c0_i32 = arith.constant 0 : i32
    %c0_i32_0 = arith.constant 0 : i32
    return %arg0, %c0_i32 : i32, i32
  }
}

module attributes {stable_mosaic.version = 14 : i64} {
  func.func @body(%arg0: i32, %arg1: memref<512x64xf32, #tpu.memory_space<vmem>>, %arg2: memref<512x64xf32, #tpu.memory_space<vmem>>, %arg3: memref<512x8xf32, #tpu.memory_space<vmem>>, %arg4: memref<512x8xf32, #tpu.memory_space<vmem>>, %arg5: memref<512x64xf32, #tpu.memory_space<vmem>>, %arg6: memref<512x8xf32, #tpu.memory_space<vmem>>, %arg7: memref<4096x16xf32, #tpu.memory_space<vmem>>, %arg8: memref<1x64xf32, #tpu.memory_space<vmem>>, %arg9: memref<1x64xf32, #tpu.memory_space<vmem>>, %arg10: memref<1x64xf32, #tpu.memory_space<vmem>>, %arg11: memref<16x64xf32, #tpu.memory_space<vmem>>, %arg12: memref<1x64xf32, #tpu.memory_space<vmem>>, %arg13: memref<512x8x128xf32, #tpu.memory_space<vmem>>) attributes {dimension_semantics = [#tpu.dimension_semantics<arbitrary>], iteration_bounds = array<i64: 20>, scalar_prefetch = 0 : i64, scratch_operands = 0 : i64, tpu.core_type = #tpu.core_type<tc>, window_params = [{transform_indices = @transform_0, window_bounds = array<i64: 512, 64>}, {transform_indices = @transform_1, window_bounds = array<i64: 512, 64>}, {transform_indices = @transform_2, window_bounds = array<i64: 512, 8>}, {transform_indices = @transform_3, window_bounds = array<i64: 512, 8>}, {transform_indices = @transform_4, window_bounds = array<i64: 512, 64>}, {transform_indices = @transform_5, window_bounds = array<i64: 512, 8>}, {transform_indices = @transform_6, window_bounds = array<i64: 4096, 16>}, {pipeline_mode = #tpu.pipeline_mode<synchronous>, transform_indices = @transform_7, window_bounds = array<i64: 1, 64>}, {pipeline_mode = #tpu.pipeline_mode<synchronous>, transform_indices = @transform_8, window_bounds = array<i64: 1, 64>}, {pipeline_mode = #tpu.pipeline_mode<synchronous>, transform_indices = @transform_9, window_bounds = array<i64: 1, 64>}, {pipeline_mode = #tpu.pipeline_mode<synchronous>, transform_indices = @transform_10, window_bounds = array<i64: 16, 64>}, {pipeline_mode = #tpu.pipeline_mode<synchronous>, transform_indices = @transform_11, window_bounds = array<i64: 1, 64>}, {transform_indices = @transform_12, window_bounds = array<i64: 512, 8, 128>}]} {
    %get3A = arith.constant 0 : index
    %get3A_0 = arith.constant 0 : index
    %get3A_1 = vector.load %arg1[%get3A, %get3A_0] : memref<512x64xf32, #tpu.memory_space<vmem>>, vector<512x64xf32>
    %get3A_2 = arith.constant 0 : index
    %get3A_3 = arith.constant 0 : index
    %get3A_4 = vector.load %arg2[%get3A_2, %get3A_3] : memref<512x64xf32, #tpu.memory_space<vmem>>, vector<512x64xf32>
    %add3A = arith.addf %get3A_1, %get3A_4 : vector<512x64xf32>
    %get3A_5 = arith.constant 0 : index
    %get3A_6 = arith.constant 0 : index
    %get3A_7 = vector.load %arg5[%get3A_5, %get3A_6] : memref<512x64xf32, #tpu.memory_space<vmem>>, vector<512x64xf32>
    %sub3A = arith.subf %add3A, %get3A_7 : vector<512x64xf32>
    %get3A_8 = arith.constant 0 : index
    %get3A_9 = arith.constant 0 : index
    %get3A_10 = vector.load %arg3[%get3A_8, %get3A_9] : memref<512x8xf32, #tpu.memory_space<vmem>>, vector<512x8xf32>
    %get3A_11 = arith.constant 0 : index
    %get3A_12 = arith.constant 0 : index
    %get3A_13 = vector.load %arg4[%get3A_11, %get3A_12] : memref<512x8xf32, #tpu.memory_space<vmem>>, vector<512x8xf32>
    %add3A_14 = arith.addf %get3A_10, %get3A_13 : vector<512x8xf32>
    %get3A_15 = arith.constant 0 : index
    %get3A_16 = arith.constant 0 : index
    %get3A_17 = vector.load %arg6[%get3A_15, %get3A_16] : memref<512x8xf32, #tpu.memory_space<vmem>>, vector<512x8xf32>
    %sub3A_18 = arith.subf %add3A_14, %get3A_17 : vector<512x8xf32>
    %slice3A = vector.extract_strided_slice %sub3A_18 {offsets = [0, 0], sizes = [512, 1], strides = [1, 1]} : vector<512x8xf32> to vector<512x1xf32>
    %div3A = vector.broadcast %slice3A : vector<512x1xf32> to vector<512x64xf32>
    %div3A_19 = arith.divf %sub3A, %div3A : vector<512x64xf32>
    %get3A_20 = arith.constant 0 : index
    %get3A_21 = arith.constant 0 : index
    %get3A_22 = vector.load %arg8[%get3A_20, %get3A_21] : memref<1x64xf32, #tpu.memory_space<vmem>>, vector<1x64xf32>
    %add3A_23 = vector.broadcast %get3A_22 : vector<1x64xf32> to vector<512x64xf32>
    %add3A_24 = arith.addf %div3A_19, %add3A_23 : vector<512x64xf32>
    %reduce_sum3A = arith.constant dense<0.000000e+00> : vector<512xf32>
    %reduce_sum3A_25 = vector.multi_reduction <add>, %add3A_24, %reduce_sum3A [1] : vector<512x64xf32> to vector<512xf32>
    %broadcast_in_dim3A = vector.shape_cast %reduce_sum3A_25 : vector<512xf32> to vector<512x1xf32>
    %div3A_26 = arith.constant 6.400000e+01 : f32
    %div3A_27 = vector.broadcast %div3A_26 : f32 to vector<512x1xf32>
    %div3A_28 = arith.divf %broadcast_in_dim3A, %div3A_27 : vector<512x1xf32>
    %sub3A_29 = vector.broadcast %div3A_28 : vector<512x1xf32> to vector<512x64xf32>
    %sub3A_30 = arith.subf %add3A_24, %sub3A_29 : vector<512x64xf32>
    %integer_pow3A = arith.mulf %sub3A_30, %sub3A_30 : vector<512x64xf32>
    %reduce_sum3A_31 = arith.constant dense<0.000000e+00> : vector<512xf32>
    %reduce_sum3A_32 = vector.multi_reduction <add>, %integer_pow3A, %reduce_sum3A_31 [1] : vector<512x64xf32> to vector<512xf32>
    %broadcast_in_dim3A_33 = vector.shape_cast %reduce_sum3A_32 : vector<512xf32> to vector<512x1xf32>
    %div3A_34 = arith.constant 6.400000e+01 : f32
    %div3A_35 = vector.broadcast %div3A_34 : f32 to vector<512x1xf32>
    %div3A_36 = arith.divf %broadcast_in_dim3A_33, %div3A_35 : vector<512x1xf32>
    %sub3A_37 = vector.broadcast %div3A_28 : vector<512x1xf32> to vector<512x64xf32>
    %sub3A_38 = arith.subf %add3A_24, %sub3A_37 : vector<512x64xf32>
    %add3A_39 = arith.constant 9.99999974E-6 : f32
    %add3A_40 = vector.broadcast %add3A_39 : f32 to vector<512x1xf32>
    %add3A_41 = arith.addf %div3A_36, %add3A_40 : vector<512x1xf32>
    %rsqrt3A = math.rsqrt %add3A_41 : vector<512x1xf32>
    %mul3A = vector.broadcast %rsqrt3A : vector<512x1xf32> to vector<512x64xf32>
    %mul3A_42 = arith.mulf %sub3A_38, %mul3A : vector<512x64xf32>
    %get3A_43 = arith.constant 0 : index
    %get3A_44 = arith.constant 0 : index
    %get3A_45 = vector.load %arg9[%get3A_43, %get3A_44] : memref<1x64xf32, #tpu.memory_space<vmem>>, vector<1x64xf32>
    %mul3A_46 = vector.broadcast %get3A_45 : vector<1x64xf32> to vector<512x64xf32>
    %mul3A_47 = arith.mulf %mul3A_42, %mul3A_46 : vector<512x64xf32>
    %get3A_48 = arith.constant 0 : index
    %get3A_49 = arith.constant 0 : index
    %get3A_50 = vector.load %arg10[%get3A_48, %get3A_49] : memref<1x64xf32, #tpu.memory_space<vmem>>, vector<1x64xf32>
    %add3A_51 = vector.broadcast %get3A_50 : vector<1x64xf32> to vector<512x64xf32>
    %add3A_52 = arith.addf %mul3A_47, %add3A_51 : vector<512x64xf32>
    %get3A_53 = arith.constant 0 : index
    %get3A_54 = arith.constant 0 : index
    %get3A_55 = vector.load %arg7[%get3A_53, %get3A_54] : memref<4096x16xf32, #tpu.memory_space<vmem>>, vector<4096x16xf32>
    %get3A_56 = arith.constant 0 : index
    %get3A_57 = arith.constant 0 : index
    %get3A_58 = vector.load %arg11[%get3A_56, %get3A_57] : memref<16x64xf32, #tpu.memory_space<vmem>>, vector<16x64xf32>
    %dot_general3A = arith.constant dense<0.000000e+00> : vector<4096x64xf32>
    %dot_general3A_59 = tpu.matmul %get3A_55, %get3A_58, %dot_general3A {dimension_numbers = #tpu.dot_dimension_numbers<[1], [0], [0], [1], [0, 0, 1, 1], [], []>, transpose_lhs_hint = false} : vector<4096x16xf32>, vector<16x64xf32>, vector<4096x64xf32> -> vector<4096x64xf32>
    %get3A_60 = arith.constant 0 : index
    %get3A_61 = arith.constant 0 : index
    %get3A_62 = vector.load %arg12[%get3A_60, %get3A_61] : memref<1x64xf32, #tpu.memory_space<vmem>>, vector<1x64xf32>
    %add3A_63 = vector.broadcast %get3A_62 : vector<1x64xf32> to vector<4096x64xf32>
    %add3A_64 = arith.addf %dot_general3A_59, %add3A_63 : vector<4096x64xf32>
    %gt3A = arith.constant 0.000000e+00 : f32
    %gt3A_65 = vector.broadcast %gt3A : f32 to vector<4096x64xf32>
    %gt3A_66 = arith.cmpf ogt, %add3A_64, %gt3A_65 : vector<4096x64xf32>
    %min3A = arith.constant 0.000000e+00 : f32
    %min3A_67 = vector.broadcast %min3A : f32 to vector<4096x64xf32>
    %min3A_68 = arith.minimumf %add3A_64, %min3A_67 : vector<4096x64xf32>
    %exp3A = math.exp %min3A_68 : vector<4096x64xf32>
    %sub3A_69 = arith.constant 1.000000e+00 : f32
    %sub3A_70 = vector.broadcast %sub3A_69 : f32 to vector<4096x64xf32>
    %sub3A_71 = arith.subf %exp3A, %sub3A_70 : vector<4096x64xf32>
    %select_n3A = arith.select %gt3A_66, %add3A_64, %sub3A_71 : vector<4096x64xi1>, vector<4096x64xf32>
    %reshape3A = vector.shape_cast %select_n3A : vector<4096x64xf32> to vector<512x8x64xf32>
    %broadcast_in_dim3A_72 = vector.shape_cast %add3A_52 : vector<512x64xf32> to vector<512x1x64xf32>
    %broadcast_in_dim3A_73 = vector.shape_cast %broadcast_in_dim3A_72 : vector<512x1x64xf32> to vector<512x1x64xf32>
    %broadcast_in_dim3A_74 = vector.broadcast %broadcast_in_dim3A_73 : vector<512x1x64xf32> to vector<512x8x64xf32>
    %concatenate3A = tpu.concatenate %broadcast_in_dim3A_74, %reshape3A in 2 : vector<512x8x64xf32>, vector<512x8x64xf32> -> vector<512x8x128xf32>
    %swap3A = arith.constant 0 : index
    %swap3A_75 = arith.constant 0 : index
    %swap3A_76 = arith.constant 0 : index
    %swap3A_77 = vector.load %arg13[%swap3A, %swap3A_75, %swap3A_76] : memref<512x8x128xf32, #tpu.memory_space<vmem>>, vector<512x8x128xf32>
    tpu.vector_store %arg13[%swap3A, %swap3A_75, %swap3A_76], %concatenate3A {strides = array<i32>} : memref<512x8x128xf32, #tpu.memory_space<vmem>>, vector<512x8x128xf32>,
    return
  }
  func.func @transform_0(%arg0: i32) -> (i32, i32) {
    %c0_i32 = arith.constant 0 : i32
    %c0_i32_0 = arith.constant 0 : i32
    return %arg0, %c0_i32 : i32, i32
  }
  func.func @transform_1(%arg0: i32) -> (i32, i32) {
    %c0_i32 = arith.constant 0 : i32
    %c0_i32_0 = arith.constant 0 : i32
    return %arg0, %c0_i32 : i32, i32
  }
  func.func @transform_2(%arg0: i32) -> (i32, i32) {
    %c0_i32 = arith.constant 0 : i32
    %c0_i32_0 = arith.constant 0 : i32
    return %arg0, %c0_i32 : i32, i32
  }
  func.func @transform_3(%arg0: i32) -> (i32, i32) {
    %c0_i32 = arith.constant 0 : i32
    %c0_i32_0 = arith.constant 0 : i32
    return %arg0, %c0_i32 : i32, i32
  }
  func.func @transform_4(%arg0: i32) -> (i32, i32) {
    %c0_i32 = arith.constant 0 : i32
    %c0_i32_0 = arith.constant 0 : i32
    return %arg0, %c0_i32 : i32, i32
  }
  func.func @transform_5(%arg0: i32) -> (i32, i32) {
    %c0_i32 = arith.constant 0 : i32
    %c0_i32_0 = arith.constant 0 : i32
    return %arg0, %c0_i32 : i32, i32
  }
  func.func @transform_6(%arg0: i32) -> (i32, i32) {
    %c0_i32 = arith.constant 0 : i32
    %c0_i32_0 = arith.constant 0 : i32
    return %arg0, %c0_i32 : i32, i32
  }
  func.func @transform_7(%arg0: i32) -> (i32, i32) {
    %c0_i32 = arith.constant 0 : i32
    %c0_i32_0 = arith.constant 0 : i32
    %c0_i32_1 = arith.constant 0 : i32
    return %c0_i32, %c0_i32_0 : i32, i32
  }
  func.func @transform_8(%arg0: i32) -> (i32, i32) {
    %c0_i32 = arith.constant 0 : i32
    %c0_i32_0 = arith.constant 0 : i32
    %c0_i32_1 = arith.constant 0 : i32
    return %c0_i32, %c0_i32_0 : i32, i32
  }
  func.func @transform_9(%arg0: i32) -> (i32, i32) {
    %c0_i32 = arith.constant 0 : i32
    %c0_i32_0 = arith.constant 0 : i32
    %c0_i32_1 = arith.constant 0 : i32
    return %c0_i32, %c0_i32_0 : i32, i32
  }
  func.func @transform_10(%arg0: i32) -> (i32, i32) {
    %c0_i32 = arith.constant 0 : i32
    %c0_i32_0 = arith.constant 0 : i32
    %c0_i32_1 = arith.constant 0 : i32
    return %c0_i32, %c0_i32_0 : i32, i32
  }
  func.func @transform_11(%arg0: i32) -> (i32, i32) {
    %c0_i32 = arith.constant 0 : i32
    %c0_i32_0 = arith.constant 0 : i32
    %c0_i32_1 = arith.constant 0 : i32
    return %c0_i32, %c0_i32_0 : i32, i32
  }
  func.func @transform_12(%arg0: i32) -> (i32, i32, i32) {
    %c0_i32 = arith.constant 0 : i32
    %c0_i32_0 = arith.constant 0 : i32
    %c0_i32_1 = arith.constant 0 : i32
    return %arg0, %c0_i32, %c0_i32_0 : i32, i32, i32
  }
}

</mosaic_0001>

<sc_bundles>
// kernel: kernel.10.cloned.1.call-start
scs
__scs_entry_jumppad:
0x0: {  	(pc) =	sbr.rel $0x88, $3  }
0x1: {  	(tag) =	ssettag $0x0;
	lr =	simm.s32 $0x1  }
0x2: {  	[smem:$0x3F92] =	sst lr;
	_ =	strace $0xD0000000  }
0x3: {  	_ = 	snop  }
0x4: {  	_ = 	snop  }
0x5: {  	_ = 	snop  }
0x6: {  	_ = 	snop  }
0x7: {  	_ = 	snop  }
__scs_overlays_trampoline_lowered:
0x8: {  	[smem:$0x3FA1] =	sst s0  }
0x9: {  	[smem:$0x3FA2] =	sst s1  }
0xa: {  	[smem:$0x3FA3] =	sst s2  }
0xb: {  	[smem:$0x3FA4] =	sst s3  }
0xc: {  	[smem:$0x3FA5] =	sst s4  }
0xd: {  	[smem:$0x3FA6] =	sst s5  }
0xe: {  	[smem:$0x3FA7] =	sst s6  }
0xf: {  	[smem:$0x3FA8] =	sst s7  }
0x10: {  	[smem:$0x3FA9] =	sst s8  }
0x11: {  	[smem:$0x3FAA] =	sst s9;
	s0 =	simm.s32 @!p0 $0x0  }
0x12: {  	s1 =	sld [smem:$0x3F90];
	s0 =	simm.s32 @p0 $0x1  }
0x13: {  	[smem:$0x3FAB] =	sst s0;
	s0 =	simm.s32 @!p1 $0x0  }
0x14: {  	s2 =	sld [smem:$0x3F8F];
	s0 =	simm.s32 @p1 $0x1  }
0x15: {  	[smem:$0x3FAC] =	sst s0;
	s0 =	simm.s32 @!p2 $0x0  }
0x16: {  	s3 =	sld [smem:$0x3FDB];
	s0 =	simm.s32 @p2 $0x1  }
0x17: {  	s4 =	simm.s32 $0x1BF5;
	[smem:$0x3FAE] =	sst s0  }
0x18: {  	s0 =	sld [smem:$0x3F91];
	_ =	swait.ge [sflag:s4], $0x0  }
0x19: {  	s7 =	sld [smem:$0x3F92]  }
0x1a: {  	s8 =	sadd.s32 $0xFFFFE003, lr  }
0x1b: {  	s9 =	sadd.s32 $0xFFFFFEF7, lr;
	s5 =	simm.s32 $0xFFFFFFFF;
	p2 =	slt.u32 s8, $0xFFFFF086  }
0x1c: {  	p1 =	slt.u32 s9, $0xF7A;
	s5 =	simm.s32 @!p2 $0x0  }
0x1d: {  	s5 =	simm.s32 @p1 $0x1;
	p0 =	seq.s32 s7, s2  }
0x1e: {  	s7 =	smul.u32 @!p0 $0xF7A, s2;
	p2 =	seq.s32 @!p0 s5, $0x0  }
0x1f: {  	s9 =	smul.u32 $0xF7A, s1;
	s8 =	simm.s32 @!p0 $0x1BF5;
	p2 =	por !p2, p0  }
0x20: {  	[sflag:s8] =	ssyncset.s32 @!p0 $0xFFFFF086;
	s6 =	sadd.s32 @!p0 s3, s7;
	s7 =	simm.s32 @!p0 $0x108  }
0x21: {  	s3 =	sadd.s32 s3, s9;
	s6 =	sadd.s32 @!p0 $0x88, s6;
	s7 =	simm.s32 @p2 $0x1082  }
0x22: {  	[simem:s7], [sflag:s8] =	dma.local @!p0 [hbm:s6], $0xF7A  }
0x23: {  	s9 =	sor.u32 $0xD0000000, s2;
	s6 =	simm.s32 $0x108;
	_ =	swait.ge @!p0 [sflag:s8], $0x0  }
0x24: {  	s3 =	sadd.s32 $0x88, s3;
	s6 =	simm.s32 @!p1 $0x1082;
	[sflag:s4] =	ssyncset.s32 $0xFFFFF086  }
0x25: {  	[simem:s6], [sflag:s4] =	dma.local [hbm:s3], $0xF7A  }
0x26: {  	[smem:$0x3F92] =	sst s1;
	(tag) =	ssettag s2;
	_ =	strace s9  }
0x27: {  	s1 =	sld [smem:$0x3FA2]  }
0x28: {  	s2 =	sld [smem:$0x3FA3]  }
0x29: {  	s4 =	sld [smem:$0x3FA5]  }
0x2a: {  	p0 =	seq.s32 s5, $0x0;
	s5 =	sld [smem:$0x3FA6]  }
0x2b: {  	s6 =	sld [smem:$0x3FA7]  }
0x2c: {  	s7 =	sld [smem:$0x3FA8]  }
0x2d: {  	s3 =	simm.s32 $0x108;
	s8 =	sld [smem:$0x3FA9]  }
0x2e: {  	s3 =	simm.s32 @!p0 $0x1082;
	s9 =	sld [smem:$0x3FAA]  }
0x2f: {  	lr =	sadd.s32 s0, s3;
	s0 =	sld [smem:$0x3FA1]  }
0x30: {  	s3 =	sld [smem:$0x3FA4]  }
0x31: {  	[smem:$0x3FAD] =	sst s10  }
0x32: {  	s10 =	sld [smem:$0x3FAB];
	_ =	sdelay $0x3  }
0x33: {  	p0 =	seq.s32 s10, $0x1;
	s10 =	sld [smem:$0x3FAD];
	_ =	sdelay $0x3  }
0x34: {  	[smem:$0x3FAD] =	sst s10  }
0x35: {  	s10 =	sld [smem:$0x3FAC];
	_ =	sdelay $0x3  }
0x36: {  	p1 =	seq.s32 s10, $0x1;
	s10 =	sld [smem:$0x3FAD];
	_ =	sdelay $0x3  }
0x37: {  	[smem:$0x3FAD] =	sst s10  }
0x38: {  	s10 =	sld [smem:$0x3FAE]  }
0x39: {  	_ = 	snop;
	(pc) =	sbr.ind lr, $3  }
0x3a: {  	_ = 	snop  }
0x3b: {  	_ = 	snop  }
0x3c: {  	p2 =	seq.s32 s10, $0x1;
	s10 =	sld [smem:$0x3FAD]  }
0x3d: {  	_ =	shalt  }
0x3e: {  	_ =	shalt  }
0x3f: {  	_ =	shalt  }
0x40: {  	_ =	shalt  }
0x41: {  	_ =	shalt  }
0x42: {  	_ =	shalt  }
0x43: {  	_ =	shalt  }
0x44: {  	_ =	shalt  }
0x45: {  	_ =	shalt  }
0x46: {  	_ =	shalt  }
0x47: {  	_ =	shalt  }
0x48: {  	_ =	shalt  }
0x49: {  	_ =	shalt  }
0x4a: {  	_ =	shalt  }
0x4b: {  	_ =	shalt  }
0x4c: {  	_ =	shalt  }
0x4d: {  	_ =	shalt  }
0x4e: {  	_ =	shalt  }
0x4f: {  	_ =	shalt  }
0x50: {  	_ =	shalt  }
0x51: {  	_ =	shalt  }
0x52: {  	_ =	shalt  }
0x53: {  	_ =	shalt  }
0x54: {  	_ =	shalt  }
0x55: {  	_ =	shalt  }
0x56: {  	_ =	shalt  }
0x57: {  	_ =	shalt  }
0x58: {  	_ =	shalt  }
0x59: {  	_ =	shalt  }
0x5a: {  	_ =	shalt  }
0x5b: {  	_ =	shalt  }
0x5c: {  	_ =	shalt  }
0x5d: {  	_ =	shalt  }
0x5e: {  	_ =	shalt  }
0x5f: {  	_ =	shalt  }
0x60: {  	_ =	shalt  }
0x61: {  	_ =	shalt  }
0x62: {  	_ =	shalt  }
0x63: {  	_ =	shalt  }
0x64: {  	_ =	shalt  }
0x65: {  	_ =	shalt  }
0x66: {  	_ =	shalt  }
0x67: {  	_ =	shalt  }
0x68: {  	_ =	shalt  }
0x69: {  	_ =	shalt  }
0x6a: {  	_ =	shalt  }
0x6b: {  	_ =	shalt  }
0x6c: {  	_ =	shalt  }
0x6d: {  	_ =	shalt  }
0x6e: {  	_ =	shalt  }
0x6f: {  	_ =	shalt  }
0x70: {  	_ =	shalt  }
0x71: {  	_ =	shalt  }
0x72: {  	_ =	shalt  }
0x73: {  	_ =	shalt  }
0x74: {  	_ =	shalt  }
0x75: {  	_ =	shalt  }
0x76: {  	_ =	shalt  }
0x77: {  	_ =	shalt  }
0x78: {  	_ =	shalt  }
0x79: {  	_ =	shalt  }
0x7a: {  	_ =	shalt  }
0x7b: {  	_ =	shalt  }
0x7c: {  	_ =	shalt  }
0x7d: {  	_ =	shalt  }
0x7e: {  	_ =	shalt  }
0x7f: {  	_ =	shalt  }
0x80: {  	_ =	shalt  }
0x81: {  	_ =	shalt  }
0x82: {  	_ =	shalt  }
0x83: {  	_ =	shalt  }
0x84: {  	_ =	shalt  }
0x85: {  	_ =	shalt  }
0x86: {  	_ =	shalt  }
0x87: {  	_ =	shalt  }
.Lfunc_end0:
.L_simem_size_0:
called_computation.1_lowered:
.L_overlay_start_0:
0x88: {  	s2 =	sld [smem:$0x3FD9]  }
0x89: {  	s3 =	sld [smem:$0x3FFE];
	_ =	sdelay $0x1  }
0x8a: {  	s1 =	srdreg.scid  }
0x8b: {  	s0 =	sand.u32 $0x1, s1  }
0x8c: {  	s16 =	sshll.u32 s0, $0xA;
	s2 =	sadd.s32 s3, s2  }
0x8d: {  	s2 =	sadd.s32 s2, s16  }
0x8e: {  	[smem:$0x3FB9] =	sst s2  }
0x8f: {  	_ = 	snop  }
0x90: {  	(tm) =	ssettm $0x1  }
0x91: {  	s17 =	sld [smem:$0x3FFB];
	_ =	sdelay $0x3  }
0x92: {  	_ =	strace s17  }
0x93: {  	s2 =	sld [smem:$0x3FFC];
	_ =	sdelay $0x3  }
0x94: {  	_ =	strace s2  }
0x95: {  	s2 =	sld [smem:$0x3FFD];
	_ =	sdelay $0x3  }
0x96: {  	_ =	strace s2  }
0x97: {  	_ =	strace $0x8FFFFFFF  }
0x98: {  	s18 =	sld [smem:$0x3FDB];
	_ =	sdelay $0x1  }
0x99: {  	s19 =	simm.s32 $_scs_section_size  }
0x9a: {  	s4 =	simm.s32 $_size__tile_overlayer_lowered;
	s5 =	simm.s32 $_tile_overlayer_lowered  }
0x9b: {  	s22 =	simm.s32 $0x1BFF;
	s21 =	sshll.u32 s5, $0x1;
	s2 =	sadd.s32 s19, s18  }
0x9c: {  	s6 =	simm.s32 $0x0;
	s20 =	sshll.u32 s4, $0x1;
	s4 =	sadd.s32 s21, s2  }
0x9d: {  	[timem:s6], [sflag:s22] =	dma.local [hbm:s4], s20  }
0x9e: {  	_ =	swait.ge [sflag:s22], s20  }
0x9f: {  	s3 =	ssub.s32 $0x0, s20;
	[sflag:s22] =	ssyncset.done $0x0  }
0xa0: {  	[sflag:s22] =	ssyncadd.s32 s3;
	_ =	sdelay $0x1  }
0xa1: {  	s23 =	simm.s32 $0x1B8B  }
0xa2: {  	_ =	swait.ge [sflag:s23], $0x1  }
0xa3: {  	[sflag:s23] =	ssyncset.done $0x0  }
0xa4: {  	s25 =	simm.s32 $0x1B8E;
	s24 =	sld [smem:$0x3FFE];
	[sflag:s23] =	ssyncadd.s32 $0xFFFFFFFF  }
0xa5: {  	s26 =	simm.s32 $execute0_lowered;
	[smem:$0x3FD2] =	sst s25  }
0xa6: {  	s4 =	sshll.u32 s26, $0x1;
	_ =	strace $0x80000049;
	[dreg:$0x1] =	wrdreg $0xFFFFFFFF  }
0xa7: {  	s28 =	simm.s32 $_size_execute0_lowered;
	s2 =	sadd.s32 s2, s4;
	[dreg:$0x0] =	wrdreg $0x0  }
0xa8: {  	s4 =	sshll.u32 s28, $0x1;
	[dreg:$0x2] =	wrdreg s2  }
0xa9: {  	[dreg:$0x3] =	wrdreg s4  }
0xaa: {  	[dreg:$0x4] =	wrdreg $0xC0  }
0xab: {  	_ =	task [dreg:s6], $0x5FFFF  }
0xac: {  	[dreg:$0x1] =	wrdreg $0xFFFFFFFF  }
0xad: {  	[dreg:$0x0] =	wrdreg $0x60  }
0xae: {  	[dreg:$0x2] =	wrdreg s24  }
0xaf: {  	[dreg:$0x3] =	wrdreg $0x7C800  }
0xb0: {  	[dreg:$0x4] =	wrdreg $0x11C800  }
0xb1: {  	[dreg:$0x5] =	wrdreg $0x9  }
0xb2: {  	_ =	task.clear_ibuf [dreg:s6], $0x6FFFF;
	_ =	strace $0x90000049  }
0xb3: {  	s29 =	simm.s32 $0x9;
	_ =	strace $0x8000004B  }
0xb4: {  	_ =	swait.ge [sflag:s29], $0x1  }
0xb5: {  	[sflag:s29] =	ssyncadd.s32 $0xFFFFFFFF  }
0xb6: {  	_ =	strace $0x9000004B  }
0xb7: {  	_ =	sfence  }
0xb8: {  	s30 =	sld [smem:$0x0];
	_ =	sdelay $0x2  }
0xb9: {  	s31 =	sshll.u32 s1, $0xD;
	s1 =	sshrl.u32 s1, $0x2  }
0xba: {  	s3 =	sand.u32 $0x4000, s31;
	s1 =	sadd.s32 s1, s30  }
0xbb: {  	s0 =	sor.u32 s3, s0;
	s1 =	sshll.u32 s1, $0x11  }
0xbc: {  	s0 =	sor.u32 s1, s0  }
0xbd: {  	s0 =	sadd.s32 $0x8F2B, s0  }
0xbe: {  	[sflag:s0] =	ssyncadd.remote.s32 $0x1  }
0xbf: {  	_ =	sfence.sel $0xFFFF  }
0xc0: {  	[dreg:$0x0] =	wrdreg $0xFFFFFFFF;
	(pc) =	sbr.abs _section_cstart, $3  }
0xc1: {  	[dreg:$0x1] =	wrdreg $0xFFFFFFFF  }
0xc2: {  	_ =	task.clear_ibuf [dreg:s6], $0x2FFFF;
	_ =	strace $0x9FFFFFFF  }
0xc3: {  	(tm) =	ssettm $0x7FFFFFFF  }
tec
execute0_lowered:
.L_overlay_start_1:
0x0: {  	(tag) =	ssettag $0x1  }
0x1: {  	s0 =	srdreg.scid  }
0x2: {  	s16 =	stileid.u32;
	s1 =	rddreg [dreg:$0x0]  }
0x3: {  	s2 =	rddreg [dreg:$0x1];
	s24 =	simm.s32 $0x0;
	s19 =	simm.s32 $0x80  }
0x4: {  	s20 =	simm.s32 $0x5000;
	s21 =	simm.s32 $0x7000;
	s22 =	simm.s32 $0x7400  }
0x5: {  	s23 =	simm.s32 $0x1;
	s28 =	simm.s32 $0x7880;
	s29 =	simm.s32 $0x0  }
0x6: {  	s0 =	sand.u32 $0x1, s0;
	s3 =	sshll.u32 s16, $0x1;
	s9 =	smul.u32 $0xA000, s16  }
0x7: {  	[smem:$0x7FF] =	sst s24;
	s8 =	smul.u32 $0x280, s16;
	s5 =	sadd.s32 $0x68000, s1  }
0x8: {  	s6 =	sadd.s32 $0x7C000, s1;
	s12 =	smul.u32 $0x1400, s16;
	s31 =	sshll.u32 s16, $0x6  }
0x9: {  	s24 =	simm.s32 $0x2;
	s4 =	sor.u32 s0, s3;
	s3 =	rddreg [dreg:$0x2]  }
0xa: {  	_ =	strace $0x8000004A;
	s10 =	smul.u32 $0x2800, s0;
	s0 =	ssub.s32 $0x2, s0  }
0xb: {  	v0 =	vlaneseq.u32;
	s16 =	sor.u32 $0x1C04, s31;
	s7 =	smul.u32 $0x500, s4;
	s11 =	sshrl.u32 s9, $0x3  }
0xc: {  	vm0 =	vmmov $0x1;
	v1 =	vmul.u32 $0x8, v0;
	v5 =	vor.u32 $0x10, v0;
	s26 =	sshrl.u32 s12, $0x3;
	s30 =	sshrl.u32 s0, $0x1;
	s17 =	sadd.s32 s9, s2  }
0xd: {  	v8 =	vor.u32 $0x20, v0;
	v11 =	vor.u32 $0x30, v0;
	v14 =	vor.u32 $0x40, v0;
	s18 =	sadd.s32 s12, s3;
	s11 =	sadd.s32 s11, s1;
	s25 =	sadd.s32 s8, s10  }
0xe: {  	v17 =	vor.u32 $0x50, v0;
	v20 =	vor.u32 $0x60, v0;
	v23 =	vor.u32 $0x70, v0;
	s14 =	sadd.s32 s26, s1;
	s0 =	ssub.s32 s0, s30;
	s17 =	sshrl.u32 s17, $0x3  }
0xf: {  	v2 =	vor.u32 $0x4, v1;
	v3 =	vor.u32 $0x80, v1;
	v4 =	vor.u32 $0x84, v1;
	s18 =	sshrl.u32 s18, $0x3;
	s26 =	simm.s32 $0x7800;
	s10 =	sshll.u32 s25, $0x3  }
0x10: {  	v6 =	vor.u32 $0x100, v1;
	v7 =	vor.u32 $0x104, v1;
	v9 =	vor.u32 $0x180, v1;
	s13 =	sadd.s32 s7, s1;
	s9 =	sadd.s32 $0x81000, s11;
	s15 =	sadd.s32 s10, s1  }
0x11: {  	v10 =	vor.u32 $0x184, v1;
	v12 =	vor.u32 $0x200, v1;
	v13 =	vor.u32 $0x204, v1;
	s1 =	sadd.s32 s25, s1;
	s7 =	sadd.s32 $0xE000, s13;
	s8 =	sadd.s32 $0x4000, s13  }
0x12: {  	v15 =	vor.u32 $0x280, v1;
	v16 =	vor.u32 $0x284, v1;
	v18 =	vor.u32 $0x300, v1;
	s10 =	sadd.s32 $0x7E800, s14;
	s13 =	smax.u32 s0, $0x1;
	s14 =	simm.s32 $0x4  }
0x13: {  	v19 =	vor.u32 $0x304, v1;
	v21 =	vor.u32 $0x380, v1;
	v22 =	vor.u32 $0x384, v1;
	s25 =	simm.s32 $0x3;
	s11 =	sadd.s32 $0x95000, s15;
	s12 =	sadd.s32 $0xBD000, s1  }
.LBB2_1:
0x14: {  	s0 =	simm.s32 $0x0  }
0x15: {  	[tilespmem:s0], [sflag:$0x4] =	stream.linear.gather [hbm4b:s7+s0], $0x2800, $0x38;
	[tilespmem:$0x13080] =	vst v63  }
0x16: {  	_ =	swait.ge [sflag:s14], $0x2800  }
0x17: {  	[sflag:s14] =	ssyncset.done $0x0  }
0x18: {  	s1 =	simm.s32 $0x2800;
	[sflag:s14] =	ssyncadd.s32 $0xFFFFD800  }
0x19: {  	[tilespmem:s1], [sflag:$0x4] =	stream.linear.gather [hbm4b:s8+s0], $0x2800, $0x38;
	[tilespmem:$0x13080] =	vst v63  }
0x1a: {  	_ =	swait.ge [sflag:s14], $0x2800  }
0x1b: {  	[sflag:s14] =	ssyncset.done $0x0  }
0x1c: {  	[sflag:s14] =	ssyncadd.s32 $0xFFFFD800  }
0x1d: {  	[spmem:s17], [sflag:s16] =	dma.local [hbm:s9], $0x1400  }
0x1e: {  	_ =	swait.ge [sflag:s14], $0x1400  }
0x1f: {  	[sflag:s14] =	ssyncset.done $0x0  }
0x20: {  	[sflag:s14] =	ssyncadd.s32 $0xFFFFEC00  }
0x21: {  	[spmem:s18], [sflag:s16] =	dma.local [hbm:s10], $0x280  }
0x22: {  	_ =	swait.ge [sflag:s14], $0x280  }
0x23: {  	[sflag:s14] =	ssyncset.done $0x0  }
0x24: {  	[sflag:s14] =	ssyncadd.s32 $0xFFFFFD80  }
0x25: {  	s30 =	simm.s32 $0x0;
	[bflag:$0x0] =	sbarrier.arrive $0xFFFF  }
.LBB2_2:
0x26: {  	s0 =	sshll.u32 s30, $0x7  }
0x27: {  	[tilespmem:s20], [sflag:$0x1] =	stream.indirect.gather [hbm4b:s5+s19], $0x40, s0, s19, $0xb8;
	[tilespmem:$0x13080] =	vst v63  }
0x28: {  	_ = 	snop  }
0x29: {  	[tilespmem:s21], [sflag:$0x2] =	stream.indirect.gather [hbm4b:s6+s19], $0x8, s0, s19, $0xb8;
	[tilespmem:$0x13080] =	vst v63  }
0x2a: {  	s31 =	sadd.s32 $0x2800, s0  }
0x2b: {  	[tilespmem:s22], [sflag:$0x3] =	stream.indirect.gather [hbm4b:s6+s19], $0x8, s31, s19, $0xb8;
	[tilespmem:$0x13080] =	vst v63  }
0x2c: {  	_ =	swait.ge [sflag:s23], $0x2000  }
0x2d: {  	[sflag:s23] =	ssyncset.done $0x0  }
0x2e: {  	[sflag:s23] =	ssyncadd.s32 $0xFFFFE000  }
0x2f: {  	_ =	swait.ge [sflag:s24], $0x400  }
0x30: {  	[sflag:s24] =	ssyncset.done $0x0  }
0x31: {  	[sflag:s24] =	ssyncadd.s32 $0xFFFFFC00  }
0x32: {  	_ =	swait.ge [sflag:s25], $0x400  }
0x33: {  	[sflag:s25] =	ssyncset.done $0x0  }
0x34: {  	[sflag:s25] =	ssyncadd.s32 $0xFFFFFC00  }
0x35: {  	v24 =	vld.idx.msk [tilespmem:v1+s21+$0x0], $0xffff  }
0x36: {  	v25 =	vld.idx.msk [tilespmem:v2+s22+$0x0], $0xffff;
	_ =	sdelay $0x4  }
0x37: {  	v24 =	vadd.f32 v25, v24;
	_ =	sdelay $0x1  }
0x38: {  	v25 =	vmul.f32 $2.000000030e-01, v24  }
0x39: {  	vm1 =	vge.f32 v24, $0.0e+00  }
0x3a: {  	v24 =	vsel vm1, v24, v25  }
0x3b: {  	v24 =	vmul.f32 $1.442695020e+00, v24;
	_ =	sdelay $0x1  }
0x3c: {  	(erf) = vpow2.f32 v24;
	_ =	sdelay $0x8  }
0x3d: {  	v24 =	vpop (erf)  }
0x3e: {  	[tilespmem:v0+s26+$0x0] =	vst.idx.msk $0xffff, v24  }
0x3f: {  	v24 =	vld.idx.msk [tilespmem:v3+s21+$0x0], $0xffff  }
0x40: {  	v25 =	vld.idx.msk [tilespmem:v4+s22+$0x0], $0xffff;
	_ =	sdelay $0x4  }
0x41: {  	v24 =	vadd.f32 v25, v24;
	_ =	sdelay $0x1  }
0x42: {  	v25 =	vmul.f32 $2.000000030e-01, v24  }
0x43: {  	vm1 =	vge.f32 v24, $0.0e+00  }
0x44: {  	v24 =	vsel vm1, v24, v25  }
0x45: {  	v24 =	vmul.f32 $1.442695020e+00, v24;
	_ =	sdelay $0x1  }
0x46: {  	(erf) = vpow2.f32 v24;
	_ =	sdelay $0x8  }
0x47: {  	v24 =	vpop (erf)  }
0x48: {  	[tilespmem:v5+s26+$0x0] =	vst.idx.msk $0xffff, v24  }
0x49: {  	v24 =	vld.idx.msk [tilespmem:v6+s21+$0x0], $0xffff  }
0x4a: {  	v25 =	vld.idx.msk [tilespmem:v7+s22+$0x0], $0xffff;
	_ =	sdelay $0x4  }
0x4b: {  	v24 =	vadd.f32 v25, v24;
	_ =	sdelay $0x1  }
0x4c: {  	v25 =	vmul.f32 $2.000000030e-01, v24  }
0x4d: {  	vm1 =	vge.f32 v24, $0.0e+00  }
0x4e: {  	v24 =	vsel vm1, v24, v25  }
0x4f: {  	v24 =	vmul.f32 $1.442695020e+00, v24;
	_ =	sdelay $0x1  }
0x50: {  	(erf) = vpow2.f32 v24;
	_ =	sdelay $0x8  }
0x51: {  	v24 =	vpop (erf)  }
0x52: {  	[tilespmem:v8+s26+$0x0] =	vst.idx.msk $0xffff, v24  }
0x53: {  	v24 =	vld.idx.msk [tilespmem:v9+s21+$0x0], $0xffff  }
0x54: {  	v25 =	vld.idx.msk [tilespmem:v10+s22+$0x0], $0xffff;
	_ =	sdelay $0x4  }
0x55: {  	v24 =	vadd.f32 v25, v24;
	_ =	sdelay $0x1  }
0x56: {  	v25 =	vmul.f32 $2.000000030e-01, v24  }
0x57: {  	vm1 =	vge.f32 v24, $0.0e+00  }
0x58: {  	v24 =	vsel vm1, v24, v25  }
0x59: {  	v24 =	vmul.f32 $1.442695020e+00, v24;
	_ =	sdelay $0x1  }
0x5a: {  	(erf) = vpow2.f32 v24;
	_ =	sdelay $0x8  }
0x5b: {  	v24 =	vpop (erf)  }
0x5c: {  	[tilespmem:v11+s26+$0x0] =	vst.idx.msk $0xffff, v24  }
0x5d: {  	v24 =	vld.idx.msk [tilespmem:v12+s21+$0x0], $0xffff  }
0x5e: {  	v25 =	vld.idx.msk [tilespmem:v13+s22+$0x0], $0xffff;
	_ =	sdelay $0x4  }
0x5f: {  	v24 =	vadd.f32 v25, v24;
	_ =	sdelay $0x1  }
0x60: {  	v25 =	vmul.f32 $2.000000030e-01, v24  }
0x61: {  	vm1 =	vge.f32 v24, $0.0e+00  }
0x62: {  	v24 =	vsel vm1, v24, v25  }
0x63: {  	v24 =	vmul.f32 $1.442695020e+00, v24;
	_ =	sdelay $0x1  }
0x64: {  	(erf) = vpow2.f32 v24;
	_ =	sdelay $0x8  }
0x65: {  	v24 =	vpop (erf)  }
0x66: {  	[tilespmem:v14+s26+$0x0] =	vst.idx.msk $0xffff, v24  }
0x67: {  	v24 =	vld.idx.msk [tilespmem:v15+s21+$0x0], $0xffff  }
0x68: {  	v25 =	vld.idx.msk [tilespmem:v16+s22+$0x0], $0xffff;
	_ =	sdelay $0x4  }
0x69: {  	v24 =	vadd.f32 v25, v24;
	_ =	sdelay $0x1  }
0x6a: {  	v25 =	vmul.f32 $2.000000030e-01, v24  }
0x6b: {  	vm1 =	vge.f32 v24, $0.0e+00  }
0x6c: {  	v24 =	vsel vm1, v24, v25  }
0x6d: {  	v24 =	vmul.f32 $1.442695020e+00, v24;
	_ =	sdelay $0x1  }
0x6e: {  	(erf) = vpow2.f32 v24;
	_ =	sdelay $0x8  }
0x6f: {  	v24 =	vpop (erf)  }
0x70: {  	[tilespmem:v17+s26+$0x0] =	vst.idx.msk $0xffff, v24  }
0x71: {  	v24 =	vld.idx.msk [tilespmem:v18+s21+$0x0], $0xffff  }
0x72: {  	v25 =	vld.idx.msk [tilespmem:v19+s22+$0x0], $0xffff;
	_ =	sdelay $0x4  }
0x73: {  	v24 =	vadd.f32 v25, v24;
	_ =	sdelay $0x1  }
0x74: {  	v25 =	vmul.f32 $2.000000030e-01, v24  }
0x75: {  	vm1 =	vge.f32 v24, $0.0e+00  }
0x76: {  	v24 =	vsel vm1, v24, v25  }
0x77: {  	v24 =	vmul.f32 $1.442695020e+00, v24;
	_ =	sdelay $0x1  }
0x78: {  	(erf) = vpow2.f32 v24;
	_ =	sdelay $0x8  }
0x79: {  	v24 =	vpop (erf)  }
0x7a: {  	[tilespmem:v20+s26+$0x0] =	vst.idx.msk $0xffff, v24  }
0x7b: {  	v24 =	vld.idx.msk [tilespmem:v21+s21+$0x0], $0xffff  }
0x7c: {  	v25 =	vld.idx.msk [tilespmem:v22+s22+$0x0], $0xffff;
	_ =	sdelay $0x4  }
0x7d: {  	v24 =	vadd.f32 v25, v24;
	_ =	sdelay $0x1  }
0x7e: {  	v25 =	vmul.f32 $2.000000030e-01, v24  }
0x7f: {  	vm1 =	vge.f32 v24, $0.0e+00  }
0x80: {  	v24 =	vsel vm1, v24, v25  }
0x81: {  	v24 =	vmul.f32 $1.442695020e+00, v24;
	_ =	sdelay $0x1  }
0x82: {  	(erf) = vpow2.f32 v24;
	_ =	sdelay $0x6  }
0x83: {  	s15 =	simm.s32 $0x0  }
0x84: {  	v24 =	vmov s15  }
0x85: {  	v25 =	vpop (erf)  }
0x86: {  	s1 =	simm.s32 $0x5020;
	[tilespmem:v23+s26+$0x0] =	vst.idx.msk $0xffff, v25  }
0x87: {  	v25 =	vld [tilespmem:s1+$0x0]  }
0x88: {  	v26 =	vld [tilespmem:s1+$0x10]  }
0x89: {  	v29 =	vld.idx.msk [tilespmem:v24+s26+$0x0], $0xffff  }
0x8a: {  	v27 =	vld [tilespmem:s1+$0xFFFFFFE0]  }
0x8b: {  	v28 =	vld [tilespmem:s1+$0xFFFFFFF0];
	_ =	sdelay $0x2  }
0x8c: {  	v24 =	vshll.u32 v24, $0x3;
	v26 =	vmul.f32 v26, v29  }
0x8d: {  	v24 =	vadd.s32 v0, v24;
	v27 =	vmul.f32 v27, v29  }
0x8e: {  	s0 =	simm.s32 $0x1;
	s15 =	simm.s32 $0x5020;
	v28 =	vmul.f32 v28, v29;
	v25 =	vmul.f32 v25, v29;
	[tilespmem:s1+$0x10] =	vst v26;
	v26 =	vnsel vm0, $0x0, v29  }
.LBB2_3:
0x8f: {  	p0 =	sne.s32 s0, $0x7F  }
0x90: {  	[tilespmem:s1+$0xFFFFFFE0] =	vst v27;
	s15 =	sadd.s32 $0x40, s15;
	s4 =	smov.u32 s0;
	s0 =	sadd.s32 $0x1, s0  }
0x91: {  	v27 =	vmov s4;
	[tilespmem:s1+$0xFFFFFFF0] =	vst v28  }
0x92: {  	v28 =	vshll.u32 v27, $0x3;
	[tilespmem:s1+$0x0] =	vst v25;
	s1 =	smov.u32 s15  }
0x93: {  	[tilespmem:v24+s28+$0x0] =	vst.idx.msk $0xff, v26  }
0x94: {  	v25 =	vld [tilespmem:s15+$0x0]  }
0x95: {  	v24 =	vld [tilespmem:s15+$0x10]  }
0x96: {  	v26 =	vld.idx.msk [tilespmem:v27+s26+$0x0], $0xffff  }
0x97: {  	v27 =	vld [tilespmem:s15+$0xFFFFFFE0]  }
0x98: {  	v29 =	vld [tilespmem:s15+$0xFFFFFFF0];
	_ =	sdelay $0x1  }
.Ltmp0:
0x99: {  	(pc) =	sbr.rel @p0 .LBB2_3-.Ltmp0, $4  }
0x9a: {  	_ = 	snop  }
0x9b: {  	v30 =	vmul.f32 v24, v26;
	v24 =	vadd.s32 v0, v28;
	v27 =	vmul.f32 v27, v26  }
0x9c: {  	v25 =	vmul.f32 v25, v26;
	v28 =	vmul.f32 v29, v26  }
0x9d: {  	v26 =	vnsel vm0, $0x0, v26;
	[tilespmem:s15+$0x10] =	vst v30  }
0x9e: {  	_ = 	snop  }
0x9f: {  	[tilespmem:s1+$0xFFFFFFE0] =	vst v27  }
0xa0: {  	[tilespmem:s1+$0xFFFFFFF0] =	vst v28  }
0xa1: {  	[tilespmem:s1+$0x0] =	vst v25  }
0xa2: {  	[tilespmem:v24+s28+$0x0] =	vst.idx.msk $0xff, v26  }
0xa3: {  	[spmem:s2] =	stream.indirect.scatter.add.f32 [tilespmem:s20], [sflag:$0x4], $0x40, s31, s19, $0xb8;
	[tilespmem:$0x13080] =	vst v63  }
0xa4: {  	s30 =	sadd.s32 $0x1, s30;
	_ =	swait.ge [sflag:s14], $0x2000  }
0xa5: {  	p0 =	sne.s32 s30, $0x50;
	[sflag:s14] =	ssyncset.done $0x0  }
.Ltmp1:
0xa6: {  	[sflag:s14] =	ssyncadd.s32 $0xFFFFE000;
	(pc) =	sbr.rel @p0 .LBB2_2-.Ltmp1, $4  }
0xa7: {  	[spmem:s3] =	stream.indirect.scatter.add.f32 [tilespmem:s28], [sflag:$0x4], $0x8, s31, s19, $0xb8;
	[tilespmem:$0x13080] =	vst v63  }
0xa8: {  	_ =	swait.ge [sflag:s14], $0x400  }
0xa9: {  	[sflag:s14] =	ssyncset.done $0x0  }
0xaa: {  	[sflag:s14] =	ssyncadd.s32 $0xFFFFFC00  }
0xab: {  	[bflag:$0x0] =	sbarrier.arrive $0xFFFF  }
0xac: {  	[hbm:s11], [sflag:s16] =	dma.local [spmem:s17], $0x1400  }
0xad: {  	s29 =	sadd.s32 $0x1, s29;
	_ =	swait.ge [sflag:s14], $0x1400  }
0xae: {  	p0 =	sne.s32 s29, s13;
	[sflag:s14] =	ssyncset.done $0x0  }
.Ltmp2:
0xaf: {  	[sflag:s14] =	ssyncadd.s32 $0xFFFFEC00;
	(pc) =	sbr.rel @p0 .LBB2_1-.Ltmp2, $4  }
0xb0: {  	[hbm:s12], [sflag:s16] =	dma.local [spmem:s18], $0x280  }
0xb1: {  	_ =	swait.ge [sflag:s14], $0x280  }
0xb2: {  	[sflag:s14] =	ssyncset.done $0x0  }
0xb3: {  	[sflag:s14] =	ssyncadd.s32 $0xFFFFFD80  }
0xb4: {  	_ =	sfence.sel $0x180000  }
0xb5: {  	[bflag:$0x0] =	sbarrier.arrive $0xFFFF  }
0xb6: {  	_ =	strace $0x9000004A  }
0xb7: {  	s0 =	stileid.u32;
	[bflag:$0x2] =	sbarrier.arrive $0xFFFF  }
0xb8: {  	p0 =	sne.s32 s0, $0x0;
	s0 =	rddreg [dreg:$0x3]  }
0xb9: {  	s0 =	sadd.s32 @!p0 $0x100000, s0  }
0xba: {  	[sflag:s0] =	ssyncadd.tile.s32 @!p0 $0x1;
	_ =	shalt  }
.Lfunc_end2:
_tile_overlayer_lowered:
.L_overlay_start_2:
0xbb: {  	(tag) =	ssettag $0x2  }
0xbc: {  	s0 =	rddreg [dreg:$0x0];
	s2 =	stileid.u32  }
0xbd: {  	s1 =	rddreg [dreg:$0x1];
	p0 =	sne.s32 s2, $0x0  }
0xbe: {  	s3 =	rddreg [dreg:$0x2];
	[bflag:$0x3] =	sbarrier.arrive $0xFFFF;
	s2 =	simm.s32 @!p0 $0x1C04  }
0xbf: {  	[timem:s3], [sflag:s2] =	dma.local @!p0 [hbm:s0], s1  }
0xc0: {  	s0 =	simm.s32 @!p0 $0x4  }
0xc1: {  	_ =	swait.ge @!p0 [sflag:s0], s1  }
0xc2: {  	s1 =	ssub.s32 @!p0 $0x0, s1;
	[sflag:s0] =	ssyncset.done @!p0 $0x0  }
0xc3: {  	[sflag:s0] =	ssyncadd.s32 @!p0 s1  }
0xc4: {  	[bflag:$0x3] =	sbarrier.arrive $0xFFFF  }
0xc5: {  	_ =	shalt  }

// kernel: kernel.7.cloned.1.call-start
scs
__scs_entry_jumppad:
0x0: {  	(pc) =	sbr.rel $0x88, $3  }
0x1: {  	(tag) =	ssettag $0x0;
	lr =	simm.s32 $0x1  }
0x2: {  	[smem:$0x3F92] =	sst lr;
	_ =	strace $0xD0000000  }
0x3: {  	_ = 	snop  }
0x4: {  	_ = 	snop  }
0x5: {  	_ = 	snop  }
0x6: {  	_ = 	snop  }
0x7: {  	_ = 	snop  }
__scs_overlays_trampoline_lowered:
0x8: {  	[smem:$0x3FA1] =	sst s0  }
0x9: {  	[smem:$0x3FA2] =	sst s1  }
0xa: {  	[smem:$0x3FA3] =	sst s2  }
0xb: {  	[smem:$0x3FA4] =	sst s3  }
0xc: {  	[smem:$0x3FA5] =	sst s4  }
0xd: {  	[smem:$0x3FA6] =	sst s5  }
0xe: {  	[smem:$0x3FA7] =	sst s6  }
0xf: {  	[smem:$0x3FA8] =	sst s7  }
0x10: {  	[smem:$0x3FA9] =	sst s8  }
0x11: {  	[smem:$0x3FAA] =	sst s9;
	s0 =	simm.s32 @!p0 $0x0  }
0x12: {  	s1 =	sld [smem:$0x3F90];
	s0 =	simm.s32 @p0 $0x1  }
0x13: {  	[smem:$0x3FAB] =	sst s0;
	s0 =	simm.s32 @!p1 $0x0  }
0x14: {  	s2 =	sld [smem:$0x3F8F];
	s0 =	simm.s32 @p1 $0x1  }
0x15: {  	[smem:$0x3FAC] =	sst s0;
	s0 =	simm.s32 @!p2 $0x0  }
0x16: {  	s3 =	sld [smem:$0x3FDB];
	s0 =	simm.s32 @p2 $0x1  }
0x17: {  	s4 =	simm.s32 $0x1BF5;
	[smem:$0x3FAE] =	sst s0  }
0x18: {  	s0 =	sld [smem:$0x3F91];
	_ =	swait.ge [sflag:s4], $0x0  }
0x19: {  	s7 =	sld [smem:$0x3F92]  }
0x1a: {  	s8 =	sadd.s32 $0xFFFFE003, lr  }
0x1b: {  	s9 =	sadd.s32 $0xFFFFFEF7, lr;
	s5 =	simm.s32 $0xFFFFFFFF;
	p2 =	slt.u32 s8, $0xFFFFF086  }
0x1c: {  	p1 =	slt.u32 s9, $0xF7A;
	s5 =	simm.s32 @!p2 $0x0  }
0x1d: {  	s5 =	simm.s32 @p1 $0x1;
	p0 =	seq.s32 s7, s2  }
0x1e: {  	s7 =	smul.u32 @!p0 $0xF7A, s2;
	p2 =	seq.s32 @!p0 s5, $0x0  }
0x1f: {  	s9 =	smul.u32 $0xF7A, s1;
	s8 =	simm.s32 @!p0 $0x1BF5;
	p2 =	por !p2, p0  }
0x20: {  	[sflag:s8] =	ssyncset.s32 @!p0 $0xFFFFF086;
	s6 =	sadd.s32 @!p0 s3, s7;
	s7 =	simm.s32 @!p0 $0x108  }
0x21: {  	s3 =	sadd.s32 s3, s9;
	s6 =	sadd.s32 @!p0 $0x88, s6;
	s7 =	simm.s32 @p2 $0x1082  }
0x22: {  	[simem:s7], [sflag:s8] =	dma.local @!p0 [hbm:s6], $0xF7A  }
0x23: {  	s9 =	sor.u32 $0xD0000000, s2;
	s6 =	simm.s32 $0x108;
	_ =	swait.ge @!p0 [sflag:s8], $0x0  }
0x24: {  	s3 =	sadd.s32 $0x88, s3;
	s6 =	simm.s32 @!p1 $0x1082;
	[sflag:s4] =	ssyncset.s32 $0xFFFFF086  }
0x25: {  	[simem:s6], [sflag:s4] =	dma.local [hbm:s3], $0xF7A  }
0x26: {  	[smem:$0x3F92] =	sst s1;
	(tag) =	ssettag s2;
	_ =	strace s9  }
0x27: {  	s1 =	sld [smem:$0x3FA2]  }
0x28: {  	s2 =	sld [smem:$0x3FA3]  }
0x29: {  	s4 =	sld [smem:$0x3FA5]  }
0x2a: {  	p0 =	seq.s32 s5, $0x0;
	s5 =	sld [smem:$0x3FA6]  }
0x2b: {  	s6 =	sld [smem:$0x3FA7]  }
0x2c: {  	s7 =	sld [smem:$0x3FA8]  }
0x2d: {  	s3 =	simm.s32 $0x108;
	s8 =	sld [smem:$0x3FA9]  }
0x2e: {  	s3 =	simm.s32 @!p0 $0x1082;
	s9 =	sld [smem:$0x3FAA]  }
0x2f: {  	lr =	sadd.s32 s0, s3;
	s0 =	sld [smem:$0x3FA1]  }
0x30: {  	s3 =	sld [smem:$0x3FA4]  }
0x31: {  	[smem:$0x3FAD] =	sst s10  }
0x32: {  	s10 =	sld [smem:$0x3FAB];
	_ =	sdelay $0x3  }
0x33: {  	p0 =	seq.s32 s10, $0x1;
	s10 =	sld [smem:$0x3FAD];
	_ =	sdelay $0x3  }
0x34: {  	[smem:$0x3FAD] =	sst s10  }
0x35: {  	s10 =	sld [smem:$0x3FAC];
	_ =	sdelay $0x3  }
0x36: {  	p1 =	seq.s32 s10, $0x1;
	s10 =	sld [smem:$0x3FAD];
	_ =	sdelay $0x3  }
0x37: {  	[smem:$0x3FAD] =	sst s10  }
0x38: {  	s10 =	sld [smem:$0x3FAE]  }
0x39: {  	_ = 	snop;
	(pc) =	sbr.ind lr, $3  }
0x3a: {  	_ = 	snop  }
0x3b: {  	_ = 	snop  }
0x3c: {  	p2 =	seq.s32 s10, $0x1;
	s10 =	sld [smem:$0x3FAD]  }
0x3d: {  	_ =	shalt  }
0x3e: {  	_ =	shalt  }
0x3f: {  	_ =	shalt  }
0x40: {  	_ =	shalt  }
0x41: {  	_ =	shalt  }
0x42: {  	_ =	shalt  }
0x43: {  	_ =	shalt  }
0x44: {  	_ =	shalt  }
0x45: {  	_ =	shalt  }
0x46: {  	_ =	shalt  }
0x47: {  	_ =	shalt  }
0x48: {  	_ =	shalt  }
0x49: {  	_ =	shalt  }
0x4a: {  	_ =	shalt  }
0x4b: {  	_ =	shalt  }
0x4c: {  	_ =	shalt  }
0x4d: {  	_ =	shalt  }
0x4e: {  	_ =	shalt  }
0x4f: {  	_ =	shalt  }
0x50: {  	_ =	shalt  }
0x51: {  	_ =	shalt  }
0x52: {  	_ =	shalt  }
0x53: {  	_ =	shalt  }
0x54: {  	_ =	shalt  }
0x55: {  	_ =	shalt  }
0x56: {  	_ =	shalt  }
0x57: {  	_ =	shalt  }
0x58: {  	_ =	shalt  }
0x59: {  	_ =	shalt  }
0x5a: {  	_ =	shalt  }
0x5b: {  	_ =	shalt  }
0x5c: {  	_ =	shalt  }
0x5d: {  	_ =	shalt  }
0x5e: {  	_ =	shalt  }
0x5f: {  	_ =	shalt  }
0x60: {  	_ =	shalt  }
0x61: {  	_ =	shalt  }
0x62: {  	_ =	shalt  }
0x63: {  	_ =	shalt  }
0x64: {  	_ =	shalt  }
0x65: {  	_ =	shalt  }
0x66: {  	_ =	shalt  }
0x67: {  	_ =	shalt  }
0x68: {  	_ =	shalt  }
0x69: {  	_ =	shalt  }
0x6a: {  	_ =	shalt  }
0x6b: {  	_ =	shalt  }
0x6c: {  	_ =	shalt  }
0x6d: {  	_ =	shalt  }
0x6e: {  	_ =	shalt  }
0x6f: {  	_ =	shalt  }
0x70: {  	_ =	shalt  }
0x71: {  	_ =	shalt  }
0x72: {  	_ =	shalt  }
0x73: {  	_ =	shalt  }
0x74: {  	_ =	shalt  }
0x75: {  	_ =	shalt  }
0x76: {  	_ =	shalt  }
0x77: {  	_ =	shalt  }
0x78: {  	_ =	shalt  }
0x79: {  	_ =	shalt  }
0x7a: {  	_ =	shalt  }
0x7b: {  	_ =	shalt  }
0x7c: {  	_ =	shalt  }
0x7d: {  	_ =	shalt  }
0x7e: {  	_ =	shalt  }
0x7f: {  	_ =	shalt  }
0x80: {  	_ =	shalt  }
0x81: {  	_ =	shalt  }
0x82: {  	_ =	shalt  }
0x83: {  	_ =	shalt  }
0x84: {  	_ =	shalt  }
0x85: {  	_ =	shalt  }
0x86: {  	_ =	shalt  }
0x87: {  	_ =	shalt  }
.Lfunc_end0:
.L_simem_size_0:
called_computation_lowered:
.L_overlay_start_0:
0x88: {  	s2 =	sld [smem:$0x3FD9]  }
0x89: {  	s3 =	sld [smem:$0x3FFE];
	_ =	sdelay $0x1  }
0x8a: {  	s1 =	srdreg.scid  }
0x8b: {  	s0 =	sand.u32 $0x1, s1  }
0x8c: {  	s17 =	sshll.u32 s0, $0xA;
	s2 =	sadd.s32 s3, s2  }
0x8d: {  	s2 =	sadd.s32 s2, s17  }
0x8e: {  	[smem:$0x3FB9] =	sst s2  }
0x8f: {  	_ = 	snop  }
0x90: {  	s2 =	sld [smem:$0x3FD0];
	(tm) =	ssettm $0x1  }
0x91: {  	s18 =	sld [smem:$0x3FFB];
	_ =	sdelay $0x3  }
0x92: {  	_ =	strace s18  }
0x93: {  	s3 =	sld [smem:$0x3FFC];
	_ =	sdelay $0x3  }
0x94: {  	_ =	strace s3  }
0x95: {  	s3 =	sld [smem:$0x3FFD];
	_ =	sdelay $0x3  }
0x96: {  	_ =	strace s3  }
0x97: {  	_ =	strace $0x8FFFFFFF  }
0x98: {  	s19 =	sld [smem:$0x3FDB];
	_ =	sdelay $0x1  }
0x99: {  	s4 =	simm.s32 $_scs_section_size  }
0x9a: {  	s5 =	simm.s32 $_size__tile_overlayer_lowered;
	s6 =	simm.s32 $_tile_overlayer_lowered  }
0x9b: {  	s22 =	simm.s32 $0x1BFF;
	s21 =	sshll.u32 s6, $0x1;
	s3 =	sadd.s32 s4, s19  }
0x9c: {  	s7 =	simm.s32 $0x0;
	s20 =	sshll.u32 s5, $0x1;
	s5 =	sadd.s32 s21, s3  }
0x9d: {  	[timem:s7], [sflag:s22] =	dma.local [hbm:s5], s20  }
0x9e: {  	_ =	swait.ge [sflag:s22], s20  }
0x9f: {  	s4 =	ssub.s32 $0x0, s20;
	[sflag:s22] =	ssyncset.done $0x0  }
0xa0: {  	[sflag:s22] =	ssyncadd.s32 s4;
	_ =	sdelay $0x1  }
0xa1: {  	s23 =	simm.s32 $0x1B8B  }
0xa2: {  	_ =	swait.ge [sflag:s23], $0x1  }
0xa3: {  	[sflag:s23] =	ssyncset.done $0x0  }
0xa4: {  	s25 =	simm.s32 $0x1B8E;
	s24 =	sld [smem:$0x3FFE];
	[sflag:s23] =	ssyncadd.s32 $0xFFFFFFFF  }
0xa5: {  	s26 =	simm.s32 $execute0_lowered;
	[smem:$0x3FD2] =	sst s25  }
0xa6: {  	s5 =	sshll.u32 s26, $0x1;
	_ =	strace $0x80000046;
	[dreg:$0x1] =	wrdreg $0xFFFFFFFF  }
0xa7: {  	s28 =	simm.s32 $_size_execute0_lowered;
	s3 =	sadd.s32 s3, s5;
	[dreg:$0x0] =	wrdreg $0x0  }
0xa8: {  	s5 =	sshll.u32 s28, $0x1;
	[dreg:$0x2] =	wrdreg s3  }
0xa9: {  	[dreg:$0x3] =	wrdreg s5  }
0xaa: {  	[dreg:$0x4] =	wrdreg $0xC0  }
0xab: {  	_ =	task [dreg:s7], $0x5FFFF  }
0xac: {  	[dreg:$0x1] =	wrdreg $0xFFFFFFFF  }
0xad: {  	[dreg:$0x0] =	wrdreg $0x60  }
0xae: {  	[dreg:$0x2] =	wrdreg s24  }
0xaf: {  	[dreg:$0x3] =	wrdreg s2  }
0xb0: {  	[dreg:$0x4] =	wrdreg $0x9D000  }
0xb1: {  	[dreg:$0x5] =	wrdreg $0x1DD000  }
0xb2: {  	[dreg:$0x6] =	wrdreg $0x9  }
0xb3: {  	_ =	task.clear_ibuf [dreg:s7], $0x7FFFF;
	_ =	strace $0x90000046  }
0xb4: {  	s29 =	simm.s32 $0x9;
	_ =	strace $0x80000048  }
0xb5: {  	_ =	swait.ge [sflag:s29], $0x1  }
0xb6: {  	[sflag:s29] =	ssyncadd.s32 $0xFFFFFFFF  }
0xb7: {  	_ =	strace $0x90000048  }
0xb8: {  	_ =	sfence  }
0xb9: {  	s30 =	sld [smem:$0x0];
	_ =	sdelay $0x2  }
0xba: {  	s31 =	sshll.u32 s1, $0xD;
	s1 =	sshrl.u32 s1, $0x2  }
0xbb: {  	s3 =	sand.u32 $0x4000, s31;
	s1 =	sadd.s32 s1, s30  }
0xbc: {  	s0 =	sor.u32 s3, s0;
	s1 =	sshll.u32 s1, $0x11  }
0xbd: {  	s0 =	sor.u32 s1, s0  }
0xbe: {  	s0 =	sadd.s32 $0x8F2B, s0  }
0xbf: {  	[sflag:s0] =	ssyncadd.remote.s32 $0x1  }
0xc0: {  	_ =	sfence.sel $0xFFFF  }
0xc1: {  	[dreg:$0x0] =	wrdreg $0xFFFFFFFF;
	(pc) =	sbr.abs _section_cstart, $3  }
0xc2: {  	[dreg:$0x1] =	wrdreg $0xFFFFFFFF  }
0xc3: {  	_ =	task.clear_ibuf [dreg:s7], $0x2FFFF;
	_ =	strace $0x9FFFFFFF  }
0xc4: {  	(tm) =	ssettm $0x7FFFFFFF  }
0xc5: {  	_ =	shalt  }
tec
execute0_lowered:
.L_overlay_start_1:
0x0: {  	(tag) =	ssettag $0x1  }
0x1: {  	s1 =	rddreg [dreg:$0x0];
	s2 =	srdreg.scid;
	v0 =	vlaneseq.u32  }
0x2: {  	s16 =	stileid.u32;
	s0 =	rddreg [dreg:$0x1];
	v1 =	vmul.u32 $0x8, v0  }
0x3: {  	s23 =	simm.s32 $0x0;
	s19 =	simm.s32 $0x80;
	s20 =	simm.s32 $0x5000;
	v2 =	vmul.u32 $0x2, v0  }
0x4: {  	s21 =	simm.s32 $0x9000;
	s22 =	simm.s32 $0x9400;
	vm0 =	vmmov $0x1;
	vm1 =	vcmask $0x308;
	s28 =	simm.s32 $0x9900;
	v3 =	vor.u32 $0x4, v1  }
0x5: {  	s29 =	simm.s32 $0x0;
	s4 =	sand.u32 $0x1, s2;
	s9 =	smul.u32 $0x14000, s16;
	v4 =	vor.u32 $0x1, v1;
	v5 =	vor.u32 $0x5, v1;
	v6 =	vor.u32 $0x1, v2  }
0x6: {  	s3 =	sshll.u32 s16, $0x1;
	s2 =	rddreg [dreg:$0x2];
	s10 =	smul.u32 $0x1400, s16;
	v7 =	vor.u32 $0x80, v1;
	v8 =	vor.u32 $0x84, v1;
	v9 =	vor.u32 $0x20, v2  }
0x7: {  	[smem:$0x7FF] =	sst s23;
	s8 =	smul.u32 $0x280, s16;
	s6 =	sadd.s32 $0x90000, s1;
	v10 =	vor.u32 $0x81, v1;
	v11 =	vor.u32 $0x85, v1;
	v12 =	vor.u32 $0x21, v2  }
0x8: {  	s31 =	sshll.u32 s16, $0x6;
	s23 =	simm.s32 $0x1;
	s5 =	sor.u32 s4, s3;
	v13 =	vor.u32 $0x100, v1;
	v14 =	vor.u32 $0x104, v1;
	v15 =	vor.u32 $0x40, v2  }
0x9: {  	s3 =	rddreg [dreg:$0x3];
	_ =	strace $0x80000047;
	s12 =	smul.u32 $0x2800, s4;
	v16 =	vor.u32 $0x101, v1;
	v17 =	vor.u32 $0x105, v1;
	v18 =	vor.u32 $0x41, v2  }
0xa: {  	s4 =	ssub.s32 $0x2, s4;
	s16 =	sor.u32 $0x1C04, s31;
	s7 =	smul.u32 $0x500, s5;
	v19 =	vor.u32 $0x180, v1;
	v20 =	vor.u32 $0x184, v1;
	v21 =	vor.u32 $0x60, v2  }
0xb: {  	s5 =	sadd.s32 $0x40000, s1;
	s11 =	sshrl.u32 s9, $0x3;
	s24 =	sshrl.u32 s10, $0x3;
	v22 =	vor.u32 $0x181, v1;
	v23 =	vor.u32 $0x185, v1;
	v24 =	vor.u32 $0x61, v2  }
0xc: {  	s25 =	sshrl.u32 s4, $0x1;
	v25 =	vor.u32 $0x200, v1;
	v26 =	vor.u32 $0x204, v1;
	s15 =	sadd.s32 s9, s2;
	v27 =	vor.u32 $0x80, v2;
	s18 =	sadd.s32 s10, s3  }
0xd: {  	v28 =	vor.u32 $0x201, v1;
	v29 =	vor.u32 $0x205, v1;
	v30 =	vor.u32 $0x81, v2;
	s11 =	sadd.s32 s11, s1;
	s12 =	sadd.s32 s8, s12;
	s14 =	sadd.s32 s24, s1  }
0xe: {  	v31 =	vor.u32 $0x280, v1;
	v32 =	vor.u32 $0x284, v1;
	v33 =	vor.u32 $0xA0, v2;
	s4 =	ssub.s32 s4, s25;
	s17 =	sshrl.u32 s15, $0x3;
	s18 =	sshrl.u32 s18, $0x3  }
0xf: {  	v34 =	vor.u32 $0x281, v1;
	v35 =	vor.u32 $0x285, v1;
	v36 =	vor.u32 $0xA1, v2;
	s24 =	simm.s32 $0x2;
	s25 =	simm.s32 $0x3;
	s13 =	sadd.s32 s7, s1  }
0x10: {  	v37 =	vor.u32 $0x300, v1;
	v38 =	vor.u32 $0x304, v1;
	v39 =	vor.u32 $0xC0, v2;
	s1 =	sadd.s32 s12, s1;
	s9 =	sadd.s32 $0x18000, s11;
	s30 =	sshll.u32 s12, $0x4  }
0x11: {  	v40 =	vor.u32 $0x301, v1;
	v41 =	vor.u32 $0x305, v1;
	v42 =	vor.u32 $0xC1, v2;
	s10 =	sadd.s32 $0x92800, s14;
	s14 =	simm.s32 $0x4;
	s26 =	sadd.s32 $0xE000, s13  }
0x12: {  	v43 =	vor.u32 $0x380, v1;
	v44 =	vor.u32 $0x384, v1;
	v45 =	vor.u32 $0xE0, v2;
	s8 =	sadd.s32 $0x4000, s13;
	s11 =	sadd.s32 s0, s30;
	s12 =	sadd.s32 $0x95000, s1  }
0x13: {  	v46 =	vor.u32 $0x381, v1;
	v47 =	vor.u32 $0x385, v1;
	v48 =	vor.u32 $0xE1, v2;
	s13 =	smax.u32 s4, $0x1;
	[dreg:$0x5] =	wrdreg s26;
	s26 =	simm.s32 $0x9800  }
.LBB2_1:
0x14: {  	s0 =	simm.s32 $0x0;
	s1 =	rddreg [dreg:$0x5]  }
0x15: {  	[tilespmem:s0], [sflag:$0x4] =	stream.linear.gather [hbm4b:s1+s0], $0x2800, $0x38;
	[tilespmem:$0x1F100] =	vst v63  }
0x16: {  	_ =	swait.ge [sflag:s14], $0x2800  }
0x17: {  	[sflag:s14] =	ssyncset.done $0x0  }
0x18: {  	s31 =	simm.s32 $0x2800;
	[sflag:s14] =	ssyncadd.s32 $0xFFFFD800  }
0x19: {  	[tilespmem:s31], [sflag:$0x4] =	stream.linear.gather [hbm4b:s8+s0], $0x2800, $0x38;
	[tilespmem:$0x1F100] =	vst v63  }
0x1a: {  	_ =	swait.ge [sflag:s14], $0x2800  }
0x1b: {  	[sflag:s14] =	ssyncset.done $0x0  }
0x1c: {  	[sflag:s14] =	ssyncadd.s32 $0xFFFFD800  }
0x1d: {  	[spmem:s17], [sflag:s16] =	dma.local [hbm:s9], $0x2800  }
0x1e: {  	_ =	swait.ge [sflag:s14], $0x2800  }
0x1f: {  	[sflag:s14] =	ssyncset.done $0x0  }
0x20: {  	[sflag:s14] =	ssyncadd.s32 $0xFFFFD800  }
0x21: {  	[spmem:s18], [sflag:s16] =	dma.local [hbm:s10], $0x280  }
0x22: {  	_ =	swait.ge [sflag:s14], $0x280  }
0x23: {  	[sflag:s14] =	ssyncset.done $0x0  }
0x24: {  	[sflag:s14] =	ssyncadd.s32 $0xFFFFFD80  }
0x25: {  	s30 =	simm.s32 $0x0;
	[bflag:$0x0] =	sbarrier.arrive $0xFFFF  }
.LBB2_2:
0x26: {  	s0 =	sshll.u32 s30, $0x7  }
0x27: {  	[tilespmem:s20], [sflag:$0x1] =	stream.indirect.gather [hbm4b:s5+s19], $0x80, s0, s19, $0xb8;
	[tilespmem:$0x1F100] =	vst v63  }
0x28: {  	_ = 	snop  }
0x29: {  	[tilespmem:s21], [sflag:$0x2] =	stream.indirect.gather [hbm4b:s6+s19], $0x8, s0, s19, $0xb8;
	[tilespmem:$0x1F100] =	vst v63  }
0x2a: {  	s31 =	sadd.s32 $0x2800, s0  }
0x2b: {  	[tilespmem:s22], [sflag:$0x3] =	stream.indirect.gather [hbm4b:s6+s19], $0x8, s31, s19, $0xb8;
	[tilespmem:$0x1F100] =	vst v63  }
0x2c: {  	_ =	swait.ge [sflag:s23], $0x4000  }
0x2d: {  	[sflag:s23] =	ssyncset.done $0x0  }
0x2e: {  	[sflag:s23] =	ssyncadd.s32 $0xFFFFC000  }
0x2f: {  	_ =	swait.ge [sflag:s24], $0x400  }
0x30: {  	[sflag:s24] =	ssyncset.done $0x0  }
0x31: {  	[sflag:s24] =	ssyncadd.s32 $0xFFFFFC00  }
0x32: {  	_ =	swait.ge [sflag:s25], $0x400  }
0x33: {  	[sflag:s25] =	ssyncset.done $0x0  }
0x34: {  	[sflag:s25] =	ssyncadd.s32 $0xFFFFFC00  }
0x35: {  	v49 =	vld.idx.msk [tilespmem:v1+s21+$0x0], $0xffff  }
0x36: {  	v50 =	vld.idx.msk [tilespmem:v3+s22+$0x0], $0xffff;
	_ =	sdelay $0x4  }
0x37: {  	v49 =	vadd.f32 v50, v49;
	_ =	sdelay $0x1  }
0x38: {  	v50 =	vmul.f32 $2.000000030e-01, v49  }
0x39: {  	vm2 =	vge.f32 v49, $0.0e+00  }
0x3a: {  	v49 =	vsel vm2, v49, v50  }
0x3b: {  	v49 =	vmul.f32 $1.442695020e+00, v49;
	_ =	sdelay $0x1  }
0x3c: {  	(erf) = vpow2.f32 v49;
	_ =	sdelay $0x8  }
0x3d: {  	v49 =	vpop (erf)  }
0x3e: {  	[tilespmem:v2+s26+$0x0] =	vst.idx.msk $0xffff, v49  }
0x3f: {  	v49 =	vld.idx.msk [tilespmem:v4+s21+$0x0], $0xffff  }
0x40: {  	v58 =	vld.idx.msk [tilespmem:v5+s22+$0x0], $0xffff;
	_ =	sdelay $0x4  }
0x41: {  	v49 =	vadd.f32 v58, v49;
	_ =	sdelay $0x1  }
0x42: {  	v50 =	vmul.f32 $2.000000030e-01, v49  }
0x43: {  	vm2 =	vge.f32 v49, $0.0e+00  }
0x44: {  	v49 =	vsel vm2, v49, v50  }
0x45: {  	v49 =	vmul.f32 $1.442695020e+00, v49;
	_ =	sdelay $0x1  }
0x46: {  	(erf) = vpow2.f32 v49;
	_ =	sdelay $0x8  }
0x47: {  	v49 =	vpop (erf)  }
0x48: {  	[tilespmem:v6+s26+$0x0] =	vst.idx.msk $0xffff, v49  }
0x49: {  	v49 =	vld.idx.msk [tilespmem:v7+s21+$0x0], $0xffff  }
0x4a: {  	v59 =	vld.idx.msk [tilespmem:v8+s22+$0x0], $0xffff;
	_ =	sdelay $0x4  }
0x4b: {  	v49 =	vadd.f32 v59, v49;
	_ =	sdelay $0x1  }
0x4c: {  	v50 =	vmul.f32 $2.000000030e-01, v49  }
0x4d: {  	vm2 =	vge.f32 v49, $0.0e+00  }
0x4e: {  	v49 =	vsel vm2, v49, v50  }
0x4f: {  	v49 =	vmul.f32 $1.442695020e+00, v49;
	_ =	sdelay $0x1  }
0x50: {  	(erf) = vpow2.f32 v49;
	_ =	sdelay $0x8  }
0x51: {  	v49 =	vpop (erf)  }
0x52: {  	[tilespmem:v9+s26+$0x0] =	vst.idx.msk $0xffff, v49  }
0x53: {  	v49 =	vld.idx.msk [tilespmem:v10+s21+$0x0], $0xffff  }
0x54: {  	v60 =	vld.idx.msk [tilespmem:v11+s22+$0x0], $0xffff;
	_ =	sdelay $0x4  }
0x55: {  	v49 =	vadd.f32 v60, v49;
	_ =	sdelay $0x1  }
0x56: {  	v50 =	vmul.f32 $2.000000030e-01, v49  }
0x57: {  	vm2 =	vge.f32 v49, $0.0e+00  }
0x58: {  	v49 =	vsel vm2, v49, v50  }
0x59: {  	v49 =	vmul.f32 $1.442695020e+00, v49;
	_ =	sdelay $0x1  }
0x5a: {  	(erf) = vpow2.f32 v49;
	_ =	sdelay $0x8  }
0x5b: {  	v49 =	vpop (erf)  }
0x5c: {  	[tilespmem:v12+s26+$0x0] =	vst.idx.msk $0xffff, v49  }
0x5d: {  	v49 =	vld.idx.msk [tilespmem:v13+s21+$0x0], $0xffff  }
0x5e: {  	v61 =	vld.idx.msk [tilespmem:v14+s22+$0x0], $0xffff;
	_ =	sdelay $0x4  }
0x5f: {  	v49 =	vadd.f32 v61, v49;
	_ =	sdelay $0x1  }
0x60: {  	v50 =	vmul.f32 $2.000000030e-01, v49  }
0x61: {  	vm2 =	vge.f32 v49, $0.0e+00  }
0x62: {  	v49 =	vsel vm2, v49, v50  }
0x63: {  	v49 =	vmul.f32 $1.442695020e+00, v49;
	_ =	sdelay $0x1  }
0x64: {  	(erf) = vpow2.f32 v49;
	_ =	sdelay $0x8  }
0x65: {  	v49 =	vpop (erf)  }
0x66: {  	[tilespmem:v15+s26+$0x0] =	vst.idx.msk $0xffff, v49  }
0x67: {  	v49 =	vld.idx.msk [tilespmem:v16+s21+$0x0], $0xffff  }
0x68: {  	v62 =	vld.idx.msk [tilespmem:v17+s22+$0x0], $0xffff;
	_ =	sdelay $0x4  }
0x69: {  	v49 =	vadd.f32 v62, v49;
	_ =	sdelay $0x1  }
0x6a: {  	v50 =	vmul.f32 $2.000000030e-01, v49  }
0x6b: {  	vm2 =	vge.f32 v49, $0.0e+00  }
0x6c: {  	v49 =	vsel vm2, v49, v50  }
0x6d: {  	v49 =	vmul.f32 $1.442695020e+00, v49;
	_ =	sdelay $0x1  }
0x6e: {  	(erf) = vpow2.f32 v49;
	_ =	sdelay $0x8  }
0x6f: {  	v49 =	vpop (erf)  }
0x70: {  	[tilespmem:v18+s26+$0x0] =	vst.idx.msk $0xffff, v49  }
0x71: {  	v49 =	vld.idx.msk [tilespmem:v19+s21+$0x0], $0xffff  }
0x72: {  	v63 =	vld.idx.msk [tilespmem:v20+s22+$0x0], $0xffff;
	_ =	sdelay $0x4  }
0x73: {  	v49 =	vadd.f32 v63, v49;
	_ =	sdelay $0x1  }
0x74: {  	v50 =	vmul.f32 $2.000000030e-01, v49  }
0x75: {  	vm2 =	vge.f32 v49, $0.0e+00  }
0x76: {  	v49 =	vsel vm2, v49, v50  }
0x77: {  	v49 =	vmul.f32 $1.442695020e+00, v49;
	_ =	sdelay $0x1  }
0x78: {  	(erf) = vpow2.f32 v49;
	_ =	sdelay $0x8  }
0x79: {  	v49 =	vpop (erf)  }
0x7a: {  	[tilespmem:v21+s26+$0x0] =	vst.idx.msk $0xffff, v49  }
0x7b: {  	v49 =	vld.idx.msk [tilespmem:v22+s21+$0x0], $0xffff  }
0x7c: {  	v52 =	vld.idx.msk [tilespmem:v23+s22+$0x0], $0xffff;
	_ =	sdelay $0x4  }
0x7d: {  	v49 =	vadd.f32 v52, v49;
	_ =	sdelay $0x1  }
0x7e: {  	v50 =	vmul.f32 $2.000000030e-01, v49  }
0x7f: {  	vm2 =	vge.f32 v49, $0.0e+00  }
0x80: {  	v49 =	vsel vm2, v49, v50  }
0x81: {  	v49 =	vmul.f32 $1.442695020e+00, v49;
	_ =	sdelay $0x1  }
0x82: {  	(erf) = vpow2.f32 v49;
	_ =	sdelay $0x8  }
0x83: {  	v49 =	vpop (erf)  }
0x84: {  	[tilespmem:v24+s26+$0x0] =	vst.idx.msk $0xffff, v49  }
0x85: {  	v49 =	vld.idx.msk [tilespmem:v25+s21+$0x0], $0xffff  }
0x86: {  	v53 =	vld.idx.msk [tilespmem:v26+s22+$0x0], $0xffff;
	_ =	sdelay $0x4  }
0x87: {  	v49 =	vadd.f32 v53, v49;
	_ =	sdelay $0x1  }
0x88: {  	v50 =	vmul.f32 $2.000000030e-01, v49  }
0x89: {  	vm2 =	vge.f32 v49, $0.0e+00  }
0x8a: {  	v49 =	vsel vm2, v49, v50  }
0x8b: {  	v49 =	vmul.f32 $1.442695020e+00, v49;
	_ =	sdelay $0x1  }
0x8c: {  	(erf) = vpow2.f32 v49;
	_ =	sdelay $0x8  }
0x8d: {  	v49 =	vpop (erf)  }
0x8e: {  	[tilespmem:v27+s26+$0x0] =	vst.idx.msk $0xffff, v49  }
0x8f: {  	v49 =	vld.idx.msk [tilespmem:v28+s21+$0x0], $0xffff  }
0x90: {  	v54 =	vld.idx.msk [tilespmem:v29+s22+$0x0], $0xffff;
	_ =	sdelay $0x4  }
0x91: {  	v49 =	vadd.f32 v54, v49;
	_ =	sdelay $0x1  }
0x92: {  	v50 =	vmul.f32 $2.000000030e-01, v49  }
0x93: {  	vm2 =	vge.f32 v49, $0.0e+00  }
0x94: {  	v49 =	vsel vm2, v49, v50  }
0x95: {  	v49 =	vmul.f32 $1.442695020e+00, v49;
	_ =	sdelay $0x1  }
0x96: {  	(erf) = vpow2.f32 v49;
	_ =	sdelay $0x8  }
0x97: {  	v49 =	vpop (erf)  }
0x98: {  	[tilespmem:v30+s26+$0x0] =	vst.idx.msk $0xffff, v49  }
0x99: {  	v49 =	vld.idx.msk [tilespmem:v31+s21+$0x0], $0xffff  }
0x9a: {  	v55 =	vld.idx.msk [tilespmem:v32+s22+$0x0], $0xffff;
	_ =	sdelay $0x4  }
0x9b: {  	v49 =	vadd.f32 v55, v49;
	_ =	sdelay $0x1  }
0x9c: {  	v50 =	vmul.f32 $2.000000030e-01, v49  }
0x9d: {  	vm2 =	vge.f32 v49, $0.0e+00  }
0x9e: {  	v49 =	vsel vm2, v49, v50  }
0x9f: {  	v49 =	vmul.f32 $1.442695020e+00, v49;
	_ =	sdelay $0x1  }
0xa0: {  	(erf) = vpow2.f32 v49;
	_ =	sdelay $0x8  }
0xa1: {  	v49 =	vpop (erf)  }
0xa2: {  	[tilespmem:v33+s26+$0x0] =	vst.idx.msk $0xffff, v49  }
0xa3: {  	v49 =	vld.idx.msk [tilespmem:v34+s21+$0x0], $0xffff  }
0xa4: {  	v56 =	vld.idx.msk [tilespmem:v35+s22+$0x0], $0xffff;
	_ =	sdelay $0x4  }
0xa5: {  	v49 =	vadd.f32 v56, v49;
	_ =	sdelay $0x1  }
0xa6: {  	v50 =	vmul.f32 $2.000000030e-01, v49  }
0xa7: {  	vm2 =	vge.f32 v49, $0.0e+00  }
0xa8: {  	v49 =	vsel vm2, v49, v50  }
0xa9: {  	v49 =	vmul.f32 $1.442695020e+00, v49;
	_ =	sdelay $0x1  }
0xaa: {  	(erf) = vpow2.f32 v49;
	_ =	sdelay $0x8  }
0xab: {  	v49 =	vpop (erf)  }
0xac: {  	[tilespmem:v36+s26+$0x0] =	vst.idx.msk $0xffff, v49  }
0xad: {  	v49 =	vld.idx.msk [tilespmem:v37+s21+$0x0], $0xffff  }
0xae: {  	v57 =	vld.idx.msk [tilespmem:v38+s22+$0x0], $0xffff;
	_ =	sdelay $0x4  }
0xaf: {  	v49 =	vadd.f32 v57, v49;
	_ =	sdelay $0x1  }
0xb0: {  	v50 =	vmul.f32 $2.000000030e-01, v49  }
0xb1: {  	vm2 =	vge.f32 v49, $0.0e+00  }
0xb2: {  	v49 =	vsel vm2, v49, v50  }
0xb3: {  	v49 =	vmul.f32 $1.442695020e+00, v49;
	_ =	sdelay $0x1  }
0xb4: {  	(erf) = vpow2.f32 v49;
	_ =	sdelay $0x8  }
0xb5: {  	v49 =	vpop (erf)  }
0xb6: {  	[tilespmem:v39+s26+$0x0] =	vst.idx.msk $0xffff, v49  }
0xb7: {  	v49 =	vld.idx.msk [tilespmem:v40+s21+$0x0], $0xffff  }
0xb8: {  	v58 =	vld.idx.msk [tilespmem:v41+s22+$0x0], $0xffff;
	_ =	sdelay $0x4  }
0xb9: {  	v49 =	vadd.f32 v58, v49;
	_ =	sdelay $0x1  }
0xba: {  	v50 =	vmul.f32 $2.000000030e-01, v49  }
0xbb: {  	vm2 =	vge.f32 v49, $0.0e+00  }
0xbc: {  	v49 =	vsel vm2, v49, v50  }
0xbd: {  	v49 =	vmul.f32 $1.442695020e+00, v49;
	_ =	sdelay $0x1  }
0xbe: {  	(erf) = vpow2.f32 v49;
	_ =	sdelay $0x8  }
0xbf: {  	v49 =	vpop (erf)  }
0xc0: {  	[tilespmem:v42+s26+$0x0] =	vst.idx.msk $0xffff, v49  }
0xc1: {  	v49 =	vld.idx.msk [tilespmem:v43+s21+$0x0], $0xffff  }
0xc2: {  	v59 =	vld.idx.msk [tilespmem:v44+s22+$0x0], $0xffff;
	_ =	sdelay $0x4  }
0xc3: {  	v49 =	vadd.f32 v59, v49;
	_ =	sdelay $0x1  }
0xc4: {  	v50 =	vmul.f32 $2.000000030e-01, v49  }
0xc5: {  	vm2 =	vge.f32 v49, $0.0e+00  }
0xc6: {  	v49 =	vsel vm2, v49, v50  }
0xc7: {  	v49 =	vmul.f32 $1.442695020e+00, v49;
	_ =	sdelay $0x1  }
0xc8: {  	(erf) = vpow2.f32 v49;
	_ =	sdelay $0x8  }
0xc9: {  	v49 =	vpop (erf)  }
0xca: {  	[tilespmem:v45+s26+$0x0] =	vst.idx.msk $0xffff, v49  }
0xcb: {  	v49 =	vld.idx.msk [tilespmem:v46+s21+$0x0], $0xffff  }
0xcc: {  	v60 =	vld.idx.msk [tilespmem:v47+s22+$0x0], $0xffff;
	_ =	sdelay $0x4  }
0xcd: {  	v49 =	vadd.f32 v60, v49;
	_ =	sdelay $0x1  }
0xce: {  	v50 =	vmul.f32 $2.000000030e-01, v49  }
0xcf: {  	vm2 =	vge.f32 v49, $0.0e+00  }
0xd0: {  	v49 =	vsel vm2, v49, v50  }
0xd1: {  	v49 =	vmul.f32 $1.442695020e+00, v49;
	_ =	sdelay $0x1  }
0xd2: {  	(erf) = vpow2.f32 v49;
	_ =	sdelay $0x5  }
0xd3: {  	s15 =	simm.s32 $0x1  }
0xd4: {  	s0 =	simm.s32 $0x0;
	v61 =	vmov s15  }
0xd5: {  	v63 =	vmov s0  }
0xd6: {  	v51 =	vand.u32 $0xFFFFFFFE, v63;
	v62 =	vpop (erf)  }
0xd7: {  	s1 =	simm.s32 $0x5040;
	v51 =	vbroadcast v51, $0x0;
	[tilespmem:v48+s26+$0x0] =	vst.idx.msk $0xffff, v62  }
0xd8: {  	v50 =	vld [tilespmem:s1+$0x0]  }
0xd9: {  	s4 =	simm.s32 $0x0;
	v49 =	vld.idx.msk [tilespmem:v61+s26+$0x0], $0xffff  }
.LBB2_3:
0xda: {  	p0 =	sne.s32 s15, $0x7F;
	v52 =	vld [tilespmem:s1+$0x10]  }
0xdb: {  	v53 =	vld [tilespmem:s1+$0x20]  }
0xdc: {  	v54 =	vld [tilespmem:s1+$0x30]  }
0xdd: {  	v51 =	vld.idx.msk [tilespmem:v51+s26+$0x0], $0xffff  }
0xde: {  	v55 =	vld [tilespmem:s1+$0xFFFFFFC0]  }
0xdf: {  	v50 =	vmul.f32 v50, v49;
	v56 =	vld [tilespmem:s1+$0xFFFFFFD0]  }
0xe0: {  	v52 =	vmul.f32 v52, v49;
	v57 =	vld [tilespmem:s1+$0xFFFFFFE0]  }
0xe1: {  	v58 =	vld [tilespmem:s1+$0xFFFFFFF0];
	[tilespmem:s1+$0x0] =	vst v50;
	v50 =	vmul.f32 v53, v49  }
0xe2: {  	[tilespmem:s1+$0x10] =	vst v52;
	v52 =	vmul.f32 v54, v49  }
0xe3: {  	s7 =	sshll.u32 s0, $0x3;
	s0 =	smov.u32 s15;
	v53 =	vmul.f32 v55, v51;
	[tilespmem:s1+$0x20] =	vst v50  }
0xe4: {  	s4 =	sadd.s32 $0x2, s4;
	v50 =	vmul.f32 v56, v51;
	[tilespmem:s1+$0x30] =	vst v52;
	v52 =	vadd.s32 s7, v0  }
0xe5: {  	s7 =	sadd.s32 $0x1, s4;
	[tilespmem:s1+$0xFFFFFFC0] =	vst v53;
	v53 =	vmul.f32 v57, v51  }
0xe6: {  	v54 =	vmov s7;
	[tilespmem:s1+$0xFFFFFFD0] =	vst v50;
	v50 =	vmul.f32 v58, v51  }
.Ltmp0:
0xe7: {  	v55 =	vmov s4;
	v51 =	vnsel vm0, $0x0, v51;
	[tilespmem:s1+$0xFFFFFFE0] =	vst v53;
	(pc) =	sbr.rel @p0 .LBB2_3-.Ltmp0, $4  }
0xe8: {  	v53 =	vand.u32 $0xFFFFFFFE, v55;
	v49 =	vsel vm1, v51, v49;
	[tilespmem:s1+$0xFFFFFFF0] =	vst v50  }
0xe9: {  	v51 =	vbroadcast v53, $0x0;
	s1 =	sadd.s32 $0x80, s1;
	[tilespmem:v52+s28+$0x0] =	vst.idx.msk $0xff, v49  }
0xea: {  	v50 =	vld [tilespmem:s1+$0x0]  }
0xeb: {  	s15 =	sadd.s32 $0x1, s15;
	v49 =	vld.idx.msk [tilespmem:v54+s26+$0x0], $0xffff  }
0xec: {  	_ = 	snop  }
0xed: {  	v52 =	vld [tilespmem:s1+$0x10]  }
0xee: {  	v53 =	vld [tilespmem:s1+$0x20]  }
0xef: {  	v54 =	vld [tilespmem:s1+$0x30]  }
0xf0: {  	v51 =	vld.idx.msk [tilespmem:v51+s26+$0x0], $0xffff  }
0xf1: {  	v55 =	vld [tilespmem:s1+$0xFFFFFFC0]  }
0xf2: {  	v56 =	vld [tilespmem:s1+$0xFFFFFFD0];
	v50 =	vmul.f32 v50, v49  }
0xf3: {  	v57 =	vld [tilespmem:s1+$0xFFFFFFE0];
	v52 =	vmul.f32 v52, v49  }
0xf4: {  	v58 =	vld [tilespmem:s1+$0xFFFFFFF0];
	v61 =	vmul.f32 v53, v49;
	[tilespmem:s1+$0x0] =	vst v50  }
0xf5: {  	v62 =	vmul.f32 v54, v49;
	[tilespmem:s1+$0x10] =	vst v52  }
0xf6: {  	s0 =	sshll.u32 s0, $0x3;
	v63 =	vmul.f32 v55, v51;
	[tilespmem:s1+$0x20] =	vst v61  }
0xf7: {  	v60 =	vadd.s32 s0, v0;
	v59 =	vmul.f32 v56, v51;
	[tilespmem:s1+$0x30] =	vst v62  }
0xf8: {  	[tilespmem:s1+$0xFFFFFFC0] =	vst v63;
	v61 =	vmul.f32 v57, v51  }
0xf9: {  	[tilespmem:s1+$0xFFFFFFD0] =	vst v59;
	v62 =	vmul.f32 v58, v51  }
0xfa: {  	v51 =	vnsel vm0, $0x0, v51;
	[tilespmem:s1+$0xFFFFFFE0] =	vst v61  }
0xfb: {  	v63 =	vsel vm1, v51, v49;
	[tilespmem:s1+$0xFFFFFFF0] =	vst v62  }
0xfc: {  	[tilespmem:v60+s28+$0x0] =	vst.idx.msk $0xff, v63  }
0xfd: {  	[spmem:s2] =	stream.indirect.scatter.add.f32 [tilespmem:s20], [sflag:$0x4], $0x80, s31, s19, $0xb8;
	[tilespmem:$0x1F100] =	vst v63  }
0xfe: {  	s30 =	sadd.s32 $0x1, s30;
	_ =	swait.ge [sflag:s14], $0x4000  }
0xff: {  	p0 =	sne.s32 s30, $0x50;
	[sflag:s14] =	ssyncset.done $0x0  }
.Ltmp1:
0x100: {  	[sflag:s14] =	ssyncadd.s32 $0xFFFFC000;
	(pc) =	sbr.rel @p0 .LBB2_2-.Ltmp1, $4  }
0x101: {  	[spmem:s3] =	stream.indirect.scatter.add.f32 [tilespmem:s28], [sflag:$0x4], $0x8, s31, s19, $0xb8;
	[tilespmem:$0x1F100] =	vst v63  }
0x102: {  	_ =	swait.ge [sflag:s14], $0x400  }
0x103: {  	[sflag:s14] =	ssyncset.done $0x0  }
0x104: {  	[sflag:s14] =	ssyncadd.s32 $0xFFFFFC00  }
0x105: {  	[bflag:$0x0] =	sbarrier.arrive $0xFFFF  }
0x106: {  	[hbm:s11], [sflag:s16] =	dma.local [spmem:s17], $0x2800  }
0x107: {  	s29 =	sadd.s32 $0x1, s29;
	_ =	swait.ge [sflag:s14], $0x2800  }
0x108: {  	p0 =	sne.s32 s29, s13;
	[sflag:s14] =	ssyncset.done $0x0  }
.Ltmp2:
0x109: {  	[sflag:s14] =	ssyncadd.s32 $0xFFFFD800;
	(pc) =	sbr.rel @p0 .LBB2_1-.Ltmp2, $4  }
0x10a: {  	[hbm:s12], [sflag:s16] =	dma.local [spmem:s18], $0x280  }
0x10b: {  	_ =	swait.ge [sflag:s14], $0x280  }
0x10c: {  	[sflag:s14] =	ssyncset.done $0x0  }
0x10d: {  	[sflag:s14] =	ssyncadd.s32 $0xFFFFFD80  }
0x10e: {  	_ =	sfence.sel $0x180000  }
0x10f: {  	[bflag:$0x0] =	sbarrier.arrive $0xFFFF  }
0x110: {  	_ =	strace $0x90000047  }
0x111: {  	s0 =	stileid.u32;
	[bflag:$0x2] =	sbarrier.arrive $0xFFFF  }
0x112: {  	p0 =	sne.s32 s0, $0x0;
	s0 =	rddreg [dreg:$0x4]  }
0x113: {  	s0 =	sadd.s32 @!p0 $0x100000, s0  }
0x114: {  	[sflag:s0] =	ssyncadd.tile.s32 @!p0 $0x1;
	_ =	shalt  }
.Lfunc_end2:
_tile_overlayer_lowered:
.L_overlay_start_2:
0x115: {  	(tag) =	ssettag $0x2  }
0x116: {  	s0 =	rddreg [dreg:$0x0];
	s2 =	stileid.u32  }
0x117: {  	s1 =	rddreg [dreg:$0x1];
	p0 =	sne.s32 s2, $0x0  }
0x118: {  	s3 =	rddreg [dreg:$0x2];
	[bflag:$0x3] =	sbarrier.arrive $0xFFFF;
	s2 =	simm.s32 @!p0 $0x1C04  }
0x119: {  	[timem:s3], [sflag:s2] =	dma.local @!p0 [hbm:s0], s1  }
0x11a: {  	s0 =	simm.s32 @!p0 $0x4  }
0x11b: {  	_ =	swait.ge @!p0 [sflag:s0], s1  }
0x11c: {  	s1 =	ssub.s32 @!p0 $0x0, s1;
	[sflag:s0] =	ssyncset.done @!p0 $0x0  }
0x11d: {  	[sflag:s0] =	ssyncadd.s32 @!p0 s1  }
0x11e: {  	[bflag:$0x3] =	sbarrier.arrive $0xFFFF  }
0x11f: {  	_ =	shalt  }

</sc_bundles>
